<compile_context>
chip_gen: v7x
topology: tpu7x:2x2x1
jax: 0.10.2.dev20260603
libtpu: 0.0.44.dev20260713+nightly
codegen_flags: <defaults>
</compile_context>

<pallas_src>
import functools

import jax
import jax.numpy as jnp
from jax import lax
from jax.experimental import pallas as pl
from jax.experimental.pallas import tpu as pltpu
from jax.experimental.pallas import tpu_sc as plsc

D = 128
L = 16
NC = 2
NS = 16
C = 128
DEGW = 16


def _mesh():
    return plsc.VectorSubcoreMesh(
        core_axis_name="c", subcore_axis_name="s",
        num_cores=NC, num_subcores=NS)


def _make_deg_kernel(NP, CPW):
    rows_per_tile = NP // NS

    @functools.partial(
        pl.kernel,
        out_type=jax.ShapeDtypeStruct((NC * NP, DEGW), jnp.float32),
        mesh=_mesh(),
        scratch_types=[
            pltpu.VMEM((2 * CPW, C), jnp.int32),
            pltpu.VMEM((C, DEGW), jnp.float32),
            pltpu.VMEM((rows_per_tile, DEGW), jnp.float32),
            pltpu.VMEM_SHARED((NC * NP, DEGW), jnp.float32),
        ],
        compiler_params=pltpu.CompilerParams(use_tc_tiling_on_sc=False),
    )
    def deg_kernel(idx_hbm, deg_hbm, idx_v, ones_v, z_v, deg_sh):
        c = lax.axis_index("c")
        s = lax.axis_index("s")

        one16 = jnp.full((L,), 1.0, jnp.float32)
        zero16 = jnp.zeros((L,), jnp.float32)

        def fill_ones(r, _):
            ones_v[r, :] = one16
            return 0
        lax.fori_loop(0, C, fill_ones, 0)

        def fill_zeros(r, _):
            z_v[r, :] = zero16
            return 0
        lax.fori_loop(0, rows_per_tile, fill_zeros, 0)

        pltpu.sync_copy(z_v, deg_sh.at[pl.ds(s * rows_per_tile,
                                             rows_per_tile)])
        pltpu.sync_copy(z_v, deg_sh.at[pl.ds(NP + s * rows_per_tile,
                                             rows_per_tile)])
        plsc.subcore_barrier()

        pltpu.sync_copy(idx_hbm.at[s], idx_v)

        def body(i, _):
            pltpu.sync_copy(ones_v, deg_sh.at[idx_v.at[i]], add=True)
            return 0
        lax.fori_loop(c * CPW, (c + 1) * CPW, body, 0)

        plsc.subcore_barrier()
        row0 = c * NP + s * rows_per_tile
        pltpu.sync_copy(deg_sh.at[pl.ds(row0, rows_per_tile)],
                        deg_hbm.at[pl.ds(row0, rows_per_tile)])

    return deg_kernel


def _make_edge_kernel(NP, CPW):
    DH = D // NC
    rows_per_tile = NP // NS
    NB = 3

    @functools.partial(
        pl.kernel,
        out_type=(
            jax.ShapeDtypeStruct((NP, D), jnp.float32),
            jax.ShapeDtypeStruct((NC * NP, DH), jnp.float32),
        ),
        mesh=_mesh(),
        scratch_types=[
            pltpu.VMEM((CPW, C), jnp.int32),
            pltpu.VMEM((CPW, C), jnp.int32),
            pltpu.VMEM((NB, C, DH), jnp.float32),
            pltpu.VMEM_SHARED((NP, DH), jnp.float32),
            pltpu.SemaphoreType.DMA((NB,)),
        ],
        compiler_params=pltpu.CompilerParams(use_tc_tiling_on_sc=False),
    )
    def edge_kernel(h_hbm, src_hbm, dst_hbm, agg_hbm, flat_hbm,
                    src_v, dst_v, rows_v, agg_sh, sem):
        c = lax.axis_index("c")
        s = lax.axis_index("s")
        row0 = s * rows_per_tile
        col0 = pl.multiple_of(c * DH, 8)

        zero16 = jnp.zeros((L,), jnp.float32)

        def fill_zeros(r, _):
            for k in range(DH // L):
                rows_v[0, r, pl.ds(k * L, L)] = zero16
            return 0
        lax.fori_loop(0, C, fill_zeros, 0)

        zbuf = rows_v.at[0]
        nfull = rows_per_tile // C
        rem = rows_per_tile - nfull * C
        for k in range(nfull):
            pltpu.sync_copy(zbuf, agg_sh.at[pl.ds(row0 + k * C, C)])
        if rem:
            pltpu.sync_copy(zbuf.at[pl.ds(0, rem)],
                            agg_sh.at[pl.ds(row0 + nfull * C, rem)])

        for k in range(nfull):
            pltpu.sync_copy(
                h_hbm.at[pl.ds(row0 + k * C, C), pl.ds(col0, DH)],
                rows_v.at[1])
            pltpu.sync_copy(
                rows_v.at[1],
                flat_hbm.at[pl.ds(c * NP + row0 + k * C, C)])
        if rem:
            pltpu.sync_copy(
                h_hbm.at[pl.ds(row0 + nfull * C, rem), pl.ds(col0, DH)],
                rows_v.at[1, pl.ds(0, rem)])
            pltpu.sync_copy(
                rows_v.at[1, pl.ds(0, rem)],
                flat_hbm.at[pl.ds(c * NP + row0 + nfull * C, rem)])
        plsc.subcore_barrier()

        pltpu.sync_copy(src_hbm.at[c, s], src_v)
        pltpu.sync_copy(dst_hbm.at[s], dst_v)

        def gather(i, b):
            pltpu.async_copy(flat_hbm.at[src_v.at[i]], rows_v.at[b],
                             sem.at[b])

        gather(0, 0)
        gather(1, 1)

        def body(i, _):
            b = lax.rem(i, NB)

            @pl.when(i + 2 < CPW)
            def _():
                gather(i + 2, lax.rem(i + 2, NB))

            pltpu.make_async_copy(flat_hbm.at[src_v.at[i]], rows_v.at[b],
                                  sem.at[b]).wait()
            pltpu.sync_copy(rows_v.at[b], agg_sh.at[dst_v.at[i]], add=True)
            return 0
        lax.fori_loop(0, CPW, body, 0)

        plsc.subcore_barrier()
        pltpu.sync_copy(agg_sh.at[pl.ds(row0, rows_per_tile)],
                        agg_hbm.at[pl.ds(row0, rows_per_tile),
                                   pl.ds(col0, DH)])

    return edge_kernel


def _xs_body(N, x_ref, deg_ref, o_ref):
    NP = x_ref.shape[0]
    dego = deg_ref[pl.ds(0, NP), :]
    norm = lax.rsqrt(jnp.maximum(dego[:, 0:1], 1.0))
    o_ref[...] = x_ref[...] * norm


def _layer_body(N, agg_ref, deg_ref, w_ref, b_ref, o_ref):
    NP = agg_ref.shape[0]
    agg = agg_ref[...]
    degi = deg_ref[pl.ds(NP, NP), :]
    dego = deg_ref[pl.ds(0, NP), :]
    ni = lax.rsqrt(jnp.maximum(degi[:, 0:1], 1.0))
    no = lax.rsqrt(jnp.maximum(dego[:, 0:1], 1.0))
    h = jnp.dot(agg * ni, w_ref[...], preferred_element_type=jnp.float32)
    h = jnp.maximum(h + b_ref[...], 0.0)
    mask = lax.broadcasted_iota(jnp.int32, (NP, 1), 0) < N
    o_ref[...] = jnp.where(mask, h * no, 0.0)


def _final_body(N, agg_ref, deg_ref, w_ref, b_ref,
                wd1_ref, bd1_ref, wd2_ref, bd2_ref, o_ref):
    NP = agg_ref.shape[0]
    agg = agg_ref[...]
    degi = deg_ref[pl.ds(NP, NP), :]
    ni = lax.rsqrt(jnp.maximum(degi[:, 0:1], 1.0))
    h = jnp.dot(agg * ni, w_ref[...], preferred_element_type=jnp.float32)
    h = jnp.maximum(h + b_ref[...], 0.0)
    mask = lax.broadcasted_iota(jnp.int32, (NP, 1), 0) < N
    h = jnp.where(mask, h, 0.0)
    g = jnp.sum(h, axis=0, keepdims=True)
    g = jnp.dot(g, wd1_ref[...], preferred_element_type=jnp.float32)
    g = jnp.maximum(g + bd1_ref[...], 0.0)
    g = jnp.dot(g, wd2_ref[...], preferred_element_type=jnp.float32)
    o_ref[...] = g + bd2_ref[...]


def kernel(x, edge_index, W0, b0, W1, b1, Wd1, bd1, Wd2, bd2):
    N = x.shape[0]
    E = edge_index.shape[1]
    NP = ((N + 2 * D) // (2 * D)) * (2 * D)
    CPW = -(-E // (NS * C))
    EP = NS * CPW * C

    src = edge_index[0]
    dst = edge_index[1]

    npad_rows = NP - N
    pad = N + (jnp.arange(EP - E, dtype=jnp.int32) % npad_rows)
    srcp = jnp.concatenate([src, pad]).reshape(NS, CPW, C)
    dstp = jnp.concatenate([dst, pad]).reshape(NS, CPW, C)
    degidx = jnp.concatenate([srcp, dstp + NP], axis=1)
    src2 = jnp.stack([srcp, srcp + NP])

    xp = jnp.pad(x, ((0, NP - N), (0, 0)))
    b0r, b1r = b0.reshape(1, D), b1.reshape(1, D)
    bd1r, bd2r = bd1.reshape(1, D), bd2.reshape(1, D)

    deg_kernel = _make_deg_kernel(NP, CPW)
    edge_kernel = _make_edge_kernel(NP, CPW)

    deg = deg_kernel(degidx)

    xs = pl.pallas_call(
        functools.partial(_xs_body, N),
        out_shape=jax.ShapeDtypeStruct((NP, D), jnp.float32),
    )(xp, deg)

    agg1, _ = edge_kernel(xs, src2, dstp)

    h1s = pl.pallas_call(
        functools.partial(_layer_body, N),
        out_shape=jax.ShapeDtypeStruct((NP, D), jnp.float32),
    )(agg1, deg, W0, b0r)

    agg2, _ = edge_kernel(h1s, src2, dstp)

    out = pl.pallas_call(
        functools.partial(_final_body, N),
        out_shape=jax.ShapeDtypeStruct((1, D), jnp.float32),
    )(agg2, deg, W1, b1r, Wd1, bd1r, Wd2, bd2r)

    return out

# --- scband reference (transcript-rebuilt; emitter-appended) ---
"""Pipeline reference for scband-net-66846870995328 (READ-ONLY COPY).

The authoritative reference and input builder live on the scoring server;
editing this copy changes nothing except your own understanding.
"""

import jax, jax.numpy as jnp
import numpy as np

N = 10000
E = 320000
D = 128


def setup_inputs(seed: int = 0) -> dict:
    key = jax.random.key(seed)
    ks = jax.random.split(key, 12)
    s = 1.0 / np.sqrt(D)
    inp = {
        "x": jax.random.normal(ks[0], (N, D), dtype=jnp.float32),
        "edge_index": jax.random.randint(ks[1], (2, E), 0, N, dtype=jnp.int32),
        "W0": jax.random.normal(ks[2], (D, D), dtype=jnp.float32) * s,
        "b0": jnp.zeros((D,), dtype=jnp.float32),
        "W1": jax.random.normal(ks[3], (D, D), dtype=jnp.float32) * s,
        "b1": jnp.zeros((D,), dtype=jnp.float32),
        "Wd1": jax.random.normal(ks[4], (D, D), dtype=jnp.float32) * s,
        "bd1": jnp.zeros((D,), dtype=jnp.float32),
        "Wd2": jax.random.normal(ks[5], (D, D), dtype=jnp.float32) * s,
        "bd2": jnp.zeros((D,), dtype=jnp.float32),
    }
    return inp


def _gcn_layer(x, src, dst, W, b):
    # DGL GraphConv with norm='both', allow_zero_in_degree=True, activation=relu.
    # in_feats == out_feats -> aggregate first, then matmul (DGL chooses cheaper order).
    deg_out = jnp.zeros((N,), x.dtype).at[src].add(1.0)
    norm_out = jnp.where(deg_out > 0.0, deg_out, 1.0) ** -0.5
    h = x * norm_out[:, None]
    agg = jnp.zeros((N, h.shape[1]), x.dtype).at[dst].add(jnp.take(h, src, axis=0))
    deg_in = jnp.zeros((N,), x.dtype).at[dst].add(1.0)
    norm_in = jnp.where(deg_in > 0.0, deg_in, 1.0) ** -0.5
    agg = agg * norm_in[:, None]
    out = agg @ W + b
    return jax.nn.relu(out)


def reference(x, edge_index, W0, b0, W1, b1, Wd1, bd1, Wd2, bd2):
    src = edge_index[0]
    dst = edge_index[1]
    h = _gcn_layer(x, src, dst, W0, b0)
    h = _gcn_layer(h, src, dst, W1, b1)
    # dgl.readout.sum_nodes over single graph -> [1, hidden]
    g = jnp.sum(h, axis=0, keepdims=True)
    g = jax.nn.relu(g @ Wd1 + bd1)
    return g @ Wd2 + bd2

if __name__ == "__main__":
    import jax
    _d = setup_inputs()
    print(jax.jit(kernel)(*tuple(_d.values())))

</pallas_src>

<mosaic_0001>
#map = affine_map<(d0, d1) -> (0, 0)>
#map1 = affine_map<(d0, d1) -> (0, 0, 0, 0)>
#map2 = affine_map<(d0, d1) -> (0, 0, 0)>
module attributes {stable_mosaic.version = 14 : i64} {
  func.func @edge_kernel(%arg0: i32, %arg1: i32, %arg2: memref<10240x128xf32, #tpu.memory_space<hbm>>, %arg3: memref<2x16x157x128xi32, #tpu.memory_space<hbm>>, %arg4: memref<16x157x128xi32, #tpu.memory_space<hbm>>, %arg5: memref<10240x128xf32, #tpu.memory_space<hbm>>, %arg6: memref<20480x64xf32, #tpu.memory_space<hbm>>, %arg7: memref<157x128xi32, #tpu.memory_space<vmem>>, %arg8: memref<157x128xi32, #tpu.memory_space<vmem>>, %arg9: memref<3x128x64xf32, #tpu.memory_space<vmem>>, %arg10: memref<10240x64xf32, #tpu.memory_space<vmem_shared>>, %arg11: memref<3x!tpu.dma_semaphore, #tpu.memory_space<semaphore_mem>>) attributes {dimension_semantics = [#tpu.dimension_semantics<core_parallel>, #tpu.dimension_semantics<subcore_parallel>], iteration_bounds = array<i64: 2, 16>, scalar_prefetch = 0 : i64, scratch_operands = 5 : i64, tpu.core_type = #tpu.core_type<sc_vector_subcore>, window_params = [{transform_indices = #map}, {transform_indices = #map1}, {transform_indices = #map2}, {transform_indices = #map}, {transform_indices = #map}]} {
    %mul3A = arith.constant 640 : i32
    %mul3A_0 = arith.muli %arg1, %mul3A : i32
    %mul3A_1 = arith.constant 64 : i32
    %mul3A_2 = arith.muli %arg0, %mul3A_1 : i32
    %multiple_of3A = tpu.assume_multiple %mul3A_2, 8 : i32
    %broadcast_in_dim3A = arith.constant 0.000000e+00 : f32
    %broadcast_in_dim3A_3 = vector.broadcast %broadcast_in_dim3A : f32 to vector<16xf32>
    %scan3A = arith.constant 0 : i32
    %scan3A_4 = arith.constant 0 : i32
    %scan3A_5 = arith.constant 128 : i32
    %scan3A_6 = arith.addi %scan3A_4, %scan3A_5 : i32
    %scan3A_7 = arith.constant 1 : i32
    %scan3A_8 = scf.for %scan3A_105 = %scan3A_4 to %scan3A_6 step %scan3A_7 iter_args(%scan3A_106 = %scan3A) -> (i32)  : i32 {
      %swap3A = arith.constant 0 : i32
      %swap3A_107 = arith.index_cast %swap3A : i32 to index
      %swap3A_108 = arith.index_cast %scan3A_105 : i32 to index
      %swap3A_109 = arith.constant 0 : index
      %swap3A_110 = tpu.vector_load %arg9[%swap3A_107, %swap3A_108, %swap3A_109] {strides = array<i32>} : memref<3x128x64xf32, #tpu.memory_space<vmem>>, vector<1x1x16xf32>,
      %swap3A_111 = vector.shape_cast %swap3A_110 : vector<1x1x16xf32> to vector<16xf32>
      %swap3A_112 = vector.shape_cast %broadcast_in_dim3A_3 : vector<16xf32> to vector<1x1x16xf32>
      tpu.vector_store %arg9[%swap3A_107, %swap3A_108, %swap3A_109], %swap3A_112 {strides = array<i32>} : memref<3x128x64xf32, #tpu.memory_space<vmem>>, vector<1x1x16xf32>,
      %swap3A_113 = arith.constant 0 : i32
      %swap3A_114 = arith.index_cast %swap3A_113 : i32 to index
      %swap3A_115 = arith.index_cast %scan3A_105 : i32 to index
      %swap3A_116 = arith.constant 16 : index
      %swap3A_117 = tpu.vector_load %arg9[%swap3A_114, %swap3A_115, %swap3A_116] {strides = array<i32>} : memref<3x128x64xf32, #tpu.memory_space<vmem>>, vector<1x1x16xf32>,
      %swap3A_118 = vector.shape_cast %swap3A_117 : vector<1x1x16xf32> to vector<16xf32>
      %swap3A_119 = vector.shape_cast %broadcast_in_dim3A_3 : vector<16xf32> to vector<1x1x16xf32>
      tpu.vector_store %arg9[%swap3A_114, %swap3A_115, %swap3A_116], %swap3A_119 {strides = array<i32>} : memref<3x128x64xf32, #tpu.memory_space<vmem>>, vector<1x1x16xf32>,
      %swap3A_120 = arith.constant 0 : i32
      %swap3A_121 = arith.index_cast %swap3A_120 : i32 to index
      %swap3A_122 = arith.index_cast %scan3A_105 : i32 to index
      %swap3A_123 = arith.constant 32 : index
      %swap3A_124 = tpu.vector_load %arg9[%swap3A_121, %swap3A_122, %swap3A_123] {strides = array<i32>} : memref<3x128x64xf32, #tpu.memory_space<vmem>>, vector<1x1x16xf32>,
      %swap3A_125 = vector.shape_cast %swap3A_124 : vector<1x1x16xf32> to vector<16xf32>
      %swap3A_126 = vector.shape_cast %broadcast_in_dim3A_3 : vector<16xf32> to vector<1x1x16xf32>
      tpu.vector_store %arg9[%swap3A_121, %swap3A_122, %swap3A_123], %swap3A_126 {strides = array<i32>} : memref<3x128x64xf32, #tpu.memory_space<vmem>>, vector<1x1x16xf32>,
      %swap3A_127 = arith.constant 0 : i32
      %swap3A_128 = arith.index_cast %swap3A_127 : i32 to index
      %swap3A_129 = arith.index_cast %scan3A_105 : i32 to index
      %swap3A_130 = arith.constant 48 : index
      %swap3A_131 = tpu.vector_load %arg9[%swap3A_128, %swap3A_129, %swap3A_130] {strides = array<i32>} : memref<3x128x64xf32, #tpu.memory_space<vmem>>, vector<1x1x16xf32>,
      %swap3A_132 = vector.shape_cast %swap3A_131 : vector<1x1x16xf32> to vector<16xf32>
      %swap3A_133 = vector.shape_cast %broadcast_in_dim3A_3 : vector<16xf32> to vector<1x1x16xf32>
      tpu.vector_store %arg9[%swap3A_128, %swap3A_129, %swap3A_130], %swap3A_133 {strides = array<i32>} : memref<3x128x64xf32, #tpu.memory_space<vmem>>, vector<1x1x16xf32>,
      %scan3A_134 = arith.constant 0 : i32
      scf.yield %scan3A_134 : i32
    }
    %scan3A_9 = arith.constant 128 : i32
    %add3A = arith.constant 0 : i32
    %add3A_10 = arith.addi %mul3A_0, %add3A : i32
    %run_scoped3A = arith.constant 0 : i32
    "tpu.region"() ({
      %run_scoped3A_105 = tpu.sem_alloc : memref<!tpu.dma_semaphore, #tpu.memory_space<semaphore_mem>>
      %dma_start3A_106 = arith.constant 0 : i32
      %dma_start3A_107 = arith.constant 0 : i32
      %dma_start3A_108 = tpu.memref_slice %arg9[%run_scoped3A, %dma_start3A_106, %dma_start3A_107] : memref<3x128x64xf32, #tpu.memory_space<vmem>> -> memref<1x128x64xf32, #tpu.memory_space<vmem>>
      %dma_start3A_109 = tpu.memref_squeeze %dma_start3A_108 : memref<1x128x64xf32, #tpu.memory_space<vmem>> -> memref<128x64xf32, #tpu.memory_space<vmem>>
      %dma_start3A_110 = arith.constant 0 : i32
      %dma_start3A_111 = tpu.memref_slice %arg10[%add3A_10, %dma_start3A_110] : memref<10240x64xf32, #tpu.memory_space<vmem_shared>> -> memref<128x64xf32, #tpu.memory_space<vmem_shared>>
      %dma_start3A_112 = arith.constant 0 : i32
      %dma_start3A_113 = tpu.memref_slice %arg10[%add3A_10, %dma_start3A_112] : memref<10240x64xf32, #tpu.memory_space<vmem_shared>> -> memref<128x64xf32, #tpu.memory_space<vmem_shared>>
      %dma_start3A_114 = arith.constant 0 : i32
      %dma_start3A_115 = arith.constant 0 : i32
      %dma_start3A_116 = tpu.memref_slice %arg9[%run_scoped3A, %dma_start3A_114, %dma_start3A_115] : memref<3x128x64xf32, #tpu.memory_space<vmem>> -> memref<1x128x64xf32, #tpu.memory_space<vmem>>
      %dma_start3A_117 = tpu.memref_squeeze %dma_start3A_116 : memref<1x128x64xf32, #tpu.memory_space<vmem>> -> memref<128x64xf32, #tpu.memory_space<vmem>>
      tpu.enqueue_dma source(%dma_start3A_117 : memref<128x64xf32, #tpu.memory_space<vmem>>) target(%dma_start3A_113 : memref<128x64xf32, #tpu.memory_space<vmem_shared>>) target_semaphore(%run_scoped3A_105 : memref<!tpu.dma_semaphore, #tpu.memory_space<semaphore_mem>>)
      %dma_wait3A = arith.constant 0 : i32
      %dma_wait3A_118 = arith.constant 0 : i32
      %dma_wait3A_119 = tpu.memref_slice %arg9[%run_scoped3A, %dma_wait3A, %dma_wait3A_118] : memref<3x128x64xf32, #tpu.memory_space<vmem>> -> memref<1x128x64xf32, #tpu.memory_space<vmem>>
      %dma_wait3A_120 = tpu.memref_squeeze %dma_wait3A_119 : memref<1x128x64xf32, #tpu.memory_space<vmem>> -> memref<128x64xf32, #tpu.memory_space<vmem>>
      %dma_wait3A_121 = arith.constant 0 : i32
      %dma_wait3A_122 = tpu.memref_slice %arg10[%add3A_10, %dma_wait3A_121] : memref<10240x64xf32, #tpu.memory_space<vmem_shared>> -> memref<128x64xf32, #tpu.memory_space<vmem_shared>>
      %dma_wait3A_123 = arith.constant 0 : i32
      %dma_wait3A_124 = tpu.memref_slice %arg10[%add3A_10, %dma_wait3A_123] : memref<10240x64xf32, #tpu.memory_space<vmem_shared>> -> memref<128x64xf32, #tpu.memory_space<vmem_shared>>
      %dma_wait3A_125 = arith.constant 0 : i32
      %dma_wait3A_126 = arith.constant 0 : i32
      %dma_wait3A_127 = tpu.memref_slice %arg9[%run_scoped3A, %dma_wait3A_125, %dma_wait3A_126] : memref<3x128x64xf32, #tpu.memory_space<vmem>> -> memref<1x128x64xf32, #tpu.memory_space<vmem>>
      %dma_wait3A_128 = tpu.memref_squeeze %dma_wait3A_127 : memref<1x128x64xf32, #tpu.memory_space<vmem>> -> memref<128x64xf32, #tpu.memory_space<vmem>>
      tpu.wait_dma2 semaphore(%run_scoped3A_105 : memref<!tpu.dma_semaphore, #tpu.memory_space<semaphore_mem>>) src(%dma_wait3A_128 : memref<128x64xf32, #tpu.memory_space<vmem>>) dst(%dma_wait3A_124 : memref<128x64xf32, #tpu.memory_space<vmem_shared>>)
      tpu.yield
    }) : () -> ()
    %add3A_11 = arith.constant 128 : i32
    %add3A_12 = arith.addi %mul3A_0, %add3A_11 : i32
    %run_scoped3A_13 = arith.constant 0 : i32
    "tpu.region"() ({
      %run_scoped3A_105 = tpu.sem_alloc : memref<!tpu.dma_semaphore, #tpu.memory_space<semaphore_mem>>
      %dma_start3A_106 = arith.constant 0 : i32
      %dma_start3A_107 = arith.constant 0 : i32
      %dma_start3A_108 = tpu.memref_slice %arg9[%run_scoped3A_13, %dma_start3A_106, %dma_start3A_107] : memref<3x128x64xf32, #tpu.memory_space<vmem>> -> memref<1x128x64xf32, #tpu.memory_space<vmem>>
      %dma_start3A_109 = tpu.memref_squeeze %dma_start3A_108 : memref<1x128x64xf32, #tpu.memory_space<vmem>> -> memref<128x64xf32, #tpu.memory_space<vmem>>
      %dma_start3A_110 = arith.constant 0 : i32
      %dma_start3A_111 = tpu.memref_slice %arg10[%add3A_12, %dma_start3A_110] : memref<10240x64xf32, #tpu.memory_space<vmem_shared>> -> memref<128x64xf32, #tpu.memory_space<vmem_shared>>
      %dma_start3A_112 = arith.constant 0 : i32
      %dma_start3A_113 = tpu.memref_slice %arg10[%add3A_12, %dma_start3A_112] : memref<10240x64xf32, #tpu.memory_space<vmem_shared>> -> memref<128x64xf32, #tpu.memory_space<vmem_shared>>
      %dma_start3A_114 = arith.constant 0 : i32
      %dma_start3A_115 = arith.constant 0 : i32
      %dma_start3A_116 = tpu.memref_slice %arg9[%run_scoped3A_13, %dma_start3A_114, %dma_start3A_115] : memref<3x128x64xf32, #tpu.memory_space<vmem>> -> memref<1x128x64xf32, #tpu.memory_space<vmem>>
      %dma_start3A_117 = tpu.memref_squeeze %dma_start3A_116 : memref<1x128x64xf32, #tpu.memory_space<vmem>> -> memref<128x64xf32, #tpu.memory_space<vmem>>
      tpu.enqueue_dma source(%dma_start3A_117 : memref<128x64xf32, #tpu.memory_space<vmem>>) target(%dma_start3A_113 : memref<128x64xf32, #tpu.memory_space<vmem_shared>>) target_semaphore(%run_scoped3A_105 : memref<!tpu.dma_semaphore, #tpu.memory_space<semaphore_mem>>)
      %dma_wait3A = arith.constant 0 : i32
      %dma_wait3A_118 = arith.constant 0 : i32
      %dma_wait3A_119 = tpu.memref_slice %arg9[%run_scoped3A_13, %dma_wait3A, %dma_wait3A_118] : memref<3x128x64xf32, #tpu.memory_space<vmem>> -> memref<1x128x64xf32, #tpu.memory_space<vmem>>
      %dma_wait3A_120 = tpu.memref_squeeze %dma_wait3A_119 : memref<1x128x64xf32, #tpu.memory_space<vmem>> -> memref<128x64xf32, #tpu.memory_space<vmem>>
      %dma_wait3A_121 = arith.constant 0 : i32
      %dma_wait3A_122 = tpu.memref_slice %arg10[%add3A_12, %dma_wait3A_121] : memref<10240x64xf32, #tpu.memory_space<vmem_shared>> -> memref<128x64xf32, #tpu.memory_space<vmem_shared>>
      %dma_wait3A_123 = arith.constant 0 : i32
      %dma_wait3A_124 = tpu.memref_slice %arg10[%add3A_12, %dma_wait3A_123] : memref<10240x64xf32, #tpu.memory_space<vmem_shared>> -> memref<128x64xf32, #tpu.memory_space<vmem_shared>>
      %dma_wait3A_125 = arith.constant 0 : i32
      %dma_wait3A_126 = arith.constant 0 : i32
      %dma_wait3A_127 = tpu.memref_slice %arg9[%run_scoped3A_13, %dma_wait3A_125, %dma_wait3A_126] : memref<3x128x64xf32, #tpu.memory_space<vmem>> -> memref<1x128x64xf32, #tpu.memory_space<vmem>>
      %dma_wait3A_128 = tpu.memref_squeeze %dma_wait3A_127 : memref<1x128x64xf32, #tpu.memory_space<vmem>> -> memref<128x64xf32, #tpu.memory_space<vmem>>
      tpu.wait_dma2 semaphore(%run_scoped3A_105 : memref<!tpu.dma_semaphore, #tpu.memory_space<semaphore_mem>>) src(%dma_wait3A_128 : memref<128x64xf32, #tpu.memory_space<vmem>>) dst(%dma_wait3A_124 : memref<128x64xf32, #tpu.memory_space<vmem_shared>>)
      tpu.yield
    }) : () -> ()
    %add3A_14 = arith.constant 256 : i32
    %add3A_15 = arith.addi %mul3A_0, %add3A_14 : i32
    %run_scoped3A_16 = arith.constant 0 : i32
    "tpu.region"() ({
      %run_scoped3A_105 = tpu.sem_alloc : memref<!tpu.dma_semaphore, #tpu.memory_space<semaphore_mem>>
      %dma_start3A_106 = arith.constant 0 : i32
      %dma_start3A_107 = arith.constant 0 : i32
      %dma_start3A_108 = tpu.memref_slice %arg9[%run_scoped3A_16, %dma_start3A_106, %dma_start3A_107] : memref<3x128x64xf32, #tpu.memory_space<vmem>> -> memref<1x128x64xf32, #tpu.memory_space<vmem>>
      %dma_start3A_109 = tpu.memref_squeeze %dma_start3A_108 : memref<1x128x64xf32, #tpu.memory_space<vmem>> -> memref<128x64xf32, #tpu.memory_space<vmem>>
      %dma_start3A_110 = arith.constant 0 : i32
      %dma_start3A_111 = tpu.memref_slice %arg10[%add3A_15, %dma_start3A_110] : memref<10240x64xf32, #tpu.memory_space<vmem_shared>> -> memref<128x64xf32, #tpu.memory_space<vmem_shared>>
      %dma_start3A_112 = arith.constant 0 : i32
      %dma_start3A_113 = tpu.memref_slice %arg10[%add3A_15, %dma_start3A_112] : memref<10240x64xf32, #tpu.memory_space<vmem_shared>> -> memref<128x64xf32, #tpu.memory_space<vmem_shared>>
      %dma_start3A_114 = arith.constant 0 : i32
      %dma_start3A_115 = arith.constant 0 : i32
      %dma_start3A_116 = tpu.memref_slice %arg9[%run_scoped3A_16, %dma_start3A_114, %dma_start3A_115] : memref<3x128x64xf32, #tpu.memory_space<vmem>> -> memref<1x128x64xf32, #tpu.memory_space<vmem>>
      %dma_start3A_117 = tpu.memref_squeeze %dma_start3A_116 : memref<1x128x64xf32, #tpu.memory_space<vmem>> -> memref<128x64xf32, #tpu.memory_space<vmem>>
      tpu.enqueue_dma source(%dma_start3A_117 : memref<128x64xf32, #tpu.memory_space<vmem>>) target(%dma_start3A_113 : memref<128x64xf32, #tpu.memory_space<vmem_shared>>) target_semaphore(%run_scoped3A_105 : memref<!tpu.dma_semaphore, #tpu.memory_space<semaphore_mem>>)
      %dma_wait3A = arith.constant 0 : i32
      %dma_wait3A_118 = arith.constant 0 : i32
      %dma_wait3A_119 = tpu.memref_slice %arg9[%run_scoped3A_16, %dma_wait3A, %dma_wait3A_118] : memref<3x128x64xf32, #tpu.memory_space<vmem>> -> memref<1x128x64xf32, #tpu.memory_space<vmem>>
      %dma_wait3A_120 = tpu.memref_squeeze %dma_wait3A_119 : memref<1x128x64xf32, #tpu.memory_space<vmem>> -> memref<128x64xf32, #tpu.memory_space<vmem>>
      %dma_wait3A_121 = arith.constant 0 : i32
      %dma_wait3A_122 = tpu.memref_slice %arg10[%add3A_15, %dma_wait3A_121] : memref<10240x64xf32, #tpu.memory_space<vmem_shared>> -> memref<128x64xf32, #tpu.memory_space<vmem_shared>>
      %dma_wait3A_123 = arith.constant 0 : i32
      %dma_wait3A_124 = tpu.memref_slice %arg10[%add3A_15, %dma_wait3A_123] : memref<10240x64xf32, #tpu.memory_space<vmem_shared>> -> memref<128x64xf32, #tpu.memory_space<vmem_shared>>
      %dma_wait3A_125 = arith.constant 0 : i32
      %dma_wait3A_126 = arith.constant 0 : i32
      %dma_wait3A_127 = tpu.memref_slice %arg9[%run_scoped3A_16, %dma_wait3A_125, %dma_wait3A_126] : memref<3x128x64xf32, #tpu.memory_space<vmem>> -> memref<1x128x64xf32, #tpu.memory_space<vmem>>
      %dma_wait3A_128 = tpu.memref_squeeze %dma_wait3A_127 : memref<1x128x64xf32, #tpu.memory_space<vmem>> -> memref<128x64xf32, #tpu.memory_space<vmem>>
      tpu.wait_dma2 semaphore(%run_scoped3A_105 : memref<!tpu.dma_semaphore, #tpu.memory_space<semaphore_mem>>) src(%dma_wait3A_128 : memref<128x64xf32, #tpu.memory_space<vmem>>) dst(%dma_wait3A_124 : memref<128x64xf32, #tpu.memory_space<vmem_shared>>)
      tpu.yield
    }) : () -> ()
    %add3A_17 = arith.constant 384 : i32
    %add3A_18 = arith.addi %mul3A_0, %add3A_17 : i32
    %run_scoped3A_19 = arith.constant 0 : i32
    "tpu.region"() ({
      %run_scoped3A_105 = tpu.sem_alloc : memref<!tpu.dma_semaphore, #tpu.memory_space<semaphore_mem>>
      %dma_start3A_106 = arith.constant 0 : i32
      %dma_start3A_107 = arith.constant 0 : i32
      %dma_start3A_108 = tpu.memref_slice %arg9[%run_scoped3A_19, %dma_start3A_106, %dma_start3A_107] : memref<3x128x64xf32, #tpu.memory_space<vmem>> -> memref<1x128x64xf32, #tpu.memory_space<vmem>>
      %dma_start3A_109 = tpu.memref_squeeze %dma_start3A_108 : memref<1x128x64xf32, #tpu.memory_space<vmem>> -> memref<128x64xf32, #tpu.memory_space<vmem>>
      %dma_start3A_110 = arith.constant 0 : i32
      %dma_start3A_111 = tpu.memref_slice %arg10[%add3A_18, %dma_start3A_110] : memref<10240x64xf32, #tpu.memory_space<vmem_shared>> -> memref<128x64xf32, #tpu.memory_space<vmem_shared>>
      %dma_start3A_112 = arith.constant 0 : i32
      %dma_start3A_113 = tpu.memref_slice %arg10[%add3A_18, %dma_start3A_112] : memref<10240x64xf32, #tpu.memory_space<vmem_shared>> -> memref<128x64xf32, #tpu.memory_space<vmem_shared>>
      %dma_start3A_114 = arith.constant 0 : i32
      %dma_start3A_115 = arith.constant 0 : i32
      %dma_start3A_116 = tpu.memref_slice %arg9[%run_scoped3A_19, %dma_start3A_114, %dma_start3A_115] : memref<3x128x64xf32, #tpu.memory_space<vmem>> -> memref<1x128x64xf32, #tpu.memory_space<vmem>>
      %dma_start3A_117 = tpu.memref_squeeze %dma_start3A_116 : memref<1x128x64xf32, #tpu.memory_space<vmem>> -> memref<128x64xf32, #tpu.memory_space<vmem>>
      tpu.enqueue_dma source(%dma_start3A_117 : memref<128x64xf32, #tpu.memory_space<vmem>>) target(%dma_start3A_113 : memref<128x64xf32, #tpu.memory_space<vmem_shared>>) target_semaphore(%run_scoped3A_105 : memref<!tpu.dma_semaphore, #tpu.memory_space<semaphore_mem>>)
      %dma_wait3A = arith.constant 0 : i32
      %dma_wait3A_118 = arith.constant 0 : i32
      %dma_wait3A_119 = tpu.memref_slice %arg9[%run_scoped3A_19, %dma_wait3A, %dma_wait3A_118] : memref<3x128x64xf32, #tpu.memory_space<vmem>> -> memref<1x128x64xf32, #tpu.memory_space<vmem>>
      %dma_wait3A_120 = tpu.memref_squeeze %dma_wait3A_119 : memref<1x128x64xf32, #tpu.memory_space<vmem>> -> memref<128x64xf32, #tpu.memory_space<vmem>>
      %dma_wait3A_121 = arith.constant 0 : i32
      %dma_wait3A_122 = tpu.memref_slice %arg10[%add3A_18, %dma_wait3A_121] : memref<10240x64xf32, #tpu.memory_space<vmem_shared>> -> memref<128x64xf32, #tpu.memory_space<vmem_shared>>
      %dma_wait3A_123 = arith.constant 0 : i32
      %dma_wait3A_124 = tpu.memref_slice %arg10[%add3A_18, %dma_wait3A_123] : memref<10240x64xf32, #tpu.memory_space<vmem_shared>> -> memref<128x64xf32, #tpu.memory_space<vmem_shared>>
      %dma_wait3A_125 = arith.constant 0 : i32
      %dma_wait3A_126 = arith.constant 0 : i32
      %dma_wait3A_127 = tpu.memref_slice %arg9[%run_scoped3A_19, %dma_wait3A_125, %dma_wait3A_126] : memref<3x128x64xf32, #tpu.memory_space<vmem>> -> memref<1x128x64xf32, #tpu.memory_space<vmem>>
      %dma_wait3A_128 = tpu.memref_squeeze %dma_wait3A_127 : memref<1x128x64xf32, #tpu.memory_space<vmem>> -> memref<128x64xf32, #tpu.memory_space<vmem>>
      tpu.wait_dma2 semaphore(%run_scoped3A_105 : memref<!tpu.dma_semaphore, #tpu.memory_space<semaphore_mem>>) src(%dma_wait3A_128 : memref<128x64xf32, #tpu.memory_space<vmem>>) dst(%dma_wait3A_124 : memref<128x64xf32, #tpu.memory_space<vmem_shared>>)
      tpu.yield
    }) : () -> ()
    %add3A_20 = arith.constant 512 : i32
    %add3A_21 = arith.addi %mul3A_0, %add3A_20 : i32
    %run_scoped3A_22 = arith.constant 0 : i32
    "tpu.region"() ({
      %run_scoped3A_105 = tpu.sem_alloc : memref<!tpu.dma_semaphore, #tpu.memory_space<semaphore_mem>>
      %dma_start3A_106 = arith.constant 0 : i32
      %dma_start3A_107 = arith.constant 0 : i32
      %dma_start3A_108 = tpu.memref_slice %arg9[%run_scoped3A_22, %dma_start3A_106, %dma_start3A_107] : memref<3x128x64xf32, #tpu.memory_space<vmem>> -> memref<1x128x64xf32, #tpu.memory_space<vmem>>
      %dma_start3A_109 = tpu.memref_squeeze %dma_start3A_108 : memref<1x128x64xf32, #tpu.memory_space<vmem>> -> memref<128x64xf32, #tpu.memory_space<vmem>>
      %dma_start3A_110 = arith.constant 0 : i32
      %dma_start3A_111 = tpu.memref_slice %arg10[%add3A_21, %dma_start3A_110] : memref<10240x64xf32, #tpu.memory_space<vmem_shared>> -> memref<128x64xf32, #tpu.memory_space<vmem_shared>>
      %dma_start3A_112 = arith.constant 0 : i32
      %dma_start3A_113 = tpu.memref_slice %arg10[%add3A_21, %dma_start3A_112] : memref<10240x64xf32, #tpu.memory_space<vmem_shared>> -> memref<128x64xf32, #tpu.memory_space<vmem_shared>>
      %dma_start3A_114 = arith.constant 0 : i32
      %dma_start3A_115 = arith.constant 0 : i32
      %dma_start3A_116 = tpu.memref_slice %arg9[%run_scoped3A_22, %dma_start3A_114, %dma_start3A_115] : memref<3x128x64xf32, #tpu.memory_space<vmem>> -> memref<1x128x64xf32, #tpu.memory_space<vmem>>
      %dma_start3A_117 = tpu.memref_squeeze %dma_start3A_116 : memref<1x128x64xf32, #tpu.memory_space<vmem>> -> memref<128x64xf32, #tpu.memory_space<vmem>>
      tpu.enqueue_dma source(%dma_start3A_117 : memref<128x64xf32, #tpu.memory_space<vmem>>) target(%dma_start3A_113 : memref<128x64xf32, #tpu.memory_space<vmem_shared>>) target_semaphore(%run_scoped3A_105 : memref<!tpu.dma_semaphore, #tpu.memory_space<semaphore_mem>>)
      %dma_wait3A = arith.constant 0 : i32
      %dma_wait3A_118 = arith.constant 0 : i32
      %dma_wait3A_119 = tpu.memref_slice %arg9[%run_scoped3A_22, %dma_wait3A, %dma_wait3A_118] : memref<3x128x64xf32, #tpu.memory_space<vmem>> -> memref<1x128x64xf32, #tpu.memory_space<vmem>>
      %dma_wait3A_120 = tpu.memref_squeeze %dma_wait3A_119 : memref<1x128x64xf32, #tpu.memory_space<vmem>> -> memref<128x64xf32, #tpu.memory_space<vmem>>
      %dma_wait3A_121 = arith.constant 0 : i32
      %dma_wait3A_122 = tpu.memref_slice %arg10[%add3A_21, %dma_wait3A_121] : memref<10240x64xf32, #tpu.memory_space<vmem_shared>> -> memref<128x64xf32, #tpu.memory_space<vmem_shared>>
      %dma_wait3A_123 = arith.constant 0 : i32
      %dma_wait3A_124 = tpu.memref_slice %arg10[%add3A_21, %dma_wait3A_123] : memref<10240x64xf32, #tpu.memory_space<vmem_shared>> -> memref<128x64xf32, #tpu.memory_space<vmem_shared>>
      %dma_wait3A_125 = arith.constant 0 : i32
      %dma_wait3A_126 = arith.constant 0 : i32
      %dma_wait3A_127 = tpu.memref_slice %arg9[%run_scoped3A_22, %dma_wait3A_125, %dma_wait3A_126] : memref<3x128x64xf32, #tpu.memory_space<vmem>> -> memref<1x128x64xf32, #tpu.memory_space<vmem>>
      %dma_wait3A_128 = tpu.memref_squeeze %dma_wait3A_127 : memref<1x128x64xf32, #tpu.memory_space<vmem>> -> memref<128x64xf32, #tpu.memory_space<vmem>>
      tpu.wait_dma2 semaphore(%run_scoped3A_105 : memref<!tpu.dma_semaphore, #tpu.memory_space<semaphore_mem>>) src(%dma_wait3A_128 : memref<128x64xf32, #tpu.memory_space<vmem>>) dst(%dma_wait3A_124 : memref<128x64xf32, #tpu.memory_space<vmem_shared>>)
      tpu.yield
    }) : () -> ()
    %add3A_23 = arith.constant 0 : i32
    %add3A_24 = arith.addi %mul3A_0, %add3A_23 : i32
    %run_scoped3A_25 = arith.constant 1 : i32
    "tpu.region"() ({
      %run_scoped3A_105 = tpu.sem_alloc : memref<!tpu.dma_semaphore, #tpu.memory_space<semaphore_mem>>
      %dma_start3A_106 = arith.constant 0 : i32
      %dma_start3A_107 = arith.constant 0 : i32
      %dma_start3A_108 = tpu.memref_slice %arg9[%run_scoped3A_25, %dma_start3A_106, %dma_start3A_107] : memref<3x128x64xf32, #tpu.memory_space<vmem>> -> memref<1x128x64xf32, #tpu.memory_space<vmem>>
      %dma_start3A_109 = tpu.memref_squeeze %dma_start3A_108 : memref<1x128x64xf32, #tpu.memory_space<vmem>> -> memref<128x64xf32, #tpu.memory_space<vmem>>
      %dma_start3A_110 = tpu.memref_slice %arg2[%add3A_24, %multiple_of3A] : memref<10240x128xf32, #tpu.memory_space<hbm>> -> memref<128x64xf32, #tpu.memory_space<hbm>>
      %dma_start3A_111 = arith.constant 0 : i32
      %dma_start3A_112 = arith.constant 0 : i32
      %dma_start3A_113 = tpu.memref_slice %arg9[%run_scoped3A_25, %dma_start3A_111, %dma_start3A_112] : memref<3x128x64xf32, #tpu.memory_space<vmem>> -> memref<1x128x64xf32, #tpu.memory_space<vmem>>
      %dma_start3A_114 = tpu.memref_squeeze %dma_start3A_113 : memref<1x128x64xf32, #tpu.memory_space<vmem>> -> memref<128x64xf32, #tpu.memory_space<vmem>>
      %dma_start3A_115 = tpu.memref_slice %arg2[%add3A_24, %multiple_of3A] : memref<10240x128xf32, #tpu.memory_space<hbm>> -> memref<128x64xf32, #tpu.memory_space<hbm>>
      tpu.enqueue_dma source(%dma_start3A_115 : memref<128x64xf32, #tpu.memory_space<hbm>>) target(%dma_start3A_114 : memref<128x64xf32, #tpu.memory_space<vmem>>) target_semaphore(%run_scoped3A_105 : memref<!tpu.dma_semaphore, #tpu.memory_space<semaphore_mem>>)
      %dma_wait3A = arith.constant 0 : i32
      %dma_wait3A_116 = arith.constant 0 : i32
      %dma_wait3A_117 = tpu.memref_slice %arg9[%run_scoped3A_25, %dma_wait3A, %dma_wait3A_116] : memref<3x128x64xf32, #tpu.memory_space<vmem>> -> memref<1x128x64xf32, #tpu.memory_space<vmem>>
      %dma_wait3A_118 = tpu.memref_squeeze %dma_wait3A_117 : memref<1x128x64xf32, #tpu.memory_space<vmem>> -> memref<128x64xf32, #tpu.memory_space<vmem>>
      %dma_wait3A_119 = tpu.memref_slice %arg2[%add3A_24, %multiple_of3A] : memref<10240x128xf32, #tpu.memory_space<hbm>> -> memref<128x64xf32, #tpu.memory_space<hbm>>
      %dma_wait3A_120 = arith.constant 0 : i32
      %dma_wait3A_121 = arith.constant 0 : i32
      %dma_wait3A_122 = tpu.memref_slice %arg9[%run_scoped3A_25, %dma_wait3A_120, %dma_wait3A_121] : memref<3x128x64xf32, #tpu.memory_space<vmem>> -> memref<1x128x64xf32, #tpu.memory_space<vmem>>
      %dma_wait3A_123 = tpu.memref_squeeze %dma_wait3A_122 : memref<1x128x64xf32, #tpu.memory_space<vmem>> -> memref<128x64xf32, #tpu.memory_space<vmem>>
      %dma_wait3A_124 = tpu.memref_slice %arg2[%add3A_24, %multiple_of3A] : memref<10240x128xf32, #tpu.memory_space<hbm>> -> memref<128x64xf32, #tpu.memory_space<hbm>>
      tpu.wait_dma2 semaphore(%run_scoped3A_105 : memref<!tpu.dma_semaphore, #tpu.memory_space<semaphore_mem>>) src(%dma_wait3A_124 : memref<128x64xf32, #tpu.memory_space<hbm>>) dst(%dma_wait3A_123 : memref<128x64xf32, #tpu.memory_space<vmem>>)
      tpu.yield
    }) : () -> ()
    %mul3A_26 = arith.constant 10240 : i32
    %mul3A_27 = arith.muli %arg0, %mul3A_26 : i32
    %add3A_28 = arith.addi %mul3A_27, %mul3A_0 : i32
    %add3A_29 = arith.constant 0 : i32
    %add3A_30 = arith.addi %add3A_28, %add3A_29 : i32
    %run_scoped3A_31 = arith.constant 1 : i32
    "tpu.region"() ({
      %run_scoped3A_105 = tpu.sem_alloc : memref<!tpu.dma_semaphore, #tpu.memory_space<semaphore_mem>>
      %dma_start3A_106 = arith.constant 0 : i32
      %dma_start3A_107 = arith.constant 0 : i32
      %dma_start3A_108 = tpu.memref_slice %arg9[%run_scoped3A_31, %dma_start3A_106, %dma_start3A_107] : memref<3x128x64xf32, #tpu.memory_space<vmem>> -> memref<1x128x64xf32, #tpu.memory_space<vmem>>
      %dma_start3A_109 = tpu.memref_squeeze %dma_start3A_108 : memref<1x128x64xf32, #tpu.memory_space<vmem>> -> memref<128x64xf32, #tpu.memory_space<vmem>>
      %dma_start3A_110 = arith.constant 0 : i32
      %dma_start3A_111 = tpu.memref_slice %arg6[%add3A_30, %dma_start3A_110] : memref<20480x64xf32, #tpu.memory_space<hbm>> -> memref<128x64xf32, #tpu.memory_space<hbm>>
      %dma_start3A_112 = arith.constant 0 : i32
      %dma_start3A_113 = tpu.memref_slice %arg6[%add3A_30, %dma_start3A_112] : memref<20480x64xf32, #tpu.memory_space<hbm>> -> memref<128x64xf32, #tpu.memory_space<hbm>>
      %dma_start3A_114 = arith.constant 0 : i32
      %dma_start3A_115 = arith.constant 0 : i32
      %dma_start3A_116 = tpu.memref_slice %arg9[%run_scoped3A_31, %dma_start3A_114, %dma_start3A_115] : memref<3x128x64xf32, #tpu.memory_space<vmem>> -> memref<1x128x64xf32, #tpu.memory_space<vmem>>
      %dma_start3A_117 = tpu.memref_squeeze %dma_start3A_116 : memref<1x128x64xf32, #tpu.memory_space<vmem>> -> memref<128x64xf32, #tpu.memory_space<vmem>>
      tpu.enqueue_dma source(%dma_start3A_117 : memref<128x64xf32, #tpu.memory_space<vmem>>) target(%dma_start3A_113 : memref<128x64xf32, #tpu.memory_space<hbm>>) target_semaphore(%run_scoped3A_105 : memref<!tpu.dma_semaphore, #tpu.memory_space<semaphore_mem>>)
      %dma_wait3A = arith.constant 0 : i32
      %dma_wait3A_118 = arith.constant 0 : i32
      %dma_wait3A_119 = tpu.memref_slice %arg9[%run_scoped3A_31, %dma_wait3A, %dma_wait3A_118] : memref<3x128x64xf32, #tpu.memory_space<vmem>> -> memref<1x128x64xf32, #tpu.memory_space<vmem>>
      %dma_wait3A_120 = tpu.memref_squeeze %dma_wait3A_119 : memref<1x128x64xf32, #tpu.memory_space<vmem>> -> memref<128x64xf32, #tpu.memory_space<vmem>>
      %dma_wait3A_121 = arith.constant 0 : i32
      %dma_wait3A_122 = tpu.memref_slice %arg6[%add3A_30, %dma_wait3A_121] : memref<20480x64xf32, #tpu.memory_space<hbm>> -> memref<128x64xf32, #tpu.memory_space<hbm>>
      %dma_wait3A_123 = arith.constant 0 : i32
      %dma_wait3A_124 = tpu.memref_slice %arg6[%add3A_30, %dma_wait3A_123] : memref<20480x64xf32, #tpu.memory_space<hbm>> -> memref<128x64xf32, #tpu.memory_space<hbm>>
      %dma_wait3A_125 = arith.constant 0 : i32
      %dma_wait3A_126 = arith.constant 0 : i32
      %dma_wait3A_127 = tpu.memref_slice %arg9[%run_scoped3A_31, %dma_wait3A_125, %dma_wait3A_126] : memref<3x128x64xf32, #tpu.memory_space<vmem>> -> memref<1x128x64xf32, #tpu.memory_space<vmem>>
      %dma_wait3A_128 = tpu.memref_squeeze %dma_wait3A_127 : memref<1x128x64xf32, #tpu.memory_space<vmem>> -> memref<128x64xf32, #tpu.memory_space<vmem>>
      tpu.wait_dma2 semaphore(%run_scoped3A_105 : memref<!tpu.dma_semaphore, #tpu.memory_space<semaphore_mem>>) src(%dma_wait3A_128 : memref<128x64xf32, #tpu.memory_space<vmem>>) dst(%dma_wait3A_124 : memref<128x64xf32, #tpu.memory_space<hbm>>)
      tpu.yield
    }) : () -> ()
    %add3A_32 = arith.constant 128 : i32
    %add3A_33 = arith.addi %mul3A_0, %add3A_32 : i32
    %run_scoped3A_34 = arith.constant 1 : i32
    "tpu.region"() ({
      %run_scoped3A_105 = tpu.sem_alloc : memref<!tpu.dma_semaphore, #tpu.memory_space<semaphore_mem>>
      %dma_start3A_106 = arith.constant 0 : i32
      %dma_start3A_107 = arith.constant 0 : i32
      %dma_start3A_108 = tpu.memref_slice %arg9[%run_scoped3A_34, %dma_start3A_106, %dma_start3A_107] : memref<3x128x64xf32, #tpu.memory_space<vmem>> -> memref<1x128x64xf32, #tpu.memory_space<vmem>>
      %dma_start3A_109 = tpu.memref_squeeze %dma_start3A_108 : memref<1x128x64xf32, #tpu.memory_space<vmem>> -> memref<128x64xf32, #tpu.memory_space<vmem>>
      %dma_start3A_110 = tpu.memref_slice %arg2[%add3A_33, %multiple_of3A] : memref<10240x128xf32, #tpu.memory_space<hbm>> -> memref<128x64xf32, #tpu.memory_space<hbm>>
      %dma_start3A_111 = arith.constant 0 : i32
      %dma_start3A_112 = arith.constant 0 : i32
      %dma_start3A_113 = tpu.memref_slice %arg9[%run_scoped3A_34, %dma_start3A_111, %dma_start3A_112] : memref<3x128x64xf32, #tpu.memory_space<vmem>> -> memref<1x128x64xf32, #tpu.memory_space<vmem>>
      %dma_start3A_114 = tpu.memref_squeeze %dma_start3A_113 : memref<1x128x64xf32, #tpu.memory_space<vmem>> -> memref<128x64xf32, #tpu.memory_space<vmem>>
      %dma_start3A_115 = tpu.memref_slice %arg2[%add3A_33, %multiple_of3A] : memref<10240x128xf32, #tpu.memory_space<hbm>> -> memref<128x64xf32, #tpu.memory_space<hbm>>
      tpu.enqueue_dma source(%dma_start3A_115 : memref<128x64xf32, #tpu.memory_space<hbm>>) target(%dma_start3A_114 : memref<128x64xf32, #tpu.memory_space<vmem>>) target_semaphore(%run_scoped3A_105 : memref<!tpu.dma_semaphore, #tpu.memory_space<semaphore_mem>>)
      %dma_wait3A = arith.constant 0 : i32
      %dma_wait3A_116 = arith.constant 0 : i32
      %dma_wait3A_117 = tpu.memref_slice %arg9[%run_scoped3A_34, %dma_wait3A, %dma_wait3A_116] : memref<3x128x64xf32, #tpu.memory_space<vmem>> -> memref<1x128x64xf32, #tpu.memory_space<vmem>>
      %dma_wait3A_118 = tpu.memref_squeeze %dma_wait3A_117 : memref<1x128x64xf32, #tpu.memory_space<vmem>> -> memref<128x64xf32, #tpu.memory_space<vmem>>
      %dma_wait3A_119 = tpu.memref_slice %arg2[%add3A_33, %multiple_of3A] : memref<10240x128xf32, #tpu.memory_space<hbm>> -> memref<128x64xf32, #tpu.memory_space<hbm>>
      %dma_wait3A_120 = arith.constant 0 : i32
      %dma_wait3A_121 = arith.constant 0 : i32
      %dma_wait3A_122 = tpu.memref_slice %arg9[%run_scoped3A_34, %dma_wait3A_120, %dma_wait3A_121] : memref<3x128x64xf32, #tpu.memory_space<vmem>> -> memref<1x128x64xf32, #tpu.memory_space<vmem>>
      %dma_wait3A_123 = tpu.memref_squeeze %dma_wait3A_122 : memref<1x128x64xf32, #tpu.memory_space<vmem>> -> memref<128x64xf32, #tpu.memory_space<vmem>>
      %dma_wait3A_124 = tpu.memref_slice %arg2[%add3A_33, %multiple_of3A] : memref<10240x128xf32, #tpu.memory_space<hbm>> -> memref<128x64xf32, #tpu.memory_space<hbm>>
      tpu.wait_dma2 semaphore(%run_scoped3A_105 : memref<!tpu.dma_semaphore, #tpu.memory_space<semaphore_mem>>) src(%dma_wait3A_124 : memref<128x64xf32, #tpu.memory_space<hbm>>) dst(%dma_wait3A_123 : memref<128x64xf32, #tpu.memory_space<vmem>>)
      tpu.yield
    }) : () -> ()
    %mul3A_35 = arith.constant 10240 : i32
    %mul3A_36 = arith.muli %arg0, %mul3A_35 : i32
    %add3A_37 = arith.addi %mul3A_36, %mul3A_0 : i32
    %add3A_38 = arith.constant 128 : i32
    %add3A_39 = arith.addi %add3A_37, %add3A_38 : i32
    %run_scoped3A_40 = arith.constant 1 : i32
    "tpu.region"() ({
      %run_scoped3A_105 = tpu.sem_alloc : memref<!tpu.dma_semaphore, #tpu.memory_space<semaphore_mem>>
      %dma_start3A_106 = arith.constant 0 : i32
      %dma_start3A_107 = arith.constant 0 : i32
      %dma_start3A_108 = tpu.memref_slice %arg9[%run_scoped3A_40, %dma_start3A_106, %dma_start3A_107] : memref<3x128x64xf32, #tpu.memory_space<vmem>> -> memref<1x128x64xf32, #tpu.memory_space<vmem>>
      %dma_start3A_109 = tpu.memref_squeeze %dma_start3A_108 : memref<1x128x64xf32, #tpu.memory_space<vmem>> -> memref<128x64xf32, #tpu.memory_space<vmem>>
      %dma_start3A_110 = arith.constant 0 : i32
      %dma_start3A_111 = tpu.memref_slice %arg6[%add3A_39, %dma_start3A_110] : memref<20480x64xf32, #tpu.memory_space<hbm>> -> memref<128x64xf32, #tpu.memory_space<hbm>>
      %dma_start3A_112 = arith.constant 0 : i32
      %dma_start3A_113 = tpu.memref_slice %arg6[%add3A_39, %dma_start3A_112] : memref<20480x64xf32, #tpu.memory_space<hbm>> -> memref<128x64xf32, #tpu.memory_space<hbm>>
      %dma_start3A_114 = arith.constant 0 : i32
      %dma_start3A_115 = arith.constant 0 : i32
      %dma_start3A_116 = tpu.memref_slice %arg9[%run_scoped3A_40, %dma_start3A_114, %dma_start3A_115] : memref<3x128x64xf32, #tpu.memory_space<vmem>> -> memref<1x128x64xf32, #tpu.memory_space<vmem>>
      %dma_start3A_117 = tpu.memref_squeeze %dma_start3A_116 : memref<1x128x64xf32, #tpu.memory_space<vmem>> -> memref<128x64xf32, #tpu.memory_space<vmem>>
      tpu.enqueue_dma source(%dma_start3A_117 : memref<128x64xf32, #tpu.memory_space<vmem>>) target(%dma_start3A_113 : memref<128x64xf32, #tpu.memory_space<hbm>>) target_semaphore(%run_scoped3A_105 : memref<!tpu.dma_semaphore, #tpu.memory_space<semaphore_mem>>)
      %dma_wait3A = arith.constant 0 : i32
      %dma_wait3A_118 = arith.constant 0 : i32
      %dma_wait3A_119 = tpu.memref_slice %arg9[%run_scoped3A_40, %dma_wait3A, %dma_wait3A_118] : memref<3x128x64xf32, #tpu.memory_space<vmem>> -> memref<1x128x64xf32, #tpu.memory_space<vmem>>
      %dma_wait3A_120 = tpu.memref_squeeze %dma_wait3A_119 : memref<1x128x64xf32, #tpu.memory_space<vmem>> -> memref<128x64xf32, #tpu.memory_space<vmem>>
      %dma_wait3A_121 = arith.constant 0 : i32
      %dma_wait3A_122 = tpu.memref_slice %arg6[%add3A_39, %dma_wait3A_121] : memref<20480x64xf32, #tpu.memory_space<hbm>> -> memref<128x64xf32, #tpu.memory_space<hbm>>
      %dma_wait3A_123 = arith.constant 0 : i32
      %dma_wait3A_124 = tpu.memref_slice %arg6[%add3A_39, %dma_wait3A_123] : memref<20480x64xf32, #tpu.memory_space<hbm>> -> memref<128x64xf32, #tpu.memory_space<hbm>>
      %dma_wait3A_125 = arith.constant 0 : i32
      %dma_wait3A_126 = arith.constant 0 : i32
      %dma_wait3A_127 = tpu.memref_slice %arg9[%run_scoped3A_40, %dma_wait3A_125, %dma_wait3A_126] : memref<3x128x64xf32, #tpu.memory_space<vmem>> -> memref<1x128x64xf32, #tpu.memory_space<vmem>>
      %dma_wait3A_128 = tpu.memref_squeeze %dma_wait3A_127 : memref<1x128x64xf32, #tpu.memory_space<vmem>> -> memref<128x64xf32, #tpu.memory_space<vmem>>
      tpu.wait_dma2 semaphore(%run_scoped3A_105 : memref<!tpu.dma_semaphore, #tpu.memory_space<semaphore_mem>>) src(%dma_wait3A_128 : memref<128x64xf32, #tpu.memory_space<vmem>>) dst(%dma_wait3A_124 : memref<128x64xf32, #tpu.memory_space<hbm>>)
      tpu.yield
    }) : () -> ()
    %add3A_41 = arith.constant 256 : i32
    %add3A_42 = arith.addi %mul3A_0, %add3A_41 : i32
    %run_scoped3A_43 = arith.constant 1 : i32
    "tpu.region"() ({
      %run_scoped3A_105 = tpu.sem_alloc : memref<!tpu.dma_semaphore, #tpu.memory_space<semaphore_mem>>
      %dma_start3A_106 = arith.constant 0 : i32
      %dma_start3A_107 = arith.constant 0 : i32
      %dma_start3A_108 = tpu.memref_slice %arg9[%run_scoped3A_43, %dma_start3A_106, %dma_start3A_107] : memref<3x128x64xf32, #tpu.memory_space<vmem>> -> memref<1x128x64xf32, #tpu.memory_space<vmem>>
      %dma_start3A_109 = tpu.memref_squeeze %dma_start3A_108 : memref<1x128x64xf32, #tpu.memory_space<vmem>> -> memref<128x64xf32, #tpu.memory_space<vmem>>
      %dma_start3A_110 = tpu.memref_slice %arg2[%add3A_42, %multiple_of3A] : memref<10240x128xf32, #tpu.memory_space<hbm>> -> memref<128x64xf32, #tpu.memory_space<hbm>>
      %dma_start3A_111 = arith.constant 0 : i32
      %dma_start3A_112 = arith.constant 0 : i32
      %dma_start3A_113 = tpu.memref_slice %arg9[%run_scoped3A_43, %dma_start3A_111, %dma_start3A_112] : memref<3x128x64xf32, #tpu.memory_space<vmem>> -> memref<1x128x64xf32, #tpu.memory_space<vmem>>
      %dma_start3A_114 = tpu.memref_squeeze %dma_start3A_113 : memref<1x128x64xf32, #tpu.memory_space<vmem>> -> memref<128x64xf32, #tpu.memory_space<vmem>>
      %dma_start3A_115 = tpu.memref_slice %arg2[%add3A_42, %multiple_of3A] : memref<10240x128xf32, #tpu.memory_space<hbm>> -> memref<128x64xf32, #tpu.memory_space<hbm>>
      tpu.enqueue_dma source(%dma_start3A_115 : memref<128x64xf32, #tpu.memory_space<hbm>>) target(%dma_start3A_114 : memref<128x64xf32, #tpu.memory_space<vmem>>) target_semaphore(%run_scoped3A_105 : memref<!tpu.dma_semaphore, #tpu.memory_space<semaphore_mem>>)
      %dma_wait3A = arith.constant 0 : i32
      %dma_wait3A_116 = arith.constant 0 : i32
      %dma_wait3A_117 = tpu.memref_slice %arg9[%run_scoped3A_43, %dma_wait3A, %dma_wait3A_116] : memref<3x128x64xf32, #tpu.memory_space<vmem>> -> memref<1x128x64xf32, #tpu.memory_space<vmem>>
      %dma_wait3A_118 = tpu.memref_squeeze %dma_wait3A_117 : memref<1x128x64xf32, #tpu.memory_space<vmem>> -> memref<128x64xf32, #tpu.memory_space<vmem>>
      %dma_wait3A_119 = tpu.memref_slice %arg2[%add3A_42, %multiple_of3A] : memref<10240x128xf32, #tpu.memory_space<hbm>> -> memref<128x64xf32, #tpu.memory_space<hbm>>
      %dma_wait3A_120 = arith.constant 0 : i32
      %dma_wait3A_121 = arith.constant 0 : i32
      %dma_wait3A_122 = tpu.memref_slice %arg9[%run_scoped3A_43, %dma_wait3A_120, %dma_wait3A_121] : memref<3x128x64xf32, #tpu.memory_space<vmem>> -> memref<1x128x64xf32, #tpu.memory_space<vmem>>
      %dma_wait3A_123 = tpu.memref_squeeze %dma_wait3A_122 : memref<1x128x64xf32, #tpu.memory_space<vmem>> -> memref<128x64xf32, #tpu.memory_space<vmem>>
      %dma_wait3A_124 = tpu.memref_slice %arg2[%add3A_42, %multiple_of3A] : memref<10240x128xf32, #tpu.memory_space<hbm>> -> memref<128x64xf32, #tpu.memory_space<hbm>>
      tpu.wait_dma2 semaphore(%run_scoped3A_105 : memref<!tpu.dma_semaphore, #tpu.memory_space<semaphore_mem>>) src(%dma_wait3A_124 : memref<128x64xf32, #tpu.memory_space<hbm>>) dst(%dma_wait3A_123 : memref<128x64xf32, #tpu.memory_space<vmem>>)
      tpu.yield
    }) : () -> ()
    %mul3A_44 = arith.constant 10240 : i32
    %mul3A_45 = arith.muli %arg0, %mul3A_44 : i32
    %add3A_46 = arith.addi %mul3A_45, %mul3A_0 : i32
    %add3A_47 = arith.constant 256 : i32
    %add3A_48 = arith.addi %add3A_46, %add3A_47 : i32
    %run_scoped3A_49 = arith.constant 1 : i32
    "tpu.region"() ({
      %run_scoped3A_105 = tpu.sem_alloc : memref<!tpu.dma_semaphore, #tpu.memory_space<semaphore_mem>>
      %dma_start3A_106 = arith.constant 0 : i32
      %dma_start3A_107 = arith.constant 0 : i32
      %dma_start3A_108 = tpu.memref_slice %arg9[%run_scoped3A_49, %dma_start3A_106, %dma_start3A_107] : memref<3x128x64xf32, #tpu.memory_space<vmem>> -> memref<1x128x64xf32, #tpu.memory_space<vmem>>
      %dma_start3A_109 = tpu.memref_squeeze %dma_start3A_108 : memref<1x128x64xf32, #tpu.memory_space<vmem>> -> memref<128x64xf32, #tpu.memory_space<vmem>>
      %dma_start3A_110 = arith.constant 0 : i32
      %dma_start3A_111 = tpu.memref_slice %arg6[%add3A_48, %dma_start3A_110] : memref<20480x64xf32, #tpu.memory_space<hbm>> -> memref<128x64xf32, #tpu.memory_space<hbm>>
      %dma_start3A_112 = arith.constant 0 : i32
      %dma_start3A_113 = tpu.memref_slice %arg6[%add3A_48, %dma_start3A_112] : memref<20480x64xf32, #tpu.memory_space<hbm>> -> memref<128x64xf32, #tpu.memory_space<hbm>>
      %dma_start3A_114 = arith.constant 0 : i32
      %dma_start3A_115 = arith.constant 0 : i32
      %dma_start3A_116 = tpu.memref_slice %arg9[%run_scoped3A_49, %dma_start3A_114, %dma_start3A_115] : memref<3x128x64xf32, #tpu.memory_space<vmem>> -> memref<1x128x64xf32, #tpu.memory_space<vmem>>
      %dma_start3A_117 = tpu.memref_squeeze %dma_start3A_116 : memref<1x128x64xf32, #tpu.memory_space<vmem>> -> memref<128x64xf32, #tpu.memory_space<vmem>>
      tpu.enqueue_dma source(%dma_start3A_117 : memref<128x64xf32, #tpu.memory_space<vmem>>) target(%dma_start3A_113 : memref<128x64xf32, #tpu.memory_space<hbm>>) target_semaphore(%run_scoped3A_105 : memref<!tpu.dma_semaphore, #tpu.memory_space<semaphore_mem>>)
      %dma_wait3A = arith.constant 0 : i32
      %dma_wait3A_118 = arith.constant 0 : i32
      %dma_wait3A_119 = tpu.memref_slice %arg9[%run_scoped3A_49, %dma_wait3A, %dma_wait3A_118] : memref<3x128x64xf32, #tpu.memory_space<vmem>> -> memref<1x128x64xf32, #tpu.memory_space<vmem>>
      %dma_wait3A_120 = tpu.memref_squeeze %dma_wait3A_119 : memref<1x128x64xf32, #tpu.memory_space<vmem>> -> memref<128x64xf32, #tpu.memory_space<vmem>>
      %dma_wait3A_121 = arith.constant 0 : i32
      %dma_wait3A_122 = tpu.memref_slice %arg6[%add3A_48, %dma_wait3A_121] : memref<20480x64xf32, #tpu.memory_space<hbm>> -> memref<128x64xf32, #tpu.memory_space<hbm>>
      %dma_wait3A_123 = arith.constant 0 : i32
      %dma_wait3A_124 = tpu.memref_slice %arg6[%add3A_48, %dma_wait3A_123] : memref<20480x64xf32, #tpu.memory_space<hbm>> -> memref<128x64xf32, #tpu.memory_space<hbm>>
      %dma_wait3A_125 = arith.constant 0 : i32
      %dma_wait3A_126 = arith.constant 0 : i32
      %dma_wait3A_127 = tpu.memref_slice %arg9[%run_scoped3A_49, %dma_wait3A_125, %dma_wait3A_126] : memref<3x128x64xf32, #tpu.memory_space<vmem>> -> memref<1x128x64xf32, #tpu.memory_space<vmem>>
      %dma_wait3A_128 = tpu.memref_squeeze %dma_wait3A_127 : memref<1x128x64xf32, #tpu.memory_space<vmem>> -> memref<128x64xf32, #tpu.memory_space<vmem>>
      tpu.wait_dma2 semaphore(%run_scoped3A_105 : memref<!tpu.dma_semaphore, #tpu.memory_space<semaphore_mem>>) src(%dma_wait3A_128 : memref<128x64xf32, #tpu.memory_space<vmem>>) dst(%dma_wait3A_124 : memref<128x64xf32, #tpu.memory_space<hbm>>)
      tpu.yield
    }) : () -> ()
    %add3A_50 = arith.constant 384 : i32
    %add3A_51 = arith.addi %mul3A_0, %add3A_50 : i32
    %run_scoped3A_52 = arith.constant 1 : i32
    "tpu.region"() ({
      %run_scoped3A_105 = tpu.sem_alloc : memref<!tpu.dma_semaphore, #tpu.memory_space<semaphore_mem>>
      %dma_start3A_106 = arith.constant 0 : i32
      %dma_start3A_107 = arith.constant 0 : i32
      %dma_start3A_108 = tpu.memref_slice %arg9[%run_scoped3A_52, %dma_start3A_106, %dma_start3A_107] : memref<3x128x64xf32, #tpu.memory_space<vmem>> -> memref<1x128x64xf32, #tpu.memory_space<vmem>>
      %dma_start3A_109 = tpu.memref_squeeze %dma_start3A_108 : memref<1x128x64xf32, #tpu.memory_space<vmem>> -> memref<128x64xf32, #tpu.memory_space<vmem>>
      %dma_start3A_110 = tpu.memref_slice %arg2[%add3A_51, %multiple_of3A] : memref<10240x128xf32, #tpu.memory_space<hbm>> -> memref<128x64xf32, #tpu.memory_space<hbm>>
      %dma_start3A_111 = arith.constant 0 : i32
      %dma_start3A_112 = arith.constant 0 : i32
      %dma_start3A_113 = tpu.memref_slice %arg9[%run_scoped3A_52, %dma_start3A_111, %dma_start3A_112] : memref<3x128x64xf32, #tpu.memory_space<vmem>> -> memref<1x128x64xf32, #tpu.memory_space<vmem>>
      %dma_start3A_114 = tpu.memref_squeeze %dma_start3A_113 : memref<1x128x64xf32, #tpu.memory_space<vmem>> -> memref<128x64xf32, #tpu.memory_space<vmem>>
      %dma_start3A_115 = tpu.memref_slice %arg2[%add3A_51, %multiple_of3A] : memref<10240x128xf32, #tpu.memory_space<hbm>> -> memref<128x64xf32, #tpu.memory_space<hbm>>
      tpu.enqueue_dma source(%dma_start3A_115 : memref<128x64xf32, #tpu.memory_space<hbm>>) target(%dma_start3A_114 : memref<128x64xf32, #tpu.memory_space<vmem>>) target_semaphore(%run_scoped3A_105 : memref<!tpu.dma_semaphore, #tpu.memory_space<semaphore_mem>>)
      %dma_wait3A = arith.constant 0 : i32
      %dma_wait3A_116 = arith.constant 0 : i32
      %dma_wait3A_117 = tpu.memref_slice %arg9[%run_scoped3A_52, %dma_wait3A, %dma_wait3A_116] : memref<3x128x64xf32, #tpu.memory_space<vmem>> -> memref<1x128x64xf32, #tpu.memory_space<vmem>>
      %dma_wait3A_118 = tpu.memref_squeeze %dma_wait3A_117 : memref<1x128x64xf32, #tpu.memory_space<vmem>> -> memref<128x64xf32, #tpu.memory_space<vmem>>
      %dma_wait3A_119 = tpu.memref_slice %arg2[%add3A_51, %multiple_of3A] : memref<10240x128xf32, #tpu.memory_space<hbm>> -> memref<128x64xf32, #tpu.memory_space<hbm>>
      %dma_wait3A_120 = arith.constant 0 : i32
      %dma_wait3A_121 = arith.constant 0 : i32
      %dma_wait3A_122 = tpu.memref_slice %arg9[%run_scoped3A_52, %dma_wait3A_120, %dma_wait3A_121] : memref<3x128x64xf32, #tpu.memory_space<vmem>> -> memref<1x128x64xf32, #tpu.memory_space<vmem>>
      %dma_wait3A_123 = tpu.memref_squeeze %dma_wait3A_122 : memref<1x128x64xf32, #tpu.memory_space<vmem>> -> memref<128x64xf32, #tpu.memory_space<vmem>>
      %dma_wait3A_124 = tpu.memref_slice %arg2[%add3A_51, %multiple_of3A] : memref<10240x128xf32, #tpu.memory_space<hbm>> -> memref<128x64xf32, #tpu.memory_space<hbm>>
      tpu.wait_dma2 semaphore(%run_scoped3A_105 : memref<!tpu.dma_semaphore, #tpu.memory_space<semaphore_mem>>) src(%dma_wait3A_124 : memref<128x64xf32, #tpu.memory_space<hbm>>) dst(%dma_wait3A_123 : memref<128x64xf32, #tpu.memory_space<vmem>>)
      tpu.yield
    }) : () -> ()
    %mul3A_53 = arith.constant 10240 : i32
    %mul3A_54 = arith.muli %arg0, %mul3A_53 : i32
    %add3A_55 = arith.addi %mul3A_54, %mul3A_0 : i32
    %add3A_56 = arith.constant 384 : i32
    %add3A_57 = arith.addi %add3A_55, %add3A_56 : i32
    %run_scoped3A_58 = arith.constant 1 : i32
    "tpu.region"() ({
      %run_scoped3A_105 = tpu.sem_alloc : memref<!tpu.dma_semaphore, #tpu.memory_space<semaphore_mem>>
      %dma_start3A_106 = arith.constant 0 : i32
      %dma_start3A_107 = arith.constant 0 : i32
      %dma_start3A_108 = tpu.memref_slice %arg9[%run_scoped3A_58, %dma_start3A_106, %dma_start3A_107] : memref<3x128x64xf32, #tpu.memory_space<vmem>> -> memref<1x128x64xf32, #tpu.memory_space<vmem>>
      %dma_start3A_109 = tpu.memref_squeeze %dma_start3A_108 : memref<1x128x64xf32, #tpu.memory_space<vmem>> -> memref<128x64xf32, #tpu.memory_space<vmem>>
      %dma_start3A_110 = arith.constant 0 : i32
      %dma_start3A_111 = tpu.memref_slice %arg6[%add3A_57, %dma_start3A_110] : memref<20480x64xf32, #tpu.memory_space<hbm>> -> memref<128x64xf32, #tpu.memory_space<hbm>>
      %dma_start3A_112 = arith.constant 0 : i32
      %dma_start3A_113 = tpu.memref_slice %arg6[%add3A_57, %dma_start3A_112] : memref<20480x64xf32, #tpu.memory_space<hbm>> -> memref<128x64xf32, #tpu.memory_space<hbm>>
      %dma_start3A_114 = arith.constant 0 : i32
      %dma_start3A_115 = arith.constant 0 : i32
      %dma_start3A_116 = tpu.memref_slice %arg9[%run_scoped3A_58, %dma_start3A_114, %dma_start3A_115] : memref<3x128x64xf32, #tpu.memory_space<vmem>> -> memref<1x128x64xf32, #tpu.memory_space<vmem>>
      %dma_start3A_117 = tpu.memref_squeeze %dma_start3A_116 : memref<1x128x64xf32, #tpu.memory_space<vmem>> -> memref<128x64xf32, #tpu.memory_space<vmem>>
      tpu.enqueue_dma source(%dma_start3A_117 : memref<128x64xf32, #tpu.memory_space<vmem>>) target(%dma_start3A_113 : memref<128x64xf32, #tpu.memory_space<hbm>>) target_semaphore(%run_scoped3A_105 : memref<!tpu.dma_semaphore, #tpu.memory_space<semaphore_mem>>)
      %dma_wait3A = arith.constant 0 : i32
      %dma_wait3A_118 = arith.constant 0 : i32
      %dma_wait3A_119 = tpu.memref_slice %arg9[%run_scoped3A_58, %dma_wait3A, %dma_wait3A_118] : memref<3x128x64xf32, #tpu.memory_space<vmem>> -> memref<1x128x64xf32, #tpu.memory_space<vmem>>
      %dma_wait3A_120 = tpu.memref_squeeze %dma_wait3A_119 : memref<1x128x64xf32, #tpu.memory_space<vmem>> -> memref<128x64xf32, #tpu.memory_space<vmem>>
      %dma_wait3A_121 = arith.constant 0 : i32
      %dma_wait3A_122 = tpu.memref_slice %arg6[%add3A_57, %dma_wait3A_121] : memref<20480x64xf32, #tpu.memory_space<hbm>> -> memref<128x64xf32, #tpu.memory_space<hbm>>
      %dma_wait3A_123 = arith.constant 0 : i32
      %dma_wait3A_124 = tpu.memref_slice %arg6[%add3A_57, %dma_wait3A_123] : memref<20480x64xf32, #tpu.memory_space<hbm>> -> memref<128x64xf32, #tpu.memory_space<hbm>>
      %dma_wait3A_125 = arith.constant 0 : i32
      %dma_wait3A_126 = arith.constant 0 : i32
      %dma_wait3A_127 = tpu.memref_slice %arg9[%run_scoped3A_58, %dma_wait3A_125, %dma_wait3A_126] : memref<3x128x64xf32, #tpu.memory_space<vmem>> -> memref<1x128x64xf32, #tpu.memory_space<vmem>>
      %dma_wait3A_128 = tpu.memref_squeeze %dma_wait3A_127 : memref<1x128x64xf32, #tpu.memory_space<vmem>> -> memref<128x64xf32, #tpu.memory_space<vmem>>
      tpu.wait_dma2 semaphore(%run_scoped3A_105 : memref<!tpu.dma_semaphore, #tpu.memory_space<semaphore_mem>>) src(%dma_wait3A_128 : memref<128x64xf32, #tpu.memory_space<vmem>>) dst(%dma_wait3A_124 : memref<128x64xf32, #tpu.memory_space<hbm>>)
      tpu.yield
    }) : () -> ()
    %add3A_59 = arith.constant 512 : i32
    %add3A_60 = arith.addi %mul3A_0, %add3A_59 : i32
    %run_scoped3A_61 = arith.constant 1 : i32
    "tpu.region"() ({
      %run_scoped3A_105 = tpu.sem_alloc : memref<!tpu.dma_semaphore, #tpu.memory_space<semaphore_mem>>
      %dma_start3A_106 = arith.constant 0 : i32
      %dma_start3A_107 = arith.constant 0 : i32
      %dma_start3A_108 = tpu.memref_slice %arg9[%run_scoped3A_61, %dma_start3A_106, %dma_start3A_107] : memref<3x128x64xf32, #tpu.memory_space<vmem>> -> memref<1x128x64xf32, #tpu.memory_space<vmem>>
      %dma_start3A_109 = tpu.memref_squeeze %dma_start3A_108 : memref<1x128x64xf32, #tpu.memory_space<vmem>> -> memref<128x64xf32, #tpu.memory_space<vmem>>
      %dma_start3A_110 = tpu.memref_slice %arg2[%add3A_60, %multiple_of3A] : memref<10240x128xf32, #tpu.memory_space<hbm>> -> memref<128x64xf32, #tpu.memory_space<hbm>>
      %dma_start3A_111 = arith.constant 0 : i32
      %dma_start3A_112 = arith.constant 0 : i32
      %dma_start3A_113 = tpu.memref_slice %arg9[%run_scoped3A_61, %dma_start3A_111, %dma_start3A_112] : memref<3x128x64xf32, #tpu.memory_space<vmem>> -> memref<1x128x64xf32, #tpu.memory_space<vmem>>
      %dma_start3A_114 = tpu.memref_squeeze %dma_start3A_113 : memref<1x128x64xf32, #tpu.memory_space<vmem>> -> memref<128x64xf32, #tpu.memory_space<vmem>>
      %dma_start3A_115 = tpu.memref_slice %arg2[%add3A_60, %multiple_of3A] : memref<10240x128xf32, #tpu.memory_space<hbm>> -> memref<128x64xf32, #tpu.memory_space<hbm>>
      tpu.enqueue_dma source(%dma_start3A_115 : memref<128x64xf32, #tpu.memory_space<hbm>>) target(%dma_start3A_114 : memref<128x64xf32, #tpu.memory_space<vmem>>) target_semaphore(%run_scoped3A_105 : memref<!tpu.dma_semaphore, #tpu.memory_space<semaphore_mem>>)
      %dma_wait3A = arith.constant 0 : i32
      %dma_wait3A_116 = arith.constant 0 : i32
      %dma_wait3A_117 = tpu.memref_slice %arg9[%run_scoped3A_61, %dma_wait3A, %dma_wait3A_116] : memref<3x128x64xf32, #tpu.memory_space<vmem>> -> memref<1x128x64xf32, #tpu.memory_space<vmem>>
      %dma_wait3A_118 = tpu.memref_squeeze %dma_wait3A_117 : memref<1x128x64xf32, #tpu.memory_space<vmem>> -> memref<128x64xf32, #tpu.memory_space<vmem>>
      %dma_wait3A_119 = tpu.memref_slice %arg2[%add3A_60, %multiple_of3A] : memref<10240x128xf32, #tpu.memory_space<hbm>> -> memref<128x64xf32, #tpu.memory_space<hbm>>
      %dma_wait3A_120 = arith.constant 0 : i32
      %dma_wait3A_121 = arith.constant 0 : i32
      %dma_wait3A_122 = tpu.memref_slice %arg9[%run_scoped3A_61, %dma_wait3A_120, %dma_wait3A_121] : memref<3x128x64xf32, #tpu.memory_space<vmem>> -> memref<1x128x64xf32, #tpu.memory_space<vmem>>
      %dma_wait3A_123 = tpu.memref_squeeze %dma_wait3A_122 : memref<1x128x64xf32, #tpu.memory_space<vmem>> -> memref<128x64xf32, #tpu.memory_space<vmem>>
      %dma_wait3A_124 = tpu.memref_slice %arg2[%add3A_60, %multiple_of3A] : memref<10240x128xf32, #tpu.memory_space<hbm>> -> memref<128x64xf32, #tpu.memory_space<hbm>>
      tpu.wait_dma2 semaphore(%run_scoped3A_105 : memref<!tpu.dma_semaphore, #tpu.memory_space<semaphore_mem>>) src(%dma_wait3A_124 : memref<128x64xf32, #tpu.memory_space<hbm>>) dst(%dma_wait3A_123 : memref<128x64xf32, #tpu.memory_space<vmem>>)
      tpu.yield
    }) : () -> ()
    %mul3A_62 = arith.constant 10240 : i32
    %mul3A_63 = arith.muli %arg0, %mul3A_62 : i32
    %add3A_64 = arith.addi %mul3A_63, %mul3A_0 : i32
    %add3A_65 = arith.constant 512 : i32
    %add3A_66 = arith.addi %add3A_64, %add3A_65 : i32
    %run_scoped3A_67 = arith.constant 1 : i32
    "tpu.region"() ({
      %run_scoped3A_105 = tpu.sem_alloc : memref<!tpu.dma_semaphore, #tpu.memory_space<semaphore_mem>>
      %dma_start3A_106 = arith.constant 0 : i32
      %dma_start3A_107 = arith.constant 0 : i32
      %dma_start3A_108 = tpu.memref_slice %arg9[%run_scoped3A_67, %dma_start3A_106, %dma_start3A_107] : memref<3x128x64xf32, #tpu.memory_space<vmem>> -> memref<1x128x64xf32, #tpu.memory_space<vmem>>
      %dma_start3A_109 = tpu.memref_squeeze %dma_start3A_108 : memref<1x128x64xf32, #tpu.memory_space<vmem>> -> memref<128x64xf32, #tpu.memory_space<vmem>>
      %dma_start3A_110 = arith.constant 0 : i32
      %dma_start3A_111 = tpu.memref_slice %arg6[%add3A_66, %dma_start3A_110] : memref<20480x64xf32, #tpu.memory_space<hbm>> -> memref<128x64xf32, #tpu.memory_space<hbm>>
      %dma_start3A_112 = arith.constant 0 : i32
      %dma_start3A_113 = tpu.memref_slice %arg6[%add3A_66, %dma_start3A_112] : memref<20480x64xf32, #tpu.memory_space<hbm>> -> memref<128x64xf32, #tpu.memory_space<hbm>>
      %dma_start3A_114 = arith.constant 0 : i32
      %dma_start3A_115 = arith.constant 0 : i32
      %dma_start3A_116 = tpu.memref_slice %arg9[%run_scoped3A_67, %dma_start3A_114, %dma_start3A_115] : memref<3x128x64xf32, #tpu.memory_space<vmem>> -> memref<1x128x64xf32, #tpu.memory_space<vmem>>
      %dma_start3A_117 = tpu.memref_squeeze %dma_start3A_116 : memref<1x128x64xf32, #tpu.memory_space<vmem>> -> memref<128x64xf32, #tpu.memory_space<vmem>>
      tpu.enqueue_dma source(%dma_start3A_117 : memref<128x64xf32, #tpu.memory_space<vmem>>) target(%dma_start3A_113 : memref<128x64xf32, #tpu.memory_space<hbm>>) target_semaphore(%run_scoped3A_105 : memref<!tpu.dma_semaphore, #tpu.memory_space<semaphore_mem>>)
      %dma_wait3A = arith.constant 0 : i32
      %dma_wait3A_118 = arith.constant 0 : i32
      %dma_wait3A_119 = tpu.memref_slice %arg9[%run_scoped3A_67, %dma_wait3A, %dma_wait3A_118] : memref<3x128x64xf32, #tpu.memory_space<vmem>> -> memref<1x128x64xf32, #tpu.memory_space<vmem>>
      %dma_wait3A_120 = tpu.memref_squeeze %dma_wait3A_119 : memref<1x128x64xf32, #tpu.memory_space<vmem>> -> memref<128x64xf32, #tpu.memory_space<vmem>>
      %dma_wait3A_121 = arith.constant 0 : i32
      %dma_wait3A_122 = tpu.memref_slice %arg6[%add3A_66, %dma_wait3A_121] : memref<20480x64xf32, #tpu.memory_space<hbm>> -> memref<128x64xf32, #tpu.memory_space<hbm>>
      %dma_wait3A_123 = arith.constant 0 : i32
      %dma_wait3A_124 = tpu.memref_slice %arg6[%add3A_66, %dma_wait3A_123] : memref<20480x64xf32, #tpu.memory_space<hbm>> -> memref<128x64xf32, #tpu.memory_space<hbm>>
      %dma_wait3A_125 = arith.constant 0 : i32
      %dma_wait3A_126 = arith.constant 0 : i32
      %dma_wait3A_127 = tpu.memref_slice %arg9[%run_scoped3A_67, %dma_wait3A_125, %dma_wait3A_126] : memref<3x128x64xf32, #tpu.memory_space<vmem>> -> memref<1x128x64xf32, #tpu.memory_space<vmem>>
      %dma_wait3A_128 = tpu.memref_squeeze %dma_wait3A_127 : memref<1x128x64xf32, #tpu.memory_space<vmem>> -> memref<128x64xf32, #tpu.memory_space<vmem>>
      tpu.wait_dma2 semaphore(%run_scoped3A_105 : memref<!tpu.dma_semaphore, #tpu.memory_space<semaphore_mem>>) src(%dma_wait3A_128 : memref<128x64xf32, #tpu.memory_space<vmem>>) dst(%dma_wait3A_124 : memref<128x64xf32, #tpu.memory_space<hbm>>)
      tpu.yield
    }) : () -> ()
    %barrier3A = arith.constant 0 : index
    tpu.barrier barrier_id(%barrier3A)
    "tpu.region"() ({
      %run_scoped3A_105 = tpu.sem_alloc : memref<!tpu.dma_semaphore, #tpu.memory_space<semaphore_mem>>
      %dma_start3A_106 = arith.constant 0 : i32
      %dma_start3A_107 = arith.constant 0 : i32
      %dma_start3A_108 = tpu.memref_slice %arg3[%arg0, %arg1, %dma_start3A_106, %dma_start3A_107] : memref<2x16x157x128xi32, #tpu.memory_space<hbm>> -> memref<1x1x157x128xi32, #tpu.memory_space<hbm>>
      %dma_start3A_109 = tpu.memref_squeeze %dma_start3A_108 : memref<1x1x157x128xi32, #tpu.memory_space<hbm>> -> memref<157x128xi32, #tpu.memory_space<hbm>>
      %dma_start3A_110 = arith.constant 0 : i32
      %dma_start3A_111 = arith.constant 0 : i32
      %dma_start3A_112 = tpu.memref_slice %arg3[%arg0, %arg1, %dma_start3A_110, %dma_start3A_111] : memref<2x16x157x128xi32, #tpu.memory_space<hbm>> -> memref<1x1x157x128xi32, #tpu.memory_space<hbm>>
      %dma_start3A_113 = tpu.memref_squeeze %dma_start3A_112 : memref<1x1x157x128xi32, #tpu.memory_space<hbm>> -> memref<157x128xi32, #tpu.memory_space<hbm>>
      tpu.enqueue_dma source(%dma_start3A_113 : memref<157x128xi32, #tpu.memory_space<hbm>>) target(%arg7 : memref<157x128xi32, #tpu.memory_space<vmem>>) target_semaphore(%run_scoped3A_105 : memref<!tpu.dma_semaphore, #tpu.memory_space<semaphore_mem>>)
      %dma_wait3A = arith.constant 0 : i32
      %dma_wait3A_114 = arith.constant 0 : i32
      %dma_wait3A_115 = tpu.memref_slice %arg3[%arg0, %arg1, %dma_wait3A, %dma_wait3A_114] : memref<2x16x157x128xi32, #tpu.memory_space<hbm>> -> memref<1x1x157x128xi32, #tpu.memory_space<hbm>>
      %dma_wait3A_116 = tpu.memref_squeeze %dma_wait3A_115 : memref<1x1x157x128xi32, #tpu.memory_space<hbm>> -> memref<157x128xi32, #tpu.memory_space<hbm>>
      %dma_wait3A_117 = arith.constant 0 : i32
      %dma_wait3A_118 = arith.constant 0 : i32
      %dma_wait3A_119 = tpu.memref_slice %arg3[%arg0, %arg1, %dma_wait3A_117, %dma_wait3A_118] : memref<2x16x157x128xi32, #tpu.memory_space<hbm>> -> memref<1x1x157x128xi32, #tpu.memory_space<hbm>>
      %dma_wait3A_120 = tpu.memref_squeeze %dma_wait3A_119 : memref<1x1x157x128xi32, #tpu.memory_space<hbm>> -> memref<157x128xi32, #tpu.memory_space<hbm>>
      tpu.wait_dma2 semaphore(%run_scoped3A_105 : memref<!tpu.dma_semaphore, #tpu.memory_space<semaphore_mem>>) src(%dma_wait3A_120 : memref<157x128xi32, #tpu.memory_space<hbm>>) dst(%arg7 : memref<157x128xi32, #tpu.memory_space<vmem>>)
      tpu.yield
    }) : () -> ()
    "tpu.region"() ({
      %run_scoped3A_105 = tpu.sem_alloc : memref<!tpu.dma_semaphore, #tpu.memory_space<semaphore_mem>>
      %dma_start3A_106 = arith.constant 0 : i32
      %dma_start3A_107 = arith.constant 0 : i32
      %dma_start3A_108 = tpu.memref_slice %arg4[%arg1, %dma_start3A_106, %dma_start3A_107] : memref<16x157x128xi32, #tpu.memory_space<hbm>> -> memref<1x157x128xi32, #tpu.memory_space<hbm>>
      %dma_start3A_109 = tpu.memref_squeeze %dma_start3A_108 : memref<1x157x128xi32, #tpu.memory_space<hbm>> -> memref<157x128xi32, #tpu.memory_space<hbm>>
      %dma_start3A_110 = arith.constant 0 : i32
      %dma_start3A_111 = arith.constant 0 : i32
      %dma_start3A_112 = tpu.memref_slice %arg4[%arg1, %dma_start3A_110, %dma_start3A_111] : memref<16x157x128xi32, #tpu.memory_space<hbm>> -> memref<1x157x128xi32, #tpu.memory_space<hbm>>
      %dma_start3A_113 = tpu.memref_squeeze %dma_start3A_112 : memref<1x157x128xi32, #tpu.memory_space<hbm>> -> memref<157x128xi32, #tpu.memory_space<hbm>>
      tpu.enqueue_dma source(%dma_start3A_113 : memref<157x128xi32, #tpu.memory_space<hbm>>) target(%arg8 : memref<157x128xi32, #tpu.memory_space<vmem>>) target_semaphore(%run_scoped3A_105 : memref<!tpu.dma_semaphore, #tpu.memory_space<semaphore_mem>>)
      %dma_wait3A = arith.constant 0 : i32
      %dma_wait3A_114 = arith.constant 0 : i32
      %dma_wait3A_115 = tpu.memref_slice %arg4[%arg1, %dma_wait3A, %dma_wait3A_114] : memref<16x157x128xi32, #tpu.memory_space<hbm>> -> memref<1x157x128xi32, #tpu.memory_space<hbm>>
      %dma_wait3A_116 = tpu.memref_squeeze %dma_wait3A_115 : memref<1x157x128xi32, #tpu.memory_space<hbm>> -> memref<157x128xi32, #tpu.memory_space<hbm>>
      %dma_wait3A_117 = arith.constant 0 : i32
      %dma_wait3A_118 = arith.constant 0 : i32
      %dma_wait3A_119 = tpu.memref_slice %arg4[%arg1, %dma_wait3A_117, %dma_wait3A_118] : memref<16x157x128xi32, #tpu.memory_space<hbm>> -> memref<1x157x128xi32, #tpu.memory_space<hbm>>
      %dma_wait3A_120 = tpu.memref_squeeze %dma_wait3A_119 : memref<1x157x128xi32, #tpu.memory_space<hbm>> -> memref<157x128xi32, #tpu.memory_space<hbm>>
      tpu.wait_dma2 semaphore(%run_scoped3A_105 : memref<!tpu.dma_semaphore, #tpu.memory_space<semaphore_mem>>) src(%dma_wait3A_120 : memref<157x128xi32, #tpu.memory_space<hbm>>) dst(%arg8 : memref<157x128xi32, #tpu.memory_space<vmem>>)
      tpu.yield
    }) : () -> ()
    %dma_start3A = arith.constant 0 : i32
    %dma_start3A_68 = arith.constant 0 : i32
    %dma_start3A_69 = arith.constant 0 : i32
    %dma_start3A_70 = arith.constant 0 : i32
    %dma_start3A_71 = arith.constant 0 : i32
    %dma_start3A_72 = tpu.memref_slice %arg9[%dma_start3A_68, %dma_start3A_70, %dma_start3A_71] : memref<3x128x64xf32, #tpu.memory_space<vmem>> -> memref<1x128x64xf32, #tpu.memory_space<vmem>>
    %dma_start3A_73 = tpu.memref_squeeze %dma_start3A_72 : memref<1x128x64xf32, #tpu.memory_space<vmem>> -> memref<128x64xf32, #tpu.memory_space<vmem>>
    %dma_start3A_74 = arith.constant 0 : i32
    %dma_start3A_75 = tpu.memref_slice %arg7[%dma_start3A, %dma_start3A_74] : memref<157x128xi32, #tpu.memory_space<vmem>> -> memref<1x128xi32, #tpu.memory_space<vmem>>
    %dma_start3A_76 = tpu.memref_squeeze %dma_start3A_75 : memref<1x128xi32, #tpu.memory_space<vmem>> -> memref<128xi32, #tpu.memory_space<vmem>>
    %dma_start3A_77 = arith.constant 0 : i32
    %dma_start3A_78 = arith.constant 0 : i32
    %dma_start3A_79 = tpu.memref_slice %arg6[%dma_start3A_77, %dma_start3A_78] : memref<20480x64xf32, #tpu.memory_space<hbm>> -> memref<20480x64xf32, #tpu.memory_space<hbm>>
    %dma_start3A_80 = tpu.memref_slice %arg11[%dma_start3A_69] : memref<3x!tpu.dma_semaphore, #tpu.memory_space<semaphore_mem>> -> memref<1x!tpu.dma_semaphore, #tpu.memory_space<semaphore_mem>>
    %dma_start3A_81 = tpu.memref_squeeze %dma_start3A_80 : memref<1x!tpu.dma_semaphore, #tpu.memory_space<semaphore_mem>> -> memref<!tpu.dma_semaphore, #tpu.memory_space<semaphore_mem>>
    tpu.enqueue_indirect_dma source(%dma_start3A_79 : memref<20480x64xf32, #tpu.memory_space<hbm>>) target(%dma_start3A_73 : memref<128x64xf32, #tpu.memory_space<vmem>>) offsets(%dma_start3A_76 : memref<128xi32, #tpu.memory_space<vmem>>) semaphore(%dma_start3A_81 : memref<!tpu.dma_semaphore, #tpu.memory_space<semaphore_mem>>)
    %dma_start3A_82 = arith.constant 1 : i32
    %dma_start3A_83 = arith.constant 1 : i32
    %dma_start3A_84 = arith.constant 1 : i32
    %dma_start3A_85 = arith.constant 0 : i32
    %dma_start3A_86 = arith.constant 0 : i32
    %dma_start3A_87 = tpu.memref_slice %arg9[%dma_start3A_83, %dma_start3A_85, %dma_start3A_86] : memref<3x128x64xf32, #tpu.memory_space<vmem>> -> memref<1x128x64xf32, #tpu.memory_space<vmem>>
    %dma_start3A_88 = tpu.memref_squeeze %dma_start3A_87 : memref<1x128x64xf32, #tpu.memory_space<vmem>> -> memref<128x64xf32, #tpu.memory_space<vmem>>
    %dma_start3A_89 = arith.constant 0 : i32
    %dma_start3A_90 = tpu.memref_slice %arg7[%dma_start3A_82, %dma_start3A_89] : memref<157x128xi32, #tpu.memory_space<vmem>> -> memref<1x128xi32, #tpu.memory_space<vmem>>
    %dma_start3A_91 = tpu.memref_squeeze %dma_start3A_90 : memref<1x128xi32, #tpu.memory_space<vmem>> -> memref<128xi32, #tpu.memory_space<vmem>>
    %dma_start3A_92 = arith.constant 0 : i32
    %dma_start3A_93 = arith.constant 0 : i32
    %dma_start3A_94 = tpu.memref_slice %arg6[%dma_start3A_92, %dma_start3A_93] : memref<20480x64xf32, #tpu.memory_space<hbm>> -> memref<20480x64xf32, #tpu.memory_space<hbm>>
    %dma_start3A_95 = tpu.memref_slice %arg11[%dma_start3A_84] : memref<3x!tpu.dma_semaphore, #tpu.memory_space<semaphore_mem>> -> memref<1x!tpu.dma_semaphore, #tpu.memory_space<semaphore_mem>>
    %dma_start3A_96 = tpu.memref_squeeze %dma_start3A_95 : memref<1x!tpu.dma_semaphore, #tpu.memory_space<semaphore_mem>> -> memref<!tpu.dma_semaphore, #tpu.memory_space<semaphore_mem>>
    tpu.enqueue_indirect_dma source(%dma_start3A_94 : memref<20480x64xf32, #tpu.memory_space<hbm>>) target(%dma_start3A_88 : memref<128x64xf32, #tpu.memory_space<vmem>>) offsets(%dma_start3A_91 : memref<128xi32, #tpu.memory_space<vmem>>) semaphore(%dma_start3A_96 : memref<!tpu.dma_semaphore, #tpu.memory_space<semaphore_mem>>)
    %scan3A_97 = arith.constant 0 : i32
    %scan3A_98 = arith.constant 0 : i32
    %scan3A_99 = arith.constant 157 : i32
    %scan3A_100 = arith.addi %scan3A_98, %scan3A_99 : i32
    %scan3A_101 = arith.constant 1 : i32
    %scan3A_102 = scf.for %scan3A_105 = %scan3A_98 to %scan3A_100 step %scan3A_101 iter_args(%scan3A_106 = %scan3A_97) -> (i32)  : i32 {
      %rem3A = arith.constant 3 : i32
      %rem3A_107 = arith.remsi %scan3A_105, %rem3A : i32
      %add3A_108 = arith.constant 2 : i32
      %add3A_109 = arith.addi %scan3A_105, %add3A_108 : i32
      %lt3A = arith.constant 157 : i32
      %lt3A_110 = arith.cmpi slt, %add3A_109, %lt3A : i32
      %convert_element_type3A = arith.extui %lt3A_110 : i1 to i32
      %cond3A = arith.constant 0 : i32
      %cond3A_111 = arith.cmpi ne, %convert_element_type3A, %cond3A : i32
      scf.if %cond3A_111 {
        %add3A_124 = arith.constant 2 : i32
        %add3A_125 = arith.addi %scan3A_105, %add3A_124 : i32
        %add3A_126 = arith.constant 2 : i32
        %add3A_127 = arith.addi %scan3A_105, %add3A_126 : i32
        %rem3A_128 = arith.constant 3 : i32
        %rem3A_129 = arith.remsi %add3A_127, %rem3A_128 : i32
        %dma_start3A_130 = arith.constant 0 : i32
        %dma_start3A_131 = arith.constant 0 : i32
        %dma_start3A_132 = tpu.memref_slice %arg9[%rem3A_129, %dma_start3A_130, %dma_start3A_131] : memref<3x128x64xf32, #tpu.memory_space<vmem>> -> memref<1x128x64xf32, #tpu.memory_space<vmem>>
        %dma_start3A_133 = tpu.memref_squeeze %dma_start3A_132 : memref<1x128x64xf32, #tpu.memory_space<vmem>> -> memref<128x64xf32, #tpu.memory_space<vmem>>
        %dma_start3A_134 = arith.constant 0 : i32
        %dma_start3A_135 = tpu.memref_slice %arg7[%add3A_125, %dma_start3A_134] : memref<157x128xi32, #tpu.memory_space<vmem>> -> memref<1x128xi32, #tpu.memory_space<vmem>>
        %dma_start3A_136 = tpu.memref_squeeze %dma_start3A_135 : memref<1x128xi32, #tpu.memory_space<vmem>> -> memref<128xi32, #tpu.memory_space<vmem>>
        %dma_start3A_137 = arith.constant 0 : i32
        %dma_start3A_138 = arith.constant 0 : i32
        %dma_start3A_139 = tpu.memref_slice %arg6[%dma_start3A_137, %dma_start3A_138] : memref<20480x64xf32, #tpu.memory_space<hbm>> -> memref<20480x64xf32, #tpu.memory_space<hbm>>
        %dma_start3A_140 = tpu.memref_slice %arg11[%rem3A_129] : memref<3x!tpu.dma_semaphore, #tpu.memory_space<semaphore_mem>> -> memref<1x!tpu.dma_semaphore, #tpu.memory_space<semaphore_mem>>
        %dma_start3A_141 = tpu.memref_squeeze %dma_start3A_140 : memref<1x!tpu.dma_semaphore, #tpu.memory_space<semaphore_mem>> -> memref<!tpu.dma_semaphore, #tpu.memory_space<semaphore_mem>>
        tpu.enqueue_indirect_dma source(%dma_start3A_139 : memref<20480x64xf32, #tpu.memory_space<hbm>>) target(%dma_start3A_133 : memref<128x64xf32, #tpu.memory_space<vmem>>) offsets(%dma_start3A_136 : memref<128xi32, #tpu.memory_space<vmem>>) semaphore(%dma_start3A_141 : memref<!tpu.dma_semaphore, #tpu.memory_space<semaphore_mem>>)
      } else {
      }
      %dma_wait3A = arith.constant 0 : i32
      %dma_wait3A_112 = arith.constant 0 : i32
      %dma_wait3A_113 = tpu.memref_slice %arg9[%rem3A_107, %dma_wait3A, %dma_wait3A_112] : memref<3x128x64xf32, #tpu.memory_space<vmem>> -> memref<1x128x64xf32, #tpu.memory_space<vmem>>
      %dma_wait3A_114 = tpu.memref_squeeze %dma_wait3A_113 : memref<1x128x64xf32, #tpu.memory_space<vmem>> -> memref<128x64xf32, #tpu.memory_space<vmem>>
      %dma_wait3A_115 = arith.constant 0 : i32
      %dma_wait3A_116 = tpu.memref_slice %arg7[%scan3A_105, %dma_wait3A_115] : memref<157x128xi32, #tpu.memory_space<vmem>> -> memref<1x128xi32, #tpu.memory_space<vmem>>
      %dma_wait3A_117 = tpu.memref_squeeze %dma_wait3A_116 : memref<1x128xi32, #tpu.memory_space<vmem>> -> memref<128xi32, #tpu.memory_space<vmem>>
      %dma_wait3A_118 = arith.constant 0 : i32
      %dma_wait3A_119 = arith.constant 0 : i32
      %dma_wait3A_120 = tpu.memref_slice %arg6[%dma_wait3A_118, %dma_wait3A_119] : memref<20480x64xf32, #tpu.memory_space<hbm>> -> memref<20480x64xf32, #tpu.memory_space<hbm>>
      %dma_wait3A_121 = tpu.memref_slice %arg11[%rem3A_107] : memref<3x!tpu.dma_semaphore, #tpu.memory_space<semaphore_mem>> -> memref<1x!tpu.dma_semaphore, #tpu.memory_space<semaphore_mem>>
      %dma_wait3A_122 = tpu.memref_squeeze %dma_wait3A_121 : memref<1x!tpu.dma_semaphore, #tpu.memory_space<semaphore_mem>> -> memref<!tpu.dma_semaphore, #tpu.memory_space<semaphore_mem>>
      tpu.wait_indirect_dma semaphore(%dma_wait3A_122 : memref<!tpu.dma_semaphore, #tpu.memory_space<semaphore_mem>>) src(%dma_wait3A_120 : memref<20480x64xf32, #tpu.memory_space<hbm>>) dst(%dma_wait3A_114 : memref<128x64xf32, #tpu.memory_space<vmem>>)
      "tpu.region"() ({
        %run_scoped3A_124 = tpu.sem_alloc : memref<!tpu.dma_semaphore, #tpu.memory_space<semaphore_mem>>
        %dma_start3A_125 = arith.constant 0 : i32
        %dma_start3A_126 = arith.constant 0 : i32
        %dma_start3A_127 = tpu.memref_slice %arg9[%rem3A_107, %dma_start3A_125, %dma_start3A_126] : memref<3x128x64xf32, #tpu.memory_space<vmem>> -> memref<1x128x64xf32, #tpu.memory_space<vmem>>
        %dma_start3A_128 = tpu.memref_squeeze %dma_start3A_127 : memref<1x128x64xf32, #tpu.memory_space<vmem>> -> memref<128x64xf32, #tpu.memory_space<vmem>>
        %dma_start3A_129 = arith.constant 0 : i32
        %dma_start3A_130 = tpu.memref_slice %arg8[%scan3A_105, %dma_start3A_129] : memref<157x128xi32, #tpu.memory_space<vmem>> -> memref<1x128xi32, #tpu.memory_space<vmem>>
        %dma_start3A_131 = tpu.memref_squeeze %dma_start3A_130 : memref<1x128xi32, #tpu.memory_space<vmem>> -> memref<128xi32, #tpu.memory_space<vmem>>
        %dma_start3A_132 = arith.constant 0 : i32
        %dma_start3A_133 = arith.constant 0 : i32
        %dma_start3A_134 = tpu.memref_slice %arg10[%dma_start3A_132, %dma_start3A_133] : memref<10240x64xf32, #tpu.memory_space<vmem_shared>> -> memref<10240x64xf32, #tpu.memory_space<vmem_shared>>
        tpu.enqueue_indirect_dma source(%dma_start3A_128 : memref<128x64xf32, #tpu.memory_space<vmem>>) target(%dma_start3A_134 : memref<10240x64xf32, #tpu.memory_space<vmem_shared>>) offsets(%dma_start3A_131 : memref<128xi32, #tpu.memory_space<vmem>>) semaphore(%run_scoped3A_124 : memref<!tpu.dma_semaphore, #tpu.memory_space<semaphore_mem>>) {add = true}
        %dma_wait3A_135 = arith.constant 0 : i32
        %dma_wait3A_136 = arith.constant 0 : i32
        %dma_wait3A_137 = tpu.memref_slice %arg9[%rem3A_107, %dma_wait3A_135, %dma_wait3A_136] : memref<3x128x64xf32, #tpu.memory_space<vmem>> -> memref<1x128x64xf32, #tpu.memory_space<vmem>>
        %dma_wait3A_138 = tpu.memref_squeeze %dma_wait3A_137 : memref<1x128x64xf32, #tpu.memory_space<vmem>> -> memref<128x64xf32, #tpu.memory_space<vmem>>
        %dma_wait3A_139 = arith.constant 0 : i32
        %dma_wait3A_140 = tpu.memref_slice %arg8[%scan3A_105, %dma_wait3A_139] : memref<157x128xi32, #tpu.memory_space<vmem>> -> memref<1x128xi32, #tpu.memory_space<vmem>>
        %dma_wait3A_141 = tpu.memref_squeeze %dma_wait3A_140 : memref<1x128xi32, #tpu.memory_space<vmem>> -> memref<128xi32, #tpu.memory_space<vmem>>
        %dma_wait3A_142 = arith.constant 0 : i32
        %dma_wait3A_143 = arith.constant 0 : i32
        %dma_wait3A_144 = tpu.memref_slice %arg10[%dma_wait3A_142, %dma_wait3A_143] : memref<10240x64xf32, #tpu.memory_space<vmem_shared>> -> memref<10240x64xf32, #tpu.memory_space<vmem_shared>>
        tpu.wait_indirect_dma semaphore(%run_scoped3A_124 : memref<!tpu.dma_semaphore, #tpu.memory_space<semaphore_mem>>) src(%dma_wait3A_138 : memref<128x64xf32, #tpu.memory_space<vmem>>) dst(%dma_wait3A_144 : memref<10240x64xf32, #tpu.memory_space<vmem_shared>>)
        tpu.yield
      }) : () -> ()
      %scan3A_123 = arith.constant 0 : i32
      scf.yield %scan3A_123 : i32
    }
    %scan3A_103 = arith.constant 157 : i32
    %barrier3A_104 = arith.constant 0 : index
    tpu.barrier barrier_id(%barrier3A_104)
    "tpu.region"() ({
      %run_scoped3A_105 = tpu.sem_alloc : memref<!tpu.dma_semaphore, #tpu.memory_space<semaphore_mem>>
      %dma_start3A_106 = tpu.memref_slice %arg5[%mul3A_0, %multiple_of3A] : memref<10240x128xf32, #tpu.memory_space<hbm>> -> memref<640x64xf32, #tpu.memory_space<hbm>>
      %dma_start3A_107 = arith.constant 0 : i32
      %dma_start3A_108 = tpu.memref_slice %arg10[%mul3A_0, %dma_start3A_107] : memref<10240x64xf32, #tpu.memory_space<vmem_shared>> -> memref<640x64xf32, #tpu.memory_space<vmem_shared>>
      tpu.enqueue_dma source(%dma_start3A_108 : memref<640x64xf32, #tpu.memory_space<vmem_shared>>) target(%dma_start3A_106 : memref<640x64xf32, #tpu.memory_space<hbm>>) target_semaphore(%run_scoped3A_105 : memref<!tpu.dma_semaphore, #tpu.memory_space<semaphore_mem>>)
      %dma_wait3A = tpu.memref_slice %arg5[%mul3A_0, %multiple_of3A] : memref<10240x128xf32, #tpu.memory_space<hbm>> -> memref<640x64xf32, #tpu.memory_space<hbm>>
      %dma_wait3A_109 = arith.constant 0 : i32
      %dma_wait3A_110 = tpu.memref_slice %arg10[%mul3A_0, %dma_wait3A_109] : memref<10240x64xf32, #tpu.memory_space<vmem_shared>> -> memref<640x64xf32, #tpu.memory_space<vmem_shared>>
      tpu.wait_dma2 semaphore(%run_scoped3A_105 : memref<!tpu.dma_semaphore, #tpu.memory_space<semaphore_mem>>) src(%dma_wait3A_110 : memref<640x64xf32, #tpu.memory_space<vmem_shared>>) dst(%dma_wait3A : memref<640x64xf32, #tpu.memory_space<hbm>>)
      tpu.yield
    }) : () -> ()
    return
  }
}

#map = affine_map<(d0, d1) -> (0, 0, 0)>
#map1 = affine_map<(d0, d1) -> (0, 0)>
module attributes {stable_mosaic.version = 14 : i64} {
  func.func @deg_kernel(%arg0: i32, %arg1: i32, %arg2: memref<16x314x128xi32, #tpu.memory_space<hbm>>, %arg3: memref<20480x16xf32, #tpu.memory_space<hbm>>, %arg4: memref<314x128xi32, #tpu.memory_space<vmem>>, %arg5: memref<128x16xf32, #tpu.memory_space<vmem>>, %arg6: memref<640x16xf32, #tpu.memory_space<vmem>>, %arg7: memref<20480x16xf32, #tpu.memory_space<vmem_shared>>) attributes {dimension_semantics = [#tpu.dimension_semantics<core_parallel>, #tpu.dimension_semantics<subcore_parallel>], iteration_bounds = array<i64: 2, 16>, scalar_prefetch = 0 : i64, scratch_operands = 4 : i64, tpu.core_type = #tpu.core_type<sc_vector_subcore>, window_params = [{transform_indices = #map}, {transform_indices = #map1}]} {
    %broadcast_in_dim3A = arith.constant 1.000000e+00 : f32
    %broadcast_in_dim3A_0 = vector.broadcast %broadcast_in_dim3A : f32 to vector<16xf32>
    %broadcast_in_dim3A_1 = arith.constant 0.000000e+00 : f32
    %broadcast_in_dim3A_2 = vector.broadcast %broadcast_in_dim3A_1 : f32 to vector<16xf32>
    %scan3A = arith.constant 0 : i32
    %scan3A_3 = arith.constant 0 : i32
    %scan3A_4 = arith.constant 128 : i32
    %scan3A_5 = arith.addi %scan3A_3, %scan3A_4 : i32
    %scan3A_6 = arith.constant 1 : i32
    %scan3A_7 = scf.for %scan3A_42 = %scan3A_3 to %scan3A_5 step %scan3A_6 iter_args(%scan3A_43 = %scan3A) -> (i32)  : i32 {
      %swap3A = arith.index_cast %scan3A_42 : i32 to index
      %swap3A_44 = arith.constant 0 : index
      %swap3A_45 = tpu.vector_load %arg5[%swap3A, %swap3A_44] {strides = array<i32>} : memref<128x16xf32, #tpu.memory_space<vmem>>, vector<1x16xf32>,
      %swap3A_46 = vector.shape_cast %swap3A_45 : vector<1x16xf32> to vector<16xf32>
      %swap3A_47 = vector.shape_cast %broadcast_in_dim3A_0 : vector<16xf32> to vector<1x16xf32>
      tpu.vector_store %arg5[%swap3A, %swap3A_44], %swap3A_47 {strides = array<i32>} : memref<128x16xf32, #tpu.memory_space<vmem>>, vector<1x16xf32>,
      %scan3A_48 = arith.constant 0 : i32
      scf.yield %scan3A_48 : i32
    }
    %scan3A_8 = arith.constant 128 : i32
    %scan3A_9 = arith.constant 0 : i32
    %scan3A_10 = arith.constant 0 : i32
    %scan3A_11 = arith.constant 640 : i32
    %scan3A_12 = arith.addi %scan3A_10, %scan3A_11 : i32
    %scan3A_13 = arith.constant 1 : i32
    %scan3A_14 = scf.for %scan3A_42 = %scan3A_10 to %scan3A_12 step %scan3A_13 iter_args(%scan3A_43 = %scan3A_9) -> (i32)  : i32 {
      %swap3A = arith.index_cast %scan3A_42 : i32 to index
      %swap3A_44 = arith.constant 0 : index
      %swap3A_45 = tpu.vector_load %arg6[%swap3A, %swap3A_44] {strides = array<i32>} : memref<640x16xf32, #tpu.memory_space<vmem>>, vector<1x16xf32>,
      %swap3A_46 = vector.shape_cast %swap3A_45 : vector<1x16xf32> to vector<16xf32>
      %swap3A_47 = vector.shape_cast %broadcast_in_dim3A_2 : vector<16xf32> to vector<1x16xf32>
      tpu.vector_store %arg6[%swap3A, %swap3A_44], %swap3A_47 {strides = array<i32>} : memref<640x16xf32, #tpu.memory_space<vmem>>, vector<1x16xf32>,
      %scan3A_48 = arith.constant 0 : i32
      scf.yield %scan3A_48 : i32
    }
    %scan3A_15 = arith.constant 640 : i32
    %mul3A = arith.constant 640 : i32
    %mul3A_16 = arith.muli %arg1, %mul3A : i32
    "tpu.region"() ({
      %run_scoped3A = tpu.sem_alloc : memref<!tpu.dma_semaphore, #tpu.memory_space<semaphore_mem>>
      %dma_start3A = arith.constant 0 : i32
      %dma_start3A_42 = tpu.memref_slice %arg7[%mul3A_16, %dma_start3A] : memref<20480x16xf32, #tpu.memory_space<vmem_shared>> -> memref<640x16xf32, #tpu.memory_space<vmem_shared>>
      %dma_start3A_43 = arith.constant 0 : i32
      %dma_start3A_44 = tpu.memref_slice %arg7[%mul3A_16, %dma_start3A_43] : memref<20480x16xf32, #tpu.memory_space<vmem_shared>> -> memref<640x16xf32, #tpu.memory_space<vmem_shared>>
      tpu.enqueue_dma source(%arg6 : memref<640x16xf32, #tpu.memory_space<vmem>>) target(%dma_start3A_44 : memref<640x16xf32, #tpu.memory_space<vmem_shared>>) target_semaphore(%run_scoped3A : memref<!tpu.dma_semaphore, #tpu.memory_space<semaphore_mem>>)
      %dma_wait3A = arith.constant 0 : i32
      %dma_wait3A_45 = tpu.memref_slice %arg7[%mul3A_16, %dma_wait3A] : memref<20480x16xf32, #tpu.memory_space<vmem_shared>> -> memref<640x16xf32, #tpu.memory_space<vmem_shared>>
      %dma_wait3A_46 = arith.constant 0 : i32
      %dma_wait3A_47 = tpu.memref_slice %arg7[%mul3A_16, %dma_wait3A_46] : memref<20480x16xf32, #tpu.memory_space<vmem_shared>> -> memref<640x16xf32, #tpu.memory_space<vmem_shared>>
      tpu.wait_dma2 semaphore(%run_scoped3A : memref<!tpu.dma_semaphore, #tpu.memory_space<semaphore_mem>>) src(%arg6 : memref<640x16xf32, #tpu.memory_space<vmem>>) dst(%dma_wait3A_47 : memref<640x16xf32, #tpu.memory_space<vmem_shared>>)
      tpu.yield
    }) : () -> ()
    %mul3A_17 = arith.constant 640 : i32
    %mul3A_18 = arith.muli %arg1, %mul3A_17 : i32
    %add3A = arith.constant 10240 : i32
    %add3A_19 = arith.addi %add3A, %mul3A_18 : i32
    "tpu.region"() ({
      %run_scoped3A = tpu.sem_alloc : memref<!tpu.dma_semaphore, #tpu.memory_space<semaphore_mem>>
      %dma_start3A = arith.constant 0 : i32
      %dma_start3A_42 = tpu.memref_slice %arg7[%add3A_19, %dma_start3A] : memref<20480x16xf32, #tpu.memory_space<vmem_shared>> -> memref<640x16xf32, #tpu.memory_space<vmem_shared>>
      %dma_start3A_43 = arith.constant 0 : i32
      %dma_start3A_44 = tpu.memref_slice %arg7[%add3A_19, %dma_start3A_43] : memref<20480x16xf32, #tpu.memory_space<vmem_shared>> -> memref<640x16xf32, #tpu.memory_space<vmem_shared>>
      tpu.enqueue_dma source(%arg6 : memref<640x16xf32, #tpu.memory_space<vmem>>) target(%dma_start3A_44 : memref<640x16xf32, #tpu.memory_space<vmem_shared>>) target_semaphore(%run_scoped3A : memref<!tpu.dma_semaphore, #tpu.memory_space<semaphore_mem>>)
      %dma_wait3A = arith.constant 0 : i32
      %dma_wait3A_45 = tpu.memref_slice %arg7[%add3A_19, %dma_wait3A] : memref<20480x16xf32, #tpu.memory_space<vmem_shared>> -> memref<640x16xf32, #tpu.memory_space<vmem_shared>>
      %dma_wait3A_46 = arith.constant 0 : i32
      %dma_wait3A_47 = tpu.memref_slice %arg7[%add3A_19, %dma_wait3A_46] : memref<20480x16xf32, #tpu.memory_space<vmem_shared>> -> memref<640x16xf32, #tpu.memory_space<vmem_shared>>
      tpu.wait_dma2 semaphore(%run_scoped3A : memref<!tpu.dma_semaphore, #tpu.memory_space<semaphore_mem>>) src(%arg6 : memref<640x16xf32, #tpu.memory_space<vmem>>) dst(%dma_wait3A_47 : memref<640x16xf32, #tpu.memory_space<vmem_shared>>)
      tpu.yield
    }) : () -> ()
    %barrier3A = arith.constant 0 : index
    tpu.barrier barrier_id(%barrier3A)
    "tpu.region"() ({
      %run_scoped3A = tpu.sem_alloc : memref<!tpu.dma_semaphore, #tpu.memory_space<semaphore_mem>>
      %dma_start3A = arith.constant 0 : i32
      %dma_start3A_42 = arith.constant 0 : i32
      %dma_start3A_43 = tpu.memref_slice %arg2[%arg1, %dma_start3A, %dma_start3A_42] : memref<16x314x128xi32, #tpu.memory_space<hbm>> -> memref<1x314x128xi32, #tpu.memory_space<hbm>>
      %dma_start3A_44 = tpu.memref_squeeze %dma_start3A_43 : memref<1x314x128xi32, #tpu.memory_space<hbm>> -> memref<314x128xi32, #tpu.memory_space<hbm>>
      %dma_start3A_45 = arith.constant 0 : i32
      %dma_start3A_46 = arith.constant 0 : i32
      %dma_start3A_47 = tpu.memref_slice %arg2[%arg1, %dma_start3A_45, %dma_start3A_46] : memref<16x314x128xi32, #tpu.memory_space<hbm>> -> memref<1x314x128xi32, #tpu.memory_space<hbm>>
      %dma_start3A_48 = tpu.memref_squeeze %dma_start3A_47 : memref<1x314x128xi32, #tpu.memory_space<hbm>> -> memref<314x128xi32, #tpu.memory_space<hbm>>
      tpu.enqueue_dma source(%dma_start3A_48 : memref<314x128xi32, #tpu.memory_space<hbm>>) target(%arg4 : memref<314x128xi32, #tpu.memory_space<vmem>>) target_semaphore(%run_scoped3A : memref<!tpu.dma_semaphore, #tpu.memory_space<semaphore_mem>>)
      %dma_wait3A = arith.constant 0 : i32
      %dma_wait3A_49 = arith.constant 0 : i32
      %dma_wait3A_50 = tpu.memref_slice %arg2[%arg1, %dma_wait3A, %dma_wait3A_49] : memref<16x314x128xi32, #tpu.memory_space<hbm>> -> memref<1x314x128xi32, #tpu.memory_space<hbm>>
      %dma_wait3A_51 = tpu.memref_squeeze %dma_wait3A_50 : memref<1x314x128xi32, #tpu.memory_space<hbm>> -> memref<314x128xi32, #tpu.memory_space<hbm>>
      %dma_wait3A_52 = arith.constant 0 : i32
      %dma_wait3A_53 = arith.constant 0 : i32
      %dma_wait3A_54 = tpu.memref_slice %arg2[%arg1, %dma_wait3A_52, %dma_wait3A_53] : memref<16x314x128xi32, #tpu.memory_space<hbm>> -> memref<1x314x128xi32, #tpu.memory_space<hbm>>
      %dma_wait3A_55 = tpu.memref_squeeze %dma_wait3A_54 : memref<1x314x128xi32, #tpu.memory_space<hbm>> -> memref<314x128xi32, #tpu.memory_space<hbm>>
      tpu.wait_dma2 semaphore(%run_scoped3A : memref<!tpu.dma_semaphore, #tpu.memory_space<semaphore_mem>>) src(%dma_wait3A_55 : memref<314x128xi32, #tpu.memory_space<hbm>>) dst(%arg4 : memref<314x128xi32, #tpu.memory_space<vmem>>)
      tpu.yield
    }) : () -> ()
    %mul3A_20 = arith.constant 157 : i32
    %mul3A_21 = arith.muli %arg0, %mul3A_20 : i32
    %add3A_22 = arith.constant 1 : i32
    %add3A_23 = arith.addi %arg0, %add3A_22 : i32
    %mul3A_24 = arith.constant 157 : i32
    %mul3A_25 = arith.muli %add3A_23, %mul3A_24 : i32
    %while3A = arith.constant 0 : i32
    %while3A_26 = arith.subi %mul3A_25, %mul3A_21 : i32
    %while3A_27 = arith.addi %mul3A_21, %while3A_26 : i32
    %while3A_28 = arith.constant 1 : i32
    %while3A_29 = arith.divsi %while3A_26, %while3A_28 : i32
    %while3A_30 = arith.muli %while3A_29, %while3A_28 : i32
    %while3A_31 = arith.addi %mul3A_21, %while3A_30 : i32
    %while3A_32 = arith.constant 1 : i32
    %while3A_33 = scf.for %while3A_42 = %mul3A_21 to %while3A_31 step %while3A_32 iter_args(%while3A_43 = %while3A) -> (i32)  : i32 {
      "tpu.region"() ({
        %run_scoped3A = tpu.sem_alloc : memref<!tpu.dma_semaphore, #tpu.memory_space<semaphore_mem>>
        %dma_start3A = arith.constant 0 : i32
        %dma_start3A_45 = tpu.memref_slice %arg4[%while3A_42, %dma_start3A] : memref<314x128xi32, #tpu.memory_space<vmem>> -> memref<1x128xi32, #tpu.memory_space<vmem>>
        %dma_start3A_46 = tpu.memref_squeeze %dma_start3A_45 : memref<1x128xi32, #tpu.memory_space<vmem>> -> memref<128xi32, #tpu.memory_space<vmem>>
        %dma_start3A_47 = arith.constant 0 : i32
        %dma_start3A_48 = arith.constant 0 : i32
        %dma_start3A_49 = tpu.memref_slice %arg7[%dma_start3A_47, %dma_start3A_48] : memref<20480x16xf32, #tpu.memory_space<vmem_shared>> -> memref<20480x16xf32, #tpu.memory_space<vmem_shared>>
        tpu.enqueue_indirect_dma source(%arg5 : memref<128x16xf32, #tpu.memory_space<vmem>>) target(%dma_start3A_49 : memref<20480x16xf32, #tpu.memory_space<vmem_shared>>) offsets(%dma_start3A_46 : memref<128xi32, #tpu.memory_space<vmem>>) semaphore(%run_scoped3A : memref<!tpu.dma_semaphore, #tpu.memory_space<semaphore_mem>>) {add = true}
        %dma_wait3A = arith.constant 0 : i32
        %dma_wait3A_50 = tpu.memref_slice %arg4[%while3A_42, %dma_wait3A] : memref<314x128xi32, #tpu.memory_space<vmem>> -> memref<1x128xi32, #tpu.memory_space<vmem>>
        %dma_wait3A_51 = tpu.memref_squeeze %dma_wait3A_50 : memref<1x128xi32, #tpu.memory_space<vmem>> -> memref<128xi32, #tpu.memory_space<vmem>>
        %dma_wait3A_52 = arith.constant 0 : i32
        %dma_wait3A_53 = arith.constant 0 : i32
        %dma_wait3A_54 = tpu.memref_slice %arg7[%dma_wait3A_52, %dma_wait3A_53] : memref<20480x16xf32, #tpu.memory_space<vmem_shared>> -> memref<20480x16xf32, #tpu.memory_space<vmem_shared>>
        tpu.wait_indirect_dma semaphore(%run_scoped3A : memref<!tpu.dma_semaphore, #tpu.memory_space<semaphore_mem>>) src(%arg5 : memref<128x16xf32, #tpu.memory_space<vmem>>) dst(%dma_wait3A_54 : memref<20480x16xf32, #tpu.memory_space<vmem_shared>>)
        tpu.yield
      }) : () -> ()
      %while3A_44 = arith.constant 0 : i32
      scf.yield %while3A_44 : i32
    }
    %while3A_34 = arith.constant 1 : i32
    %while3A_35 = scf.for %while3A_42 = %while3A_31 to %while3A_27 step %while3A_34 iter_args(%while3A_43 = %while3A_33) -> (i32)  : i32 {
      "tpu.region"() ({
        %run_scoped3A = tpu.sem_alloc : memref<!tpu.dma_semaphore, #tpu.memory_space<semaphore_mem>>
        %dma_start3A = arith.constant 0 : i32
        %dma_start3A_45 = tpu.memref_slice %arg4[%while3A_42, %dma_start3A] : memref<314x128xi32, #tpu.memory_space<vmem>> -> memref<1x128xi32, #tpu.memory_space<vmem>>
        %dma_start3A_46 = tpu.memref_squeeze %dma_start3A_45 : memref<1x128xi32, #tpu.memory_space<vmem>> -> memref<128xi32, #tpu.memory_space<vmem>>
        %dma_start3A_47 = arith.constant 0 : i32
        %dma_start3A_48 = arith.constant 0 : i32
        %dma_start3A_49 = tpu.memref_slice %arg7[%dma_start3A_47, %dma_start3A_48] : memref<20480x16xf32, #tpu.memory_space<vmem_shared>> -> memref<20480x16xf32, #tpu.memory_space<vmem_shared>>
        tpu.enqueue_indirect_dma source(%arg5 : memref<128x16xf32, #tpu.memory_space<vmem>>) target(%dma_start3A_49 : memref<20480x16xf32, #tpu.memory_space<vmem_shared>>) offsets(%dma_start3A_46 : memref<128xi32, #tpu.memory_space<vmem>>) semaphore(%run_scoped3A : memref<!tpu.dma_semaphore, #tpu.memory_space<semaphore_mem>>) {add = true}
        %dma_wait3A = arith.constant 0 : i32
        %dma_wait3A_50 = tpu.memref_slice %arg4[%while3A_42, %dma_wait3A] : memref<314x128xi32, #tpu.memory_space<vmem>> -> memref<1x128xi32, #tpu.memory_space<vmem>>
        %dma_wait3A_51 = tpu.memref_squeeze %dma_wait3A_50 : memref<1x128xi32, #tpu.memory_space<vmem>> -> memref<128xi32, #tpu.memory_space<vmem>>
        %dma_wait3A_52 = arith.constant 0 : i32
        %dma_wait3A_53 = arith.constant 0 : i32
        %dma_wait3A_54 = tpu.memref_slice %arg7[%dma_wait3A_52, %dma_wait3A_53] : memref<20480x16xf32, #tpu.memory_space<vmem_shared>> -> memref<20480x16xf32, #tpu.memory_space<vmem_shared>>
        tpu.wait_indirect_dma semaphore(%run_scoped3A : memref<!tpu.dma_semaphore, #tpu.memory_space<semaphore_mem>>) src(%arg5 : memref<128x16xf32, #tpu.memory_space<vmem>>) dst(%dma_wait3A_54 : memref<20480x16xf32, #tpu.memory_space<vmem_shared>>)
        tpu.yield
      }) : () -> ()
      %while3A_44 = arith.constant 0 : i32
      scf.yield %while3A_44 : i32
    }
    %barrier3A_36 = arith.constant 0 : index
    tpu.barrier barrier_id(%barrier3A_36)
    %mul3A_37 = arith.constant 10240 : i32
    %mul3A_38 = arith.muli %arg0, %mul3A_37 : i32
    %mul3A_39 = arith.constant 640 : i32
    %mul3A_40 = arith.muli %arg1, %mul3A_39 : i32
    %add3A_41 = arith.addi %mul3A_38, %mul3A_40 : i32
    "tpu.region"() ({
      %run_scoped3A = tpu.sem_alloc : memref<!tpu.dma_semaphore, #tpu.memory_space<semaphore_mem>>
      %dma_start3A = arith.constant 0 : i32
      %dma_start3A_42 = tpu.memref_slice %arg3[%add3A_41, %dma_start3A] : memref<20480x16xf32, #tpu.memory_space<hbm>> -> memref<640x16xf32, #tpu.memory_space<hbm>>
      %dma_start3A_43 = arith.constant 0 : i32
      %dma_start3A_44 = tpu.memref_slice %arg7[%add3A_41, %dma_start3A_43] : memref<20480x16xf32, #tpu.memory_space<vmem_shared>> -> memref<640x16xf32, #tpu.memory_space<vmem_shared>>
      tpu.enqueue_dma source(%dma_start3A_44 : memref<640x16xf32, #tpu.memory_space<vmem_shared>>) target(%dma_start3A_42 : memref<640x16xf32, #tpu.memory_space<hbm>>) target_semaphore(%run_scoped3A : memref<!tpu.dma_semaphore, #tpu.memory_space<semaphore_mem>>)
      %dma_wait3A = arith.constant 0 : i32
      %dma_wait3A_45 = tpu.memref_slice %arg3[%add3A_41, %dma_wait3A] : memref<20480x16xf32, #tpu.memory_space<hbm>> -> memref<640x16xf32, #tpu.memory_space<hbm>>
      %dma_wait3A_46 = arith.constant 0 : i32
      %dma_wait3A_47 = tpu.memref_slice %arg7[%add3A_41, %dma_wait3A_46] : memref<20480x16xf32, #tpu.memory_space<vmem_shared>> -> memref<640x16xf32, #tpu.memory_space<vmem_shared>>
      tpu.wait_dma2 semaphore(%run_scoped3A : memref<!tpu.dma_semaphore, #tpu.memory_space<semaphore_mem>>) src(%dma_wait3A_47 : memref<640x16xf32, #tpu.memory_space<vmem_shared>>) dst(%dma_wait3A_45 : memref<640x16xf32, #tpu.memory_space<hbm>>)
      tpu.yield
    }) : () -> ()
    return
  }
}

#map = affine_map<(d0, d1) -> (0, 0)>
#map1 = affine_map<(d0, d1) -> (0, 0, 0, 0)>
#map2 = affine_map<(d0, d1) -> (0, 0, 0)>
module attributes {stable_mosaic.version = 14 : i64} {
  func.func @edge_kernel(%arg0: i32, %arg1: i32, %arg2: memref<10240x128xf32, #tpu.memory_space<hbm>>, %arg3: memref<2x16x157x128xi32, #tpu.memory_space<hbm>>, %arg4: memref<16x157x128xi32, #tpu.memory_space<hbm>>, %arg5: memref<10240x128xf32, #tpu.memory_space<hbm>>, %arg6: memref<20480x64xf32, #tpu.memory_space<hbm>>, %arg7: memref<157x128xi32, #tpu.memory_space<vmem>>, %arg8: memref<157x128xi32, #tpu.memory_space<vmem>>, %arg9: memref<3x128x64xf32, #tpu.memory_space<vmem>>, %arg10: memref<10240x64xf32, #tpu.memory_space<vmem_shared>>, %arg11: memref<3x!tpu.dma_semaphore, #tpu.memory_space<semaphore_mem>>) attributes {dimension_semantics = [#tpu.dimension_semantics<core_parallel>, #tpu.dimension_semantics<subcore_parallel>], iteration_bounds = array<i64: 2, 16>, scalar_prefetch = 0 : i64, scratch_operands = 5 : i64, tpu.core_type = #tpu.core_type<sc_vector_subcore>, window_params = [{transform_indices = #map}, {transform_indices = #map1}, {transform_indices = #map2}, {transform_indices = #map}, {transform_indices = #map}]} {
    %mul3A = arith.constant 640 : i32
    %mul3A_0 = arith.muli %arg1, %mul3A : i32
    %mul3A_1 = arith.constant 64 : i32
    %mul3A_2 = arith.muli %arg0, %mul3A_1 : i32
    %multiple_of3A = tpu.assume_multiple %mul3A_2, 8 : i32
    %broadcast_in_dim3A = arith.constant 0.000000e+00 : f32
    %broadcast_in_dim3A_3 = vector.broadcast %broadcast_in_dim3A : f32 to vector<16xf32>
    %scan3A = arith.constant 0 : i32
    %scan3A_4 = arith.constant 0 : i32
    %scan3A_5 = arith.constant 128 : i32
    %scan3A_6 = arith.addi %scan3A_4, %scan3A_5 : i32
    %scan3A_7 = arith.constant 1 : i32
    %scan3A_8 = scf.for %scan3A_105 = %scan3A_4 to %scan3A_6 step %scan3A_7 iter_args(%scan3A_106 = %scan3A) -> (i32)  : i32 {
      %swap3A = arith.constant 0 : i32
      %swap3A_107 = arith.index_cast %swap3A : i32 to index
      %swap3A_108 = arith.index_cast %scan3A_105 : i32 to index
      %swap3A_109 = arith.constant 0 : index
      %swap3A_110 = tpu.vector_load %arg9[%swap3A_107, %swap3A_108, %swap3A_109] {strides = array<i32>} : memref<3x128x64xf32, #tpu.memory_space<vmem>>, vector<1x1x16xf32>,
      %swap3A_111 = vector.shape_cast %swap3A_110 : vector<1x1x16xf32> to vector<16xf32>
      %swap3A_112 = vector.shape_cast %broadcast_in_dim3A_3 : vector<16xf32> to vector<1x1x16xf32>
      tpu.vector_store %arg9[%swap3A_107, %swap3A_108, %swap3A_109], %swap3A_112 {strides = array<i32>} : memref<3x128x64xf32, #tpu.memory_space<vmem>>, vector<1x1x16xf32>,
      %swap3A_113 = arith.constant 0 : i32
      %swap3A_114 = arith.index_cast %swap3A_113 : i32 to index
      %swap3A_115 = arith.index_cast %scan3A_105 : i32 to index
      %swap3A_116 = arith.constant 16 : index
      %swap3A_117 = tpu.vector_load %arg9[%swap3A_114, %swap3A_115, %swap3A_116] {strides = array<i32>} : memref<3x128x64xf32, #tpu.memory_space<vmem>>, vector<1x1x16xf32>,
      %swap3A_118 = vector.shape_cast %swap3A_117 : vector<1x1x16xf32> to vector<16xf32>
      %swap3A_119 = vector.shape_cast %broadcast_in_dim3A_3 : vector<16xf32> to vector<1x1x16xf32>
      tpu.vector_store %arg9[%swap3A_114, %swap3A_115, %swap3A_116], %swap3A_119 {strides = array<i32>} : memref<3x128x64xf32, #tpu.memory_space<vmem>>, vector<1x1x16xf32>,
      %swap3A_120 = arith.constant 0 : i32
      %swap3A_121 = arith.index_cast %swap3A_120 : i32 to index
      %swap3A_122 = arith.index_cast %scan3A_105 : i32 to index
      %swap3A_123 = arith.constant 32 : index
      %swap3A_124 = tpu.vector_load %arg9[%swap3A_121, %swap3A_122, %swap3A_123] {strides = array<i32>} : memref<3x128x64xf32, #tpu.memory_space<vmem>>, vector<1x1x16xf32>,
      %swap3A_125 = vector.shape_cast %swap3A_124 : vector<1x1x16xf32> to vector<16xf32>
      %swap3A_126 = vector.shape_cast %broadcast_in_dim3A_3 : vector<16xf32> to vector<1x1x16xf32>
      tpu.vector_store %arg9[%swap3A_121, %swap3A_122, %swap3A_123], %swap3A_126 {strides = array<i32>} : memref<3x128x64xf32, #tpu.memory_space<vmem>>, vector<1x1x16xf32>,
      %swap3A_127 = arith.constant 0 : i32
      %swap3A_128 = arith.index_cast %swap3A_127 : i32 to index
      %swap3A_129 = arith.index_cast %scan3A_105 : i32 to index
      %swap3A_130 = arith.constant 48 : index
      %swap3A_131 = tpu.vector_load %arg9[%swap3A_128, %swap3A_129, %swap3A_130] {strides = array<i32>} : memref<3x128x64xf32, #tpu.memory_space<vmem>>, vector<1x1x16xf32>,
      %swap3A_132 = vector.shape_cast %swap3A_131 : vector<1x1x16xf32> to vector<16xf32>
      %swap3A_133 = vector.shape_cast %broadcast_in_dim3A_3 : vector<16xf32> to vector<1x1x16xf32>
      tpu.vector_store %arg9[%swap3A_128, %swap3A_129, %swap3A_130], %swap3A_133 {strides = array<i32>} : memref<3x128x64xf32, #tpu.memory_space<vmem>>, vector<1x1x16xf32>,
      %scan3A_134 = arith.constant 0 : i32
      scf.yield %scan3A_134 : i32
    }
    %scan3A_9 = arith.constant 128 : i32
    %add3A = arith.constant 0 : i32
    %add3A_10 = arith.addi %mul3A_0, %add3A : i32
    %run_scoped3A = arith.constant 0 : i32
    "tpu.region"() ({
      %run_scoped3A_105 = tpu.sem_alloc : memref<!tpu.dma_semaphore, #tpu.memory_space<semaphore_mem>>
      %dma_start3A_106 = arith.constant 0 : i32
      %dma_start3A_107 = arith.constant 0 : i32
      %dma_start3A_108 = tpu.memref_slice %arg9[%run_scoped3A, %dma_start3A_106, %dma_start3A_107] : memref<3x128x64xf32, #tpu.memory_space<vmem>> -> memref<1x128x64xf32, #tpu.memory_space<vmem>>
      %dma_start3A_109 = tpu.memref_squeeze %dma_start3A_108 : memref<1x128x64xf32, #tpu.memory_space<vmem>> -> memref<128x64xf32, #tpu.memory_space<vmem>>
      %dma_start3A_110 = arith.constant 0 : i32
      %dma_start3A_111 = tpu.memref_slice %arg10[%add3A_10, %dma_start3A_110] : memref<10240x64xf32, #tpu.memory_space<vmem_shared>> -> memref<128x64xf32, #tpu.memory_space<vmem_shared>>
      %dma_start3A_112 = arith.constant 0 : i32
      %dma_start3A_113 = tpu.memref_slice %arg10[%add3A_10, %dma_start3A_112] : memref<10240x64xf32, #tpu.memory_space<vmem_shared>> -> memref<128x64xf32, #tpu.memory_space<vmem_shared>>
      %dma_start3A_114 = arith.constant 0 : i32
      %dma_start3A_115 = arith.constant 0 : i32
      %dma_start3A_116 = tpu.memref_slice %arg9[%run_scoped3A, %dma_start3A_114, %dma_start3A_115] : memref<3x128x64xf32, #tpu.memory_space<vmem>> -> memref<1x128x64xf32, #tpu.memory_space<vmem>>
      %dma_start3A_117 = tpu.memref_squeeze %dma_start3A_116 : memref<1x128x64xf32, #tpu.memory_space<vmem>> -> memref<128x64xf32, #tpu.memory_space<vmem>>
      tpu.enqueue_dma source(%dma_start3A_117 : memref<128x64xf32, #tpu.memory_space<vmem>>) target(%dma_start3A_113 : memref<128x64xf32, #tpu.memory_space<vmem_shared>>) target_semaphore(%run_scoped3A_105 : memref<!tpu.dma_semaphore, #tpu.memory_space<semaphore_mem>>)
      %dma_wait3A = arith.constant 0 : i32
      %dma_wait3A_118 = arith.constant 0 : i32
      %dma_wait3A_119 = tpu.memref_slice %arg9[%run_scoped3A, %dma_wait3A, %dma_wait3A_118] : memref<3x128x64xf32, #tpu.memory_space<vmem>> -> memref<1x128x64xf32, #tpu.memory_space<vmem>>
      %dma_wait3A_120 = tpu.memref_squeeze %dma_wait3A_119 : memref<1x128x64xf32, #tpu.memory_space<vmem>> -> memref<128x64xf32, #tpu.memory_space<vmem>>
      %dma_wait3A_121 = arith.constant 0 : i32
      %dma_wait3A_122 = tpu.memref_slice %arg10[%add3A_10, %dma_wait3A_121] : memref<10240x64xf32, #tpu.memory_space<vmem_shared>> -> memref<128x64xf32, #tpu.memory_space<vmem_shared>>
      %dma_wait3A_123 = arith.constant 0 : i32
      %dma_wait3A_124 = tpu.memref_slice %arg10[%add3A_10, %dma_wait3A_123] : memref<10240x64xf32, #tpu.memory_space<vmem_shared>> -> memref<128x64xf32, #tpu.memory_space<vmem_shared>>
      %dma_wait3A_125 = arith.constant 0 : i32
      %dma_wait3A_126 = arith.constant 0 : i32
      %dma_wait3A_127 = tpu.memref_slice %arg9[%run_scoped3A, %dma_wait3A_125, %dma_wait3A_126] : memref<3x128x64xf32, #tpu.memory_space<vmem>> -> memref<1x128x64xf32, #tpu.memory_space<vmem>>
      %dma_wait3A_128 = tpu.memref_squeeze %dma_wait3A_127 : memref<1x128x64xf32, #tpu.memory_space<vmem>> -> memref<128x64xf32, #tpu.memory_space<vmem>>
      tpu.wait_dma2 semaphore(%run_scoped3A_105 : memref<!tpu.dma_semaphore, #tpu.memory_space<semaphore_mem>>) src(%dma_wait3A_128 : memref<128x64xf32, #tpu.memory_space<vmem>>) dst(%dma_wait3A_124 : memref<128x64xf32, #tpu.memory_space<vmem_shared>>)
      tpu.yield
    }) : () -> ()
    %add3A_11 = arith.constant 128 : i32
    %add3A_12 = arith.addi %mul3A_0, %add3A_11 : i32
    %run_scoped3A_13 = arith.constant 0 : i32
    "tpu.region"() ({
      %run_scoped3A_105 = tpu.sem_alloc : memref<!tpu.dma_semaphore, #tpu.memory_space<semaphore_mem>>
      %dma_start3A_106 = arith.constant 0 : i32
      %dma_start3A_107 = arith.constant 0 : i32
      %dma_start3A_108 = tpu.memref_slice %arg9[%run_scoped3A_13, %dma_start3A_106, %dma_start3A_107] : memref<3x128x64xf32, #tpu.memory_space<vmem>> -> memref<1x128x64xf32, #tpu.memory_space<vmem>>
      %dma_start3A_109 = tpu.memref_squeeze %dma_start3A_108 : memref<1x128x64xf32, #tpu.memory_space<vmem>> -> memref<128x64xf32, #tpu.memory_space<vmem>>
      %dma_start3A_110 = arith.constant 0 : i32
      %dma_start3A_111 = tpu.memref_slice %arg10[%add3A_12, %dma_start3A_110] : memref<10240x64xf32, #tpu.memory_space<vmem_shared>> -> memref<128x64xf32, #tpu.memory_space<vmem_shared>>
      %dma_start3A_112 = arith.constant 0 : i32
      %dma_start3A_113 = tpu.memref_slice %arg10[%add3A_12, %dma_start3A_112] : memref<10240x64xf32, #tpu.memory_space<vmem_shared>> -> memref<128x64xf32, #tpu.memory_space<vmem_shared>>
      %dma_start3A_114 = arith.constant 0 : i32
      %dma_start3A_115 = arith.constant 0 : i32
      %dma_start3A_116 = tpu.memref_slice %arg9[%run_scoped3A_13, %dma_start3A_114, %dma_start3A_115] : memref<3x128x64xf32, #tpu.memory_space<vmem>> -> memref<1x128x64xf32, #tpu.memory_space<vmem>>
      %dma_start3A_117 = tpu.memref_squeeze %dma_start3A_116 : memref<1x128x64xf32, #tpu.memory_space<vmem>> -> memref<128x64xf32, #tpu.memory_space<vmem>>
      tpu.enqueue_dma source(%dma_start3A_117 : memref<128x64xf32, #tpu.memory_space<vmem>>) target(%dma_start3A_113 : memref<128x64xf32, #tpu.memory_space<vmem_shared>>) target_semaphore(%run_scoped3A_105 : memref<!tpu.dma_semaphore, #tpu.memory_space<semaphore_mem>>)
      %dma_wait3A = arith.constant 0 : i32
      %dma_wait3A_118 = arith.constant 0 : i32
      %dma_wait3A_119 = tpu.memref_slice %arg9[%run_scoped3A_13, %dma_wait3A, %dma_wait3A_118] : memref<3x128x64xf32, #tpu.memory_space<vmem>> -> memref<1x128x64xf32, #tpu.memory_space<vmem>>
      %dma_wait3A_120 = tpu.memref_squeeze %dma_wait3A_119 : memref<1x128x64xf32, #tpu.memory_space<vmem>> -> memref<128x64xf32, #tpu.memory_space<vmem>>
      %dma_wait3A_121 = arith.constant 0 : i32
      %dma_wait3A_122 = tpu.memref_slice %arg10[%add3A_12, %dma_wait3A_121] : memref<10240x64xf32, #tpu.memory_space<vmem_shared>> -> memref<128x64xf32, #tpu.memory_space<vmem_shared>>
      %dma_wait3A_123 = arith.constant 0 : i32
      %dma_wait3A_124 = tpu.memref_slice %arg10[%add3A_12, %dma_wait3A_123] : memref<10240x64xf32, #tpu.memory_space<vmem_shared>> -> memref<128x64xf32, #tpu.memory_space<vmem_shared>>
      %dma_wait3A_125 = arith.constant 0 : i32
      %dma_wait3A_126 = arith.constant 0 : i32
      %dma_wait3A_127 = tpu.memref_slice %arg9[%run_scoped3A_13, %dma_wait3A_125, %dma_wait3A_126] : memref<3x128x64xf32, #tpu.memory_space<vmem>> -> memref<1x128x64xf32, #tpu.memory_space<vmem>>
      %dma_wait3A_128 = tpu.memref_squeeze %dma_wait3A_127 : memref<1x128x64xf32, #tpu.memory_space<vmem>> -> memref<128x64xf32, #tpu.memory_space<vmem>>
      tpu.wait_dma2 semaphore(%run_scoped3A_105 : memref<!tpu.dma_semaphore, #tpu.memory_space<semaphore_mem>>) src(%dma_wait3A_128 : memref<128x64xf32, #tpu.memory_space<vmem>>) dst(%dma_wait3A_124 : memref<128x64xf32, #tpu.memory_space<vmem_shared>>)
      tpu.yield
    }) : () -> ()
    %add3A_14 = arith.constant 256 : i32
    %add3A_15 = arith.addi %mul3A_0, %add3A_14 : i32
    %run_scoped3A_16 = arith.constant 0 : i32
    "tpu.region"() ({
      %run_scoped3A_105 = tpu.sem_alloc : memref<!tpu.dma_semaphore, #tpu.memory_space<semaphore_mem>>
      %dma_start3A_106 = arith.constant 0 : i32
      %dma_start3A_107 = arith.constant 0 : i32
      %dma_start3A_108 = tpu.memref_slice %arg9[%run_scoped3A_16, %dma_start3A_106, %dma_start3A_107] : memref<3x128x64xf32, #tpu.memory_space<vmem>> -> memref<1x128x64xf32, #tpu.memory_space<vmem>>
      %dma_start3A_109 = tpu.memref_squeeze %dma_start3A_108 : memref<1x128x64xf32, #tpu.memory_space<vmem>> -> memref<128x64xf32, #tpu.memory_space<vmem>>
      %dma_start3A_110 = arith.constant 0 : i32
      %dma_start3A_111 = tpu.memref_slice %arg10[%add3A_15, %dma_start3A_110] : memref<10240x64xf32, #tpu.memory_space<vmem_shared>> -> memref<128x64xf32, #tpu.memory_space<vmem_shared>>
      %dma_start3A_112 = arith.constant 0 : i32
      %dma_start3A_113 = tpu.memref_slice %arg10[%add3A_15, %dma_start3A_112] : memref<10240x64xf32, #tpu.memory_space<vmem_shared>> -> memref<128x64xf32, #tpu.memory_space<vmem_shared>>
      %dma_start3A_114 = arith.constant 0 : i32
      %dma_start3A_115 = arith.constant 0 : i32
      %dma_start3A_116 = tpu.memref_slice %arg9[%run_scoped3A_16, %dma_start3A_114, %dma_start3A_115] : memref<3x128x64xf32, #tpu.memory_space<vmem>> -> memref<1x128x64xf32, #tpu.memory_space<vmem>>
      %dma_start3A_117 = tpu.memref_squeeze %dma_start3A_116 : memref<1x128x64xf32, #tpu.memory_space<vmem>> -> memref<128x64xf32, #tpu.memory_space<vmem>>
      tpu.enqueue_dma source(%dma_start3A_117 : memref<128x64xf32, #tpu.memory_space<vmem>>) target(%dma_start3A_113 : memref<128x64xf32, #tpu.memory_space<vmem_shared>>) target_semaphore(%run_scoped3A_105 : memref<!tpu.dma_semaphore, #tpu.memory_space<semaphore_mem>>)
      %dma_wait3A = arith.constant 0 : i32
      %dma_wait3A_118 = arith.constant 0 : i32
      %dma_wait3A_119 = tpu.memref_slice %arg9[%run_scoped3A_16, %dma_wait3A, %dma_wait3A_118] : memref<3x128x64xf32, #tpu.memory_space<vmem>> -> memref<1x128x64xf32, #tpu.memory_space<vmem>>
      %dma_wait3A_120 = tpu.memref_squeeze %dma_wait3A_119 : memref<1x128x64xf32, #tpu.memory_space<vmem>> -> memref<128x64xf32, #tpu.memory_space<vmem>>
      %dma_wait3A_121 = arith.constant 0 : i32
      %dma_wait3A_122 = tpu.memref_slice %arg10[%add3A_15, %dma_wait3A_121] : memref<10240x64xf32, #tpu.memory_space<vmem_shared>> -> memref<128x64xf32, #tpu.memory_space<vmem_shared>>
      %dma_wait3A_123 = arith.constant 0 : i32
      %dma_wait3A_124 = tpu.memref_slice %arg10[%add3A_15, %dma_wait3A_123] : memref<10240x64xf32, #tpu.memory_space<vmem_shared>> -> memref<128x64xf32, #tpu.memory_space<vmem_shared>>
      %dma_wait3A_125 = arith.constant 0 : i32
      %dma_wait3A_126 = arith.constant 0 : i32
      %dma_wait3A_127 = tpu.memref_slice %arg9[%run_scoped3A_16, %dma_wait3A_125, %dma_wait3A_126] : memref<3x128x64xf32, #tpu.memory_space<vmem>> -> memref<1x128x64xf32, #tpu.memory_space<vmem>>
      %dma_wait3A_128 = tpu.memref_squeeze %dma_wait3A_127 : memref<1x128x64xf32, #tpu.memory_space<vmem>> -> memref<128x64xf32, #tpu.memory_space<vmem>>
      tpu.wait_dma2 semaphore(%run_scoped3A_105 : memref<!tpu.dma_semaphore, #tpu.memory_space<semaphore_mem>>) src(%dma_wait3A_128 : memref<128x64xf32, #tpu.memory_space<vmem>>) dst(%dma_wait3A_124 : memref<128x64xf32, #tpu.memory_space<vmem_shared>>)
      tpu.yield
    }) : () -> ()
    %add3A_17 = arith.constant 384 : i32
    %add3A_18 = arith.addi %mul3A_0, %add3A_17 : i32
    %run_scoped3A_19 = arith.constant 0 : i32
    "tpu.region"() ({
      %run_scoped3A_105 = tpu.sem_alloc : memref<!tpu.dma_semaphore, #tpu.memory_space<semaphore_mem>>
      %dma_start3A_106 = arith.constant 0 : i32
      %dma_start3A_107 = arith.constant 0 : i32
      %dma_start3A_108 = tpu.memref_slice %arg9[%run_scoped3A_19, %dma_start3A_106, %dma_start3A_107] : memref<3x128x64xf32, #tpu.memory_space<vmem>> -> memref<1x128x64xf32, #tpu.memory_space<vmem>>
      %dma_start3A_109 = tpu.memref_squeeze %dma_start3A_108 : memref<1x128x64xf32, #tpu.memory_space<vmem>> -> memref<128x64xf32, #tpu.memory_space<vmem>>
      %dma_start3A_110 = arith.constant 0 : i32
      %dma_start3A_111 = tpu.memref_slice %arg10[%add3A_18, %dma_start3A_110] : memref<10240x64xf32, #tpu.memory_space<vmem_shared>> -> memref<128x64xf32, #tpu.memory_space<vmem_shared>>
      %dma_start3A_112 = arith.constant 0 : i32
      %dma_start3A_113 = tpu.memref_slice %arg10[%add3A_18, %dma_start3A_112] : memref<10240x64xf32, #tpu.memory_space<vmem_shared>> -> memref<128x64xf32, #tpu.memory_space<vmem_shared>>
      %dma_start3A_114 = arith.constant 0 : i32
      %dma_start3A_115 = arith.constant 0 : i32
      %dma_start3A_116 = tpu.memref_slice %arg9[%run_scoped3A_19, %dma_start3A_114, %dma_start3A_115] : memref<3x128x64xf32, #tpu.memory_space<vmem>> -> memref<1x128x64xf32, #tpu.memory_space<vmem>>
      %dma_start3A_117 = tpu.memref_squeeze %dma_start3A_116 : memref<1x128x64xf32, #tpu.memory_space<vmem>> -> memref<128x64xf32, #tpu.memory_space<vmem>>
      tpu.enqueue_dma source(%dma_start3A_117 : memref<128x64xf32, #tpu.memory_space<vmem>>) target(%dma_start3A_113 : memref<128x64xf32, #tpu.memory_space<vmem_shared>>) target_semaphore(%run_scoped3A_105 : memref<!tpu.dma_semaphore, #tpu.memory_space<semaphore_mem>>)
      %dma_wait3A = arith.constant 0 : i32
      %dma_wait3A_118 = arith.constant 0 : i32
      %dma_wait3A_119 = tpu.memref_slice %arg9[%run_scoped3A_19, %dma_wait3A, %dma_wait3A_118] : memref<3x128x64xf32, #tpu.memory_space<vmem>> -> memref<1x128x64xf32, #tpu.memory_space<vmem>>
      %dma_wait3A_120 = tpu.memref_squeeze %dma_wait3A_119 : memref<1x128x64xf32, #tpu.memory_space<vmem>> -> memref<128x64xf32, #tpu.memory_space<vmem>>
      %dma_wait3A_121 = arith.constant 0 : i32
      %dma_wait3A_122 = tpu.memref_slice %arg10[%add3A_18, %dma_wait3A_121] : memref<10240x64xf32, #tpu.memory_space<vmem_shared>> -> memref<128x64xf32, #tpu.memory_space<vmem_shared>>
      %dma_wait3A_123 = arith.constant 0 : i32
      %dma_wait3A_124 = tpu.memref_slice %arg10[%add3A_18, %dma_wait3A_123] : memref<10240x64xf32, #tpu.memory_space<vmem_shared>> -> memref<128x64xf32, #tpu.memory_space<vmem_shared>>
      %dma_wait3A_125 = arith.constant 0 : i32
      %dma_wait3A_126 = arith.constant 0 : i32
      %dma_wait3A_127 = tpu.memref_slice %arg9[%run_scoped3A_19, %dma_wait3A_125, %dma_wait3A_126] : memref<3x128x64xf32, #tpu.memory_space<vmem>> -> memref<1x128x64xf32, #tpu.memory_space<vmem>>
      %dma_wait3A_128 = tpu.memref_squeeze %dma_wait3A_127 : memref<1x128x64xf32, #tpu.memory_space<vmem>> -> memref<128x64xf32, #tpu.memory_space<vmem>>
      tpu.wait_dma2 semaphore(%run_scoped3A_105 : memref<!tpu.dma_semaphore, #tpu.memory_space<semaphore_mem>>) src(%dma_wait3A_128 : memref<128x64xf32, #tpu.memory_space<vmem>>) dst(%dma_wait3A_124 : memref<128x64xf32, #tpu.memory_space<vmem_shared>>)
      tpu.yield
    }) : () -> ()
    %add3A_20 = arith.constant 512 : i32
    %add3A_21 = arith.addi %mul3A_0, %add3A_20 : i32
    %run_scoped3A_22 = arith.constant 0 : i32
    "tpu.region"() ({
      %run_scoped3A_105 = tpu.sem_alloc : memref<!tpu.dma_semaphore, #tpu.memory_space<semaphore_mem>>
      %dma_start3A_106 = arith.constant 0 : i32
      %dma_start3A_107 = arith.constant 0 : i32
      %dma_start3A_108 = tpu.memref_slice %arg9[%run_scoped3A_22, %dma_start3A_106, %dma_start3A_107] : memref<3x128x64xf32, #tpu.memory_space<vmem>> -> memref<1x128x64xf32, #tpu.memory_space<vmem>>
      %dma_start3A_109 = tpu.memref_squeeze %dma_start3A_108 : memref<1x128x64xf32, #tpu.memory_space<vmem>> -> memref<128x64xf32, #tpu.memory_space<vmem>>
      %dma_start3A_110 = arith.constant 0 : i32
      %dma_start3A_111 = tpu.memref_slice %arg10[%add3A_21, %dma_start3A_110] : memref<10240x64xf32, #tpu.memory_space<vmem_shared>> -> memref<128x64xf32, #tpu.memory_space<vmem_shared>>
      %dma_start3A_112 = arith.constant 0 : i32
      %dma_start3A_113 = tpu.memref_slice %arg10[%add3A_21, %dma_start3A_112] : memref<10240x64xf32, #tpu.memory_space<vmem_shared>> -> memref<128x64xf32, #tpu.memory_space<vmem_shared>>
      %dma_start3A_114 = arith.constant 0 : i32
      %dma_start3A_115 = arith.constant 0 : i32
      %dma_start3A_116 = tpu.memref_slice %arg9[%run_scoped3A_22, %dma_start3A_114, %dma_start3A_115] : memref<3x128x64xf32, #tpu.memory_space<vmem>> -> memref<1x128x64xf32, #tpu.memory_space<vmem>>
      %dma_start3A_117 = tpu.memref_squeeze %dma_start3A_116 : memref<1x128x64xf32, #tpu.memory_space<vmem>> -> memref<128x64xf32, #tpu.memory_space<vmem>>
      tpu.enqueue_dma source(%dma_start3A_117 : memref<128x64xf32, #tpu.memory_space<vmem>>) target(%dma_start3A_113 : memref<128x64xf32, #tpu.memory_space<vmem_shared>>) target_semaphore(%run_scoped3A_105 : memref<!tpu.dma_semaphore, #tpu.memory_space<semaphore_mem>>)
      %dma_wait3A = arith.constant 0 : i32
      %dma_wait3A_118 = arith.constant 0 : i32
      %dma_wait3A_119 = tpu.memref_slice %arg9[%run_scoped3A_22, %dma_wait3A, %dma_wait3A_118] : memref<3x128x64xf32, #tpu.memory_space<vmem>> -> memref<1x128x64xf32, #tpu.memory_space<vmem>>
      %dma_wait3A_120 = tpu.memref_squeeze %dma_wait3A_119 : memref<1x128x64xf32, #tpu.memory_space<vmem>> -> memref<128x64xf32, #tpu.memory_space<vmem>>
      %dma_wait3A_121 = arith.constant 0 : i32
      %dma_wait3A_122 = tpu.memref_slice %arg10[%add3A_21, %dma_wait3A_121] : memref<10240x64xf32, #tpu.memory_space<vmem_shared>> -> memref<128x64xf32, #tpu.memory_space<vmem_shared>>
      %dma_wait3A_123 = arith.constant 0 : i32
      %dma_wait3A_124 = tpu.memref_slice %arg10[%add3A_21, %dma_wait3A_123] : memref<10240x64xf32, #tpu.memory_space<vmem_shared>> -> memref<128x64xf32, #tpu.memory_space<vmem_shared>>
      %dma_wait3A_125 = arith.constant 0 : i32
      %dma_wait3A_126 = arith.constant 0 : i32
      %dma_wait3A_127 = tpu.memref_slice %arg9[%run_scoped3A_22, %dma_wait3A_125, %dma_wait3A_126] : memref<3x128x64xf32, #tpu.memory_space<vmem>> -> memref<1x128x64xf32, #tpu.memory_space<vmem>>
      %dma_wait3A_128 = tpu.memref_squeeze %dma_wait3A_127 : memref<1x128x64xf32, #tpu.memory_space<vmem>> -> memref<128x64xf32, #tpu.memory_space<vmem>>
      tpu.wait_dma2 semaphore(%run_scoped3A_105 : memref<!tpu.dma_semaphore, #tpu.memory_space<semaphore_mem>>) src(%dma_wait3A_128 : memref<128x64xf32, #tpu.memory_space<vmem>>) dst(%dma_wait3A_124 : memref<128x64xf32, #tpu.memory_space<vmem_shared>>)
      tpu.yield
    }) : () -> ()
    %add3A_23 = arith.constant 0 : i32
    %add3A_24 = arith.addi %mul3A_0, %add3A_23 : i32
    %run_scoped3A_25 = arith.constant 1 : i32
    "tpu.region"() ({
      %run_scoped3A_105 = tpu.sem_alloc : memref<!tpu.dma_semaphore, #tpu.memory_space<semaphore_mem>>
      %dma_start3A_106 = arith.constant 0 : i32
      %dma_start3A_107 = arith.constant 0 : i32
      %dma_start3A_108 = tpu.memref_slice %arg9[%run_scoped3A_25, %dma_start3A_106, %dma_start3A_107] : memref<3x128x64xf32, #tpu.memory_space<vmem>> -> memref<1x128x64xf32, #tpu.memory_space<vmem>>
      %dma_start3A_109 = tpu.memref_squeeze %dma_start3A_108 : memref<1x128x64xf32, #tpu.memory_space<vmem>> -> memref<128x64xf32, #tpu.memory_space<vmem>>
      %dma_start3A_110 = tpu.memref_slice %arg2[%add3A_24, %multiple_of3A] : memref<10240x128xf32, #tpu.memory_space<hbm>> -> memref<128x64xf32, #tpu.memory_space<hbm>>
      %dma_start3A_111 = arith.constant 0 : i32
      %dma_start3A_112 = arith.constant 0 : i32
      %dma_start3A_113 = tpu.memref_slice %arg9[%run_scoped3A_25, %dma_start3A_111, %dma_start3A_112] : memref<3x128x64xf32, #tpu.memory_space<vmem>> -> memref<1x128x64xf32, #tpu.memory_space<vmem>>
      %dma_start3A_114 = tpu.memref_squeeze %dma_start3A_113 : memref<1x128x64xf32, #tpu.memory_space<vmem>> -> memref<128x64xf32, #tpu.memory_space<vmem>>
      %dma_start3A_115 = tpu.memref_slice %arg2[%add3A_24, %multiple_of3A] : memref<10240x128xf32, #tpu.memory_space<hbm>> -> memref<128x64xf32, #tpu.memory_space<hbm>>
      tpu.enqueue_dma source(%dma_start3A_115 : memref<128x64xf32, #tpu.memory_space<hbm>>) target(%dma_start3A_114 : memref<128x64xf32, #tpu.memory_space<vmem>>) target_semaphore(%run_scoped3A_105 : memref<!tpu.dma_semaphore, #tpu.memory_space<semaphore_mem>>)
      %dma_wait3A = arith.constant 0 : i32
      %dma_wait3A_116 = arith.constant 0 : i32
      %dma_wait3A_117 = tpu.memref_slice %arg9[%run_scoped3A_25, %dma_wait3A, %dma_wait3A_116] : memref<3x128x64xf32, #tpu.memory_space<vmem>> -> memref<1x128x64xf32, #tpu.memory_space<vmem>>
      %dma_wait3A_118 = tpu.memref_squeeze %dma_wait3A_117 : memref<1x128x64xf32, #tpu.memory_space<vmem>> -> memref<128x64xf32, #tpu.memory_space<vmem>>
      %dma_wait3A_119 = tpu.memref_slice %arg2[%add3A_24, %multiple_of3A] : memref<10240x128xf32, #tpu.memory_space<hbm>> -> memref<128x64xf32, #tpu.memory_space<hbm>>
      %dma_wait3A_120 = arith.constant 0 : i32
      %dma_wait3A_121 = arith.constant 0 : i32
      %dma_wait3A_122 = tpu.memref_slice %arg9[%run_scoped3A_25, %dma_wait3A_120, %dma_wait3A_121] : memref<3x128x64xf32, #tpu.memory_space<vmem>> -> memref<1x128x64xf32, #tpu.memory_space<vmem>>
      %dma_wait3A_123 = tpu.memref_squeeze %dma_wait3A_122 : memref<1x128x64xf32, #tpu.memory_space<vmem>> -> memref<128x64xf32, #tpu.memory_space<vmem>>
      %dma_wait3A_124 = tpu.memref_slice %arg2[%add3A_24, %multiple_of3A] : memref<10240x128xf32, #tpu.memory_space<hbm>> -> memref<128x64xf32, #tpu.memory_space<hbm>>
      tpu.wait_dma2 semaphore(%run_scoped3A_105 : memref<!tpu.dma_semaphore, #tpu.memory_space<semaphore_mem>>) src(%dma_wait3A_124 : memref<128x64xf32, #tpu.memory_space<hbm>>) dst(%dma_wait3A_123 : memref<128x64xf32, #tpu.memory_space<vmem>>)
      tpu.yield
    }) : () -> ()
    %mul3A_26 = arith.constant 10240 : i32
    %mul3A_27 = arith.muli %arg0, %mul3A_26 : i32
    %add3A_28 = arith.addi %mul3A_27, %mul3A_0 : i32
    %add3A_29 = arith.constant 0 : i32
    %add3A_30 = arith.addi %add3A_28, %add3A_29 : i32
    %run_scoped3A_31 = arith.constant 1 : i32
    "tpu.region"() ({
      %run_scoped3A_105 = tpu.sem_alloc : memref<!tpu.dma_semaphore, #tpu.memory_space<semaphore_mem>>
      %dma_start3A_106 = arith.constant 0 : i32
      %dma_start3A_107 = arith.constant 0 : i32
      %dma_start3A_108 = tpu.memref_slice %arg9[%run_scoped3A_31, %dma_start3A_106, %dma_start3A_107] : memref<3x128x64xf32, #tpu.memory_space<vmem>> -> memref<1x128x64xf32, #tpu.memory_space<vmem>>
      %dma_start3A_109 = tpu.memref_squeeze %dma_start3A_108 : memref<1x128x64xf32, #tpu.memory_space<vmem>> -> memref<128x64xf32, #tpu.memory_space<vmem>>
      %dma_start3A_110 = arith.constant 0 : i32
      %dma_start3A_111 = tpu.memref_slice %arg6[%add3A_30, %dma_start3A_110] : memref<20480x64xf32, #tpu.memory_space<hbm>> -> memref<128x64xf32, #tpu.memory_space<hbm>>
      %dma_start3A_112 = arith.constant 0 : i32
      %dma_start3A_113 = tpu.memref_slice %arg6[%add3A_30, %dma_start3A_112] : memref<20480x64xf32, #tpu.memory_space<hbm>> -> memref<128x64xf32, #tpu.memory_space<hbm>>
      %dma_start3A_114 = arith.constant 0 : i32
      %dma_start3A_115 = arith.constant 0 : i32
      %dma_start3A_116 = tpu.memref_slice %arg9[%run_scoped3A_31, %dma_start3A_114, %dma_start3A_115] : memref<3x128x64xf32, #tpu.memory_space<vmem>> -> memref<1x128x64xf32, #tpu.memory_space<vmem>>
      %dma_start3A_117 = tpu.memref_squeeze %dma_start3A_116 : memref<1x128x64xf32, #tpu.memory_space<vmem>> -> memref<128x64xf32, #tpu.memory_space<vmem>>
      tpu.enqueue_dma source(%dma_start3A_117 : memref<128x64xf32, #tpu.memory_space<vmem>>) target(%dma_start3A_113 : memref<128x64xf32, #tpu.memory_space<hbm>>) target_semaphore(%run_scoped3A_105 : memref<!tpu.dma_semaphore, #tpu.memory_space<semaphore_mem>>)
      %dma_wait3A = arith.constant 0 : i32
      %dma_wait3A_118 = arith.constant 0 : i32
      %dma_wait3A_119 = tpu.memref_slice %arg9[%run_scoped3A_31, %dma_wait3A, %dma_wait3A_118] : memref<3x128x64xf32, #tpu.memory_space<vmem>> -> memref<1x128x64xf32, #tpu.memory_space<vmem>>
      %dma_wait3A_120 = tpu.memref_squeeze %dma_wait3A_119 : memref<1x128x64xf32, #tpu.memory_space<vmem>> -> memref<128x64xf32, #tpu.memory_space<vmem>>
      %dma_wait3A_121 = arith.constant 0 : i32
      %dma_wait3A_122 = tpu.memref_slice %arg6[%add3A_30, %dma_wait3A_121] : memref<20480x64xf32, #tpu.memory_space<hbm>> -> memref<128x64xf32, #tpu.memory_space<hbm>>
      %dma_wait3A_123 = arith.constant 0 : i32
      %dma_wait3A_124 = tpu.memref_slice %arg6[%add3A_30, %dma_wait3A_123] : memref<20480x64xf32, #tpu.memory_space<hbm>> -> memref<128x64xf32, #tpu.memory_space<hbm>>
      %dma_wait3A_125 = arith.constant 0 : i32
      %dma_wait3A_126 = arith.constant 0 : i32
      %dma_wait3A_127 = tpu.memref_slice %arg9[%run_scoped3A_31, %dma_wait3A_125, %dma_wait3A_126] : memref<3x128x64xf32, #tpu.memory_space<vmem>> -> memref<1x128x64xf32, #tpu.memory_space<vmem>>
      %dma_wait3A_128 = tpu.memref_squeeze %dma_wait3A_127 : memref<1x128x64xf32, #tpu.memory_space<vmem>> -> memref<128x64xf32, #tpu.memory_space<vmem>>
      tpu.wait_dma2 semaphore(%run_scoped3A_105 : memref<!tpu.dma_semaphore, #tpu.memory_space<semaphore_mem>>) src(%dma_wait3A_128 : memref<128x64xf32, #tpu.memory_space<vmem>>) dst(%dma_wait3A_124 : memref<128x64xf32, #tpu.memory_space<hbm>>)
      tpu.yield
    }) : () -> ()
    %add3A_32 = arith.constant 128 : i32
    %add3A_33 = arith.addi %mul3A_0, %add3A_32 : i32
    %run_scoped3A_34 = arith.constant 1 : i32
    "tpu.region"() ({
      %run_scoped3A_105 = tpu.sem_alloc : memref<!tpu.dma_semaphore, #tpu.memory_space<semaphore_mem>>
      %dma_start3A_106 = arith.constant 0 : i32
      %dma_start3A_107 = arith.constant 0 : i32
      %dma_start3A_108 = tpu.memref_slice %arg9[%run_scoped3A_34, %dma_start3A_106, %dma_start3A_107] : memref<3x128x64xf32, #tpu.memory_space<vmem>> -> memref<1x128x64xf32, #tpu.memory_space<vmem>>
      %dma_start3A_109 = tpu.memref_squeeze %dma_start3A_108 : memref<1x128x64xf32, #tpu.memory_space<vmem>> -> memref<128x64xf32, #tpu.memory_space<vmem>>
      %dma_start3A_110 = tpu.memref_slice %arg2[%add3A_33, %multiple_of3A] : memref<10240x128xf32, #tpu.memory_space<hbm>> -> memref<128x64xf32, #tpu.memory_space<hbm>>
      %dma_start3A_111 = arith.constant 0 : i32
      %dma_start3A_112 = arith.constant 0 : i32
      %dma_start3A_113 = tpu.memref_slice %arg9[%run_scoped3A_34, %dma_start3A_111, %dma_start3A_112] : memref<3x128x64xf32, #tpu.memory_space<vmem>> -> memref<1x128x64xf32, #tpu.memory_space<vmem>>
      %dma_start3A_114 = tpu.memref_squeeze %dma_start3A_113 : memref<1x128x64xf32, #tpu.memory_space<vmem>> -> memref<128x64xf32, #tpu.memory_space<vmem>>
      %dma_start3A_115 = tpu.memref_slice %arg2[%add3A_33, %multiple_of3A] : memref<10240x128xf32, #tpu.memory_space<hbm>> -> memref<128x64xf32, #tpu.memory_space<hbm>>
      tpu.enqueue_dma source(%dma_start3A_115 : memref<128x64xf32, #tpu.memory_space<hbm>>) target(%dma_start3A_114 : memref<128x64xf32, #tpu.memory_space<vmem>>) target_semaphore(%run_scoped3A_105 : memref<!tpu.dma_semaphore, #tpu.memory_space<semaphore_mem>>)
      %dma_wait3A = arith.constant 0 : i32
      %dma_wait3A_116 = arith.constant 0 : i32
      %dma_wait3A_117 = tpu.memref_slice %arg9[%run_scoped3A_34, %dma_wait3A, %dma_wait3A_116] : memref<3x128x64xf32, #tpu.memory_space<vmem>> -> memref<1x128x64xf32, #tpu.memory_space<vmem>>
      %dma_wait3A_118 = tpu.memref_squeeze %dma_wait3A_117 : memref<1x128x64xf32, #tpu.memory_space<vmem>> -> memref<128x64xf32, #tpu.memory_space<vmem>>
      %dma_wait3A_119 = tpu.memref_slice %arg2[%add3A_33, %multiple_of3A] : memref<10240x128xf32, #tpu.memory_space<hbm>> -> memref<128x64xf32, #tpu.memory_space<hbm>>
      %dma_wait3A_120 = arith.constant 0 : i32
      %dma_wait3A_121 = arith.constant 0 : i32
      %dma_wait3A_122 = tpu.memref_slice %arg9[%run_scoped3A_34, %dma_wait3A_120, %dma_wait3A_121] : memref<3x128x64xf32, #tpu.memory_space<vmem>> -> memref<1x128x64xf32, #tpu.memory_space<vmem>>
      %dma_wait3A_123 = tpu.memref_squeeze %dma_wait3A_122 : memref<1x128x64xf32, #tpu.memory_space<vmem>> -> memref<128x64xf32, #tpu.memory_space<vmem>>
      %dma_wait3A_124 = tpu.memref_slice %arg2[%add3A_33, %multiple_of3A] : memref<10240x128xf32, #tpu.memory_space<hbm>> -> memref<128x64xf32, #tpu.memory_space<hbm>>
      tpu.wait_dma2 semaphore(%run_scoped3A_105 : memref<!tpu.dma_semaphore, #tpu.memory_space<semaphore_mem>>) src(%dma_wait3A_124 : memref<128x64xf32, #tpu.memory_space<hbm>>) dst(%dma_wait3A_123 : memref<128x64xf32, #tpu.memory_space<vmem>>)
      tpu.yield
    }) : () -> ()
    %mul3A_35 = arith.constant 10240 : i32
    %mul3A_36 = arith.muli %arg0, %mul3A_35 : i32
    %add3A_37 = arith.addi %mul3A_36, %mul3A_0 : i32
    %add3A_38 = arith.constant 128 : i32
    %add3A_39 = arith.addi %add3A_37, %add3A_38 : i32
    %run_scoped3A_40 = arith.constant 1 : i32
    "tpu.region"() ({
      %run_scoped3A_105 = tpu.sem_alloc : memref<!tpu.dma_semaphore, #tpu.memory_space<semaphore_mem>>
      %dma_start3A_106 = arith.constant 0 : i32
      %dma_start3A_107 = arith.constant 0 : i32
      %dma_start3A_108 = tpu.memref_slice %arg9[%run_scoped3A_40, %dma_start3A_106, %dma_start3A_107] : memref<3x128x64xf32, #tpu.memory_space<vmem>> -> memref<1x128x64xf32, #tpu.memory_space<vmem>>
      %dma_start3A_109 = tpu.memref_squeeze %dma_start3A_108 : memref<1x128x64xf32, #tpu.memory_space<vmem>> -> memref<128x64xf32, #tpu.memory_space<vmem>>
      %dma_start3A_110 = arith.constant 0 : i32
      %dma_start3A_111 = tpu.memref_slice %arg6[%add3A_39, %dma_start3A_110] : memref<20480x64xf32, #tpu.memory_space<hbm>> -> memref<128x64xf32, #tpu.memory_space<hbm>>
      %dma_start3A_112 = arith.constant 0 : i32
      %dma_start3A_113 = tpu.memref_slice %arg6[%add3A_39, %dma_start3A_112] : memref<20480x64xf32, #tpu.memory_space<hbm>> -> memref<128x64xf32, #tpu.memory_space<hbm>>
      %dma_start3A_114 = arith.constant 0 : i32
      %dma_start3A_115 = arith.constant 0 : i32
      %dma_start3A_116 = tpu.memref_slice %arg9[%run_scoped3A_40, %dma_start3A_114, %dma_start3A_115] : memref<3x128x64xf32, #tpu.memory_space<vmem>> -> memref<1x128x64xf32, #tpu.memory_space<vmem>>
      %dma_start3A_117 = tpu.memref_squeeze %dma_start3A_116 : memref<1x128x64xf32, #tpu.memory_space<vmem>> -> memref<128x64xf32, #tpu.memory_space<vmem>>
      tpu.enqueue_dma source(%dma_start3A_117 : memref<128x64xf32, #tpu.memory_space<vmem>>) target(%dma_start3A_113 : memref<128x64xf32, #tpu.memory_space<hbm>>) target_semaphore(%run_scoped3A_105 : memref<!tpu.dma_semaphore, #tpu.memory_space<semaphore_mem>>)
      %dma_wait3A = arith.constant 0 : i32
      %dma_wait3A_118 = arith.constant 0 : i32
      %dma_wait3A_119 = tpu.memref_slice %arg9[%run_scoped3A_40, %dma_wait3A, %dma_wait3A_118] : memref<3x128x64xf32, #tpu.memory_space<vmem>> -> memref<1x128x64xf32, #tpu.memory_space<vmem>>
      %dma_wait3A_120 = tpu.memref_squeeze %dma_wait3A_119 : memref<1x128x64xf32, #tpu.memory_space<vmem>> -> memref<128x64xf32, #tpu.memory_space<vmem>>
      %dma_wait3A_121 = arith.constant 0 : i32
      %dma_wait3A_122 = tpu.memref_slice %arg6[%add3A_39, %dma_wait3A_121] : memref<20480x64xf32, #tpu.memory_space<hbm>> -> memref<128x64xf32, #tpu.memory_space<hbm>>
      %dma_wait3A_123 = arith.constant 0 : i32
      %dma_wait3A_124 = tpu.memref_slice %arg6[%add3A_39, %dma_wait3A_123] : memref<20480x64xf32, #tpu.memory_space<hbm>> -> memref<128x64xf32, #tpu.memory_space<hbm>>
      %dma_wait3A_125 = arith.constant 0 : i32
      %dma_wait3A_126 = arith.constant 0 : i32
      %dma_wait3A_127 = tpu.memref_slice %arg9[%run_scoped3A_40, %dma_wait3A_125, %dma_wait3A_126] : memref<3x128x64xf32, #tpu.memory_space<vmem>> -> memref<1x128x64xf32, #tpu.memory_space<vmem>>
      %dma_wait3A_128 = tpu.memref_squeeze %dma_wait3A_127 : memref<1x128x64xf32, #tpu.memory_space<vmem>> -> memref<128x64xf32, #tpu.memory_space<vmem>>
      tpu.wait_dma2 semaphore(%run_scoped3A_105 : memref<!tpu.dma_semaphore, #tpu.memory_space<semaphore_mem>>) src(%dma_wait3A_128 : memref<128x64xf32, #tpu.memory_space<vmem>>) dst(%dma_wait3A_124 : memref<128x64xf32, #tpu.memory_space<hbm>>)
      tpu.yield
    }) : () -> ()
    %add3A_41 = arith.constant 256 : i32
    %add3A_42 = arith.addi %mul3A_0, %add3A_41 : i32
    %run_scoped3A_43 = arith.constant 1 : i32
    "tpu.region"() ({
      %run_scoped3A_105 = tpu.sem_alloc : memref<!tpu.dma_semaphore, #tpu.memory_space<semaphore_mem>>
      %dma_start3A_106 = arith.constant 0 : i32
      %dma_start3A_107 = arith.constant 0 : i32
      %dma_start3A_108 = tpu.memref_slice %arg9[%run_scoped3A_43, %dma_start3A_106, %dma_start3A_107] : memref<3x128x64xf32, #tpu.memory_space<vmem>> -> memref<1x128x64xf32, #tpu.memory_space<vmem>>
      %dma_start3A_109 = tpu.memref_squeeze %dma_start3A_108 : memref<1x128x64xf32, #tpu.memory_space<vmem>> -> memref<128x64xf32, #tpu.memory_space<vmem>>
      %dma_start3A_110 = tpu.memref_slice %arg2[%add3A_42, %multiple_of3A] : memref<10240x128xf32, #tpu.memory_space<hbm>> -> memref<128x64xf32, #tpu.memory_space<hbm>>
      %dma_start3A_111 = arith.constant 0 : i32
      %dma_start3A_112 = arith.constant 0 : i32
      %dma_start3A_113 = tpu.memref_slice %arg9[%run_scoped3A_43, %dma_start3A_111, %dma_start3A_112] : memref<3x128x64xf32, #tpu.memory_space<vmem>> -> memref<1x128x64xf32, #tpu.memory_space<vmem>>
      %dma_start3A_114 = tpu.memref_squeeze %dma_start3A_113 : memref<1x128x64xf32, #tpu.memory_space<vmem>> -> memref<128x64xf32, #tpu.memory_space<vmem>>
      %dma_start3A_115 = tpu.memref_slice %arg2[%add3A_42, %multiple_of3A] : memref<10240x128xf32, #tpu.memory_space<hbm>> -> memref<128x64xf32, #tpu.memory_space<hbm>>
      tpu.enqueue_dma source(%dma_start3A_115 : memref<128x64xf32, #tpu.memory_space<hbm>>) target(%dma_start3A_114 : memref<128x64xf32, #tpu.memory_space<vmem>>) target_semaphore(%run_scoped3A_105 : memref<!tpu.dma_semaphore, #tpu.memory_space<semaphore_mem>>)
      %dma_wait3A = arith.constant 0 : i32
      %dma_wait3A_116 = arith.constant 0 : i32
      %dma_wait3A_117 = tpu.memref_slice %arg9[%run_scoped3A_43, %dma_wait3A, %dma_wait3A_116] : memref<3x128x64xf32, #tpu.memory_space<vmem>> -> memref<1x128x64xf32, #tpu.memory_space<vmem>>
      %dma_wait3A_118 = tpu.memref_squeeze %dma_wait3A_117 : memref<1x128x64xf32, #tpu.memory_space<vmem>> -> memref<128x64xf32, #tpu.memory_space<vmem>>
      %dma_wait3A_119 = tpu.memref_slice %arg2[%add3A_42, %multiple_of3A] : memref<10240x128xf32, #tpu.memory_space<hbm>> -> memref<128x64xf32, #tpu.memory_space<hbm>>
      %dma_wait3A_120 = arith.constant 0 : i32
      %dma_wait3A_121 = arith.constant 0 : i32
      %dma_wait3A_122 = tpu.memref_slice %arg9[%run_scoped3A_43, %dma_wait3A_120, %dma_wait3A_121] : memref<3x128x64xf32, #tpu.memory_space<vmem>> -> memref<1x128x64xf32, #tpu.memory_space<vmem>>
      %dma_wait3A_123 = tpu.memref_squeeze %dma_wait3A_122 : memref<1x128x64xf32, #tpu.memory_space<vmem>> -> memref<128x64xf32, #tpu.memory_space<vmem>>
      %dma_wait3A_124 = tpu.memref_slice %arg2[%add3A_42, %multiple_of3A] : memref<10240x128xf32, #tpu.memory_space<hbm>> -> memref<128x64xf32, #tpu.memory_space<hbm>>
      tpu.wait_dma2 semaphore(%run_scoped3A_105 : memref<!tpu.dma_semaphore, #tpu.memory_space<semaphore_mem>>) src(%dma_wait3A_124 : memref<128x64xf32, #tpu.memory_space<hbm>>) dst(%dma_wait3A_123 : memref<128x64xf32, #tpu.memory_space<vmem>>)
      tpu.yield
    }) : () -> ()
    %mul3A_44 = arith.constant 10240 : i32
    %mul3A_45 = arith.muli %arg0, %mul3A_44 : i32
    %add3A_46 = arith.addi %mul3A_45, %mul3A_0 : i32
    %add3A_47 = arith.constant 256 : i32
    %add3A_48 = arith.addi %add3A_46, %add3A_47 : i32
    %run_scoped3A_49 = arith.constant 1 : i32
    "tpu.region"() ({
      %run_scoped3A_105 = tpu.sem_alloc : memref<!tpu.dma_semaphore, #tpu.memory_space<semaphore_mem>>
      %dma_start3A_106 = arith.constant 0 : i32
      %dma_start3A_107 = arith.constant 0 : i32
      %dma_start3A_108 = tpu.memref_slice %arg9[%run_scoped3A_49, %dma_start3A_106, %dma_start3A_107] : memref<3x128x64xf32, #tpu.memory_space<vmem>> -> memref<1x128x64xf32, #tpu.memory_space<vmem>>
      %dma_start3A_109 = tpu.memref_squeeze %dma_start3A_108 : memref<1x128x64xf32, #tpu.memory_space<vmem>> -> memref<128x64xf32, #tpu.memory_space<vmem>>
      %dma_start3A_110 = arith.constant 0 : i32
      %dma_start3A_111 = tpu.memref_slice %arg6[%add3A_48, %dma_start3A_110] : memref<20480x64xf32, #tpu.memory_space<hbm>> -> memref<128x64xf32, #tpu.memory_space<hbm>>
      %dma_start3A_112 = arith.constant 0 : i32
      %dma_start3A_113 = tpu.memref_slice %arg6[%add3A_48, %dma_start3A_112] : memref<20480x64xf32, #tpu.memory_space<hbm>> -> memref<128x64xf32, #tpu.memory_space<hbm>>
      %dma_start3A_114 = arith.constant 0 : i32
      %dma_start3A_115 = arith.constant 0 : i32
      %dma_start3A_116 = tpu.memref_slice %arg9[%run_scoped3A_49, %dma_start3A_114, %dma_start3A_115] : memref<3x128x64xf32, #tpu.memory_space<vmem>> -> memref<1x128x64xf32, #tpu.memory_space<vmem>>
      %dma_start3A_117 = tpu.memref_squeeze %dma_start3A_116 : memref<1x128x64xf32, #tpu.memory_space<vmem>> -> memref<128x64xf32, #tpu.memory_space<vmem>>
      tpu.enqueue_dma source(%dma_start3A_117 : memref<128x64xf32, #tpu.memory_space<vmem>>) target(%dma_start3A_113 : memref<128x64xf32, #tpu.memory_space<hbm>>) target_semaphore(%run_scoped3A_105 : memref<!tpu.dma_semaphore, #tpu.memory_space<semaphore_mem>>)
      %dma_wait3A = arith.constant 0 : i32
      %dma_wait3A_118 = arith.constant 0 : i32
      %dma_wait3A_119 = tpu.memref_slice %arg9[%run_scoped3A_49, %dma_wait3A, %dma_wait3A_118] : memref<3x128x64xf32, #tpu.memory_space<vmem>> -> memref<1x128x64xf32, #tpu.memory_space<vmem>>
      %dma_wait3A_120 = tpu.memref_squeeze %dma_wait3A_119 : memref<1x128x64xf32, #tpu.memory_space<vmem>> -> memref<128x64xf32, #tpu.memory_space<vmem>>
      %dma_wait3A_121 = arith.constant 0 : i32
      %dma_wait3A_122 = tpu.memref_slice %arg6[%add3A_48, %dma_wait3A_121] : memref<20480x64xf32, #tpu.memory_space<hbm>> -> memref<128x64xf32, #tpu.memory_space<hbm>>
      %dma_wait3A_123 = arith.constant 0 : i32
      %dma_wait3A_124 = tpu.memref_slice %arg6[%add3A_48, %dma_wait3A_123] : memref<20480x64xf32, #tpu.memory_space<hbm>> -> memref<128x64xf32, #tpu.memory_space<hbm>>
      %dma_wait3A_125 = arith.constant 0 : i32
      %dma_wait3A_126 = arith.constant 0 : i32
      %dma_wait3A_127 = tpu.memref_slice %arg9[%run_scoped3A_49, %dma_wait3A_125, %dma_wait3A_126] : memref<3x128x64xf32, #tpu.memory_space<vmem>> -> memref<1x128x64xf32, #tpu.memory_space<vmem>>
      %dma_wait3A_128 = tpu.memref_squeeze %dma_wait3A_127 : memref<1x128x64xf32, #tpu.memory_space<vmem>> -> memref<128x64xf32, #tpu.memory_space<vmem>>
      tpu.wait_dma2 semaphore(%run_scoped3A_105 : memref<!tpu.dma_semaphore, #tpu.memory_space<semaphore_mem>>) src(%dma_wait3A_128 : memref<128x64xf32, #tpu.memory_space<vmem>>) dst(%dma_wait3A_124 : memref<128x64xf32, #tpu.memory_space<hbm>>)
      tpu.yield
    }) : () -> ()
    %add3A_50 = arith.constant 384 : i32
    %add3A_51 = arith.addi %mul3A_0, %add3A_50 : i32
    %run_scoped3A_52 = arith.constant 1 : i32
    "tpu.region"() ({
      %run_scoped3A_105 = tpu.sem_alloc : memref<!tpu.dma_semaphore, #tpu.memory_space<semaphore_mem>>
      %dma_start3A_106 = arith.constant 0 : i32
      %dma_start3A_107 = arith.constant 0 : i32
      %dma_start3A_108 = tpu.memref_slice %arg9[%run_scoped3A_52, %dma_start3A_106, %dma_start3A_107] : memref<3x128x64xf32, #tpu.memory_space<vmem>> -> memref<1x128x64xf32, #tpu.memory_space<vmem>>
      %dma_start3A_109 = tpu.memref_squeeze %dma_start3A_108 : memref<1x128x64xf32, #tpu.memory_space<vmem>> -> memref<128x64xf32, #tpu.memory_space<vmem>>
      %dma_start3A_110 = tpu.memref_slice %arg2[%add3A_51, %multiple_of3A] : memref<10240x128xf32, #tpu.memory_space<hbm>> -> memref<128x64xf32, #tpu.memory_space<hbm>>
      %dma_start3A_111 = arith.constant 0 : i32
      %dma_start3A_112 = arith.constant 0 : i32
      %dma_start3A_113 = tpu.memref_slice %arg9[%run_scoped3A_52, %dma_start3A_111, %dma_start3A_112] : memref<3x128x64xf32, #tpu.memory_space<vmem>> -> memref<1x128x64xf32, #tpu.memory_space<vmem>>
      %dma_start3A_114 = tpu.memref_squeeze %dma_start3A_113 : memref<1x128x64xf32, #tpu.memory_space<vmem>> -> memref<128x64xf32, #tpu.memory_space<vmem>>
      %dma_start3A_115 = tpu.memref_slice %arg2[%add3A_51, %multiple_of3A] : memref<10240x128xf32, #tpu.memory_space<hbm>> -> memref<128x64xf32, #tpu.memory_space<hbm>>
      tpu.enqueue_dma source(%dma_start3A_115 : memref<128x64xf32, #tpu.memory_space<hbm>>) target(%dma_start3A_114 : memref<128x64xf32, #tpu.memory_space<vmem>>) target_semaphore(%run_scoped3A_105 : memref<!tpu.dma_semaphore, #tpu.memory_space<semaphore_mem>>)
      %dma_wait3A = arith.constant 0 : i32
      %dma_wait3A_116 = arith.constant 0 : i32
      %dma_wait3A_117 = tpu.memref_slice %arg9[%run_scoped3A_52, %dma_wait3A, %dma_wait3A_116] : memref<3x128x64xf32, #tpu.memory_space<vmem>> -> memref<1x128x64xf32, #tpu.memory_space<vmem>>
      %dma_wait3A_118 = tpu.memref_squeeze %dma_wait3A_117 : memref<1x128x64xf32, #tpu.memory_space<vmem>> -> memref<128x64xf32, #tpu.memory_space<vmem>>
      %dma_wait3A_119 = tpu.memref_slice %arg2[%add3A_51, %multiple_of3A] : memref<10240x128xf32, #tpu.memory_space<hbm>> -> memref<128x64xf32, #tpu.memory_space<hbm>>
      %dma_wait3A_120 = arith.constant 0 : i32
      %dma_wait3A_121 = arith.constant 0 : i32
      %dma_wait3A_122 = tpu.memref_slice %arg9[%run_scoped3A_52, %dma_wait3A_120, %dma_wait3A_121] : memref<3x128x64xf32, #tpu.memory_space<vmem>> -> memref<1x128x64xf32, #tpu.memory_space<vmem>>
      %dma_wait3A_123 = tpu.memref_squeeze %dma_wait3A_122 : memref<1x128x64xf32, #tpu.memory_space<vmem>> -> memref<128x64xf32, #tpu.memory_space<vmem>>
      %dma_wait3A_124 = tpu.memref_slice %arg2[%add3A_51, %multiple_of3A] : memref<10240x128xf32, #tpu.memory_space<hbm>> -> memref<128x64xf32, #tpu.memory_space<hbm>>
      tpu.wait_dma2 semaphore(%run_scoped3A_105 : memref<!tpu.dma_semaphore, #tpu.memory_space<semaphore_mem>>) src(%dma_wait3A_124 : memref<128x64xf32, #tpu.memory_space<hbm>>) dst(%dma_wait3A_123 : memref<128x64xf32, #tpu.memory_space<vmem>>)
      tpu.yield
    }) : () -> ()
    %mul3A_53 = arith.constant 10240 : i32
    %mul3A_54 = arith.muli %arg0, %mul3A_53 : i32
    %add3A_55 = arith.addi %mul3A_54, %mul3A_0 : i32
    %add3A_56 = arith.constant 384 : i32
    %add3A_57 = arith.addi %add3A_55, %add3A_56 : i32
    %run_scoped3A_58 = arith.constant 1 : i32
    "tpu.region"() ({
      %run_scoped3A_105 = tpu.sem_alloc : memref<!tpu.dma_semaphore, #tpu.memory_space<semaphore_mem>>
      %dma_start3A_106 = arith.constant 0 : i32
      %dma_start3A_107 = arith.constant 0 : i32
      %dma_start3A_108 = tpu.memref_slice %arg9[%run_scoped3A_58, %dma_start3A_106, %dma_start3A_107] : memref<3x128x64xf32, #tpu.memory_space<vmem>> -> memref<1x128x64xf32, #tpu.memory_space<vmem>>
      %dma_start3A_109 = tpu.memref_squeeze %dma_start3A_108 : memref<1x128x64xf32, #tpu.memory_space<vmem>> -> memref<128x64xf32, #tpu.memory_space<vmem>>
      %dma_start3A_110 = arith.constant 0 : i32
      %dma_start3A_111 = tpu.memref_slice %arg6[%add3A_57, %dma_start3A_110] : memref<20480x64xf32, #tpu.memory_space<hbm>> -> memref<128x64xf32, #tpu.memory_space<hbm>>
      %dma_start3A_112 = arith.constant 0 : i32
      %dma_start3A_113 = tpu.memref_slice %arg6[%add3A_57, %dma_start3A_112] : memref<20480x64xf32, #tpu.memory_space<hbm>> -> memref<128x64xf32, #tpu.memory_space<hbm>>
      %dma_start3A_114 = arith.constant 0 : i32
      %dma_start3A_115 = arith.constant 0 : i32
      %dma_start3A_116 = tpu.memref_slice %arg9[%run_scoped3A_58, %dma_start3A_114, %dma_start3A_115] : memref<3x128x64xf32, #tpu.memory_space<vmem>> -> memref<1x128x64xf32, #tpu.memory_space<vmem>>
      %dma_start3A_117 = tpu.memref_squeeze %dma_start3A_116 : memref<1x128x64xf32, #tpu.memory_space<vmem>> -> memref<128x64xf32, #tpu.memory_space<vmem>>
      tpu.enqueue_dma source(%dma_start3A_117 : memref<128x64xf32, #tpu.memory_space<vmem>>) target(%dma_start3A_113 : memref<128x64xf32, #tpu.memory_space<hbm>>) target_semaphore(%run_scoped3A_105 : memref<!tpu.dma_semaphore, #tpu.memory_space<semaphore_mem>>)
      %dma_wait3A = arith.constant 0 : i32
      %dma_wait3A_118 = arith.constant 0 : i32
      %dma_wait3A_119 = tpu.memref_slice %arg9[%run_scoped3A_58, %dma_wait3A, %dma_wait3A_118] : memref<3x128x64xf32, #tpu.memory_space<vmem>> -> memref<1x128x64xf32, #tpu.memory_space<vmem>>
      %dma_wait3A_120 = tpu.memref_squeeze %dma_wait3A_119 : memref<1x128x64xf32, #tpu.memory_space<vmem>> -> memref<128x64xf32, #tpu.memory_space<vmem>>
      %dma_wait3A_121 = arith.constant 0 : i32
      %dma_wait3A_122 = tpu.memref_slice %arg6[%add3A_57, %dma_wait3A_121] : memref<20480x64xf32, #tpu.memory_space<hbm>> -> memref<128x64xf32, #tpu.memory_space<hbm>>
      %dma_wait3A_123 = arith.constant 0 : i32
      %dma_wait3A_124 = tpu.memref_slice %arg6[%add3A_57, %dma_wait3A_123] : memref<20480x64xf32, #tpu.memory_space<hbm>> -> memref<128x64xf32, #tpu.memory_space<hbm>>
      %dma_wait3A_125 = arith.constant 0 : i32
      %dma_wait3A_126 = arith.constant 0 : i32
      %dma_wait3A_127 = tpu.memref_slice %arg9[%run_scoped3A_58, %dma_wait3A_125, %dma_wait3A_126] : memref<3x128x64xf32, #tpu.memory_space<vmem>> -> memref<1x128x64xf32, #tpu.memory_space<vmem>>
      %dma_wait3A_128 = tpu.memref_squeeze %dma_wait3A_127 : memref<1x128x64xf32, #tpu.memory_space<vmem>> -> memref<128x64xf32, #tpu.memory_space<vmem>>
      tpu.wait_dma2 semaphore(%run_scoped3A_105 : memref<!tpu.dma_semaphore, #tpu.memory_space<semaphore_mem>>) src(%dma_wait3A_128 : memref<128x64xf32, #tpu.memory_space<vmem>>) dst(%dma_wait3A_124 : memref<128x64xf32, #tpu.memory_space<hbm>>)
      tpu.yield
    }) : () -> ()
    %add3A_59 = arith.constant 512 : i32
    %add3A_60 = arith.addi %mul3A_0, %add3A_59 : i32
    %run_scoped3A_61 = arith.constant 1 : i32
    "tpu.region"() ({
      %run_scoped3A_105 = tpu.sem_alloc : memref<!tpu.dma_semaphore, #tpu.memory_space<semaphore_mem>>
      %dma_start3A_106 = arith.constant 0 : i32
      %dma_start3A_107 = arith.constant 0 : i32
      %dma_start3A_108 = tpu.memref_slice %arg9[%run_scoped3A_61, %dma_start3A_106, %dma_start3A_107] : memref<3x128x64xf32, #tpu.memory_space<vmem>> -> memref<1x128x64xf32, #tpu.memory_space<vmem>>
      %dma_start3A_109 = tpu.memref_squeeze %dma_start3A_108 : memref<1x128x64xf32, #tpu.memory_space<vmem>> -> memref<128x64xf32, #tpu.memory_space<vmem>>
      %dma_start3A_110 = tpu.memref_slice %arg2[%add3A_60, %multiple_of3A] : memref<10240x128xf32, #tpu.memory_space<hbm>> -> memref<128x64xf32, #tpu.memory_space<hbm>>
      %dma_start3A_111 = arith.constant 0 : i32
      %dma_start3A_112 = arith.constant 0 : i32
      %dma_start3A_113 = tpu.memref_slice %arg9[%run_scoped3A_61, %dma_start3A_111, %dma_start3A_112] : memref<3x128x64xf32, #tpu.memory_space<vmem>> -> memref<1x128x64xf32, #tpu.memory_space<vmem>>
      %dma_start3A_114 = tpu.memref_squeeze %dma_start3A_113 : memref<1x128x64xf32, #tpu.memory_space<vmem>> -> memref<128x64xf32, #tpu.memory_space<vmem>>
      %dma_start3A_115 = tpu.memref_slice %arg2[%add3A_60, %multiple_of3A] : memref<10240x128xf32, #tpu.memory_space<hbm>> -> memref<128x64xf32, #tpu.memory_space<hbm>>
      tpu.enqueue_dma source(%dma_start3A_115 : memref<128x64xf32, #tpu.memory_space<hbm>>) target(%dma_start3A_114 : memref<128x64xf32, #tpu.memory_space<vmem>>) target_semaphore(%run_scoped3A_105 : memref<!tpu.dma_semaphore, #tpu.memory_space<semaphore_mem>>)
      %dma_wait3A = arith.constant 0 : i32
      %dma_wait3A_116 = arith.constant 0 : i32
      %dma_wait3A_117 = tpu.memref_slice %arg9[%run_scoped3A_61, %dma_wait3A, %dma_wait3A_116] : memref<3x128x64xf32, #tpu.memory_space<vmem>> -> memref<1x128x64xf32, #tpu.memory_space<vmem>>
      %dma_wait3A_118 = tpu.memref_squeeze %dma_wait3A_117 : memref<1x128x64xf32, #tpu.memory_space<vmem>> -> memref<128x64xf32, #tpu.memory_space<vmem>>
      %dma_wait3A_119 = tpu.memref_slice %arg2[%add3A_60, %multiple_of3A] : memref<10240x128xf32, #tpu.memory_space<hbm>> -> memref<128x64xf32, #tpu.memory_space<hbm>>
      %dma_wait3A_120 = arith.constant 0 : i32
      %dma_wait3A_121 = arith.constant 0 : i32
      %dma_wait3A_122 = tpu.memref_slice %arg9[%run_scoped3A_61, %dma_wait3A_120, %dma_wait3A_121] : memref<3x128x64xf32, #tpu.memory_space<vmem>> -> memref<1x128x64xf32, #tpu.memory_space<vmem>>
      %dma_wait3A_123 = tpu.memref_squeeze %dma_wait3A_122 : memref<1x128x64xf32, #tpu.memory_space<vmem>> -> memref<128x64xf32, #tpu.memory_space<vmem>>
      %dma_wait3A_124 = tpu.memref_slice %arg2[%add3A_60, %multiple_of3A] : memref<10240x128xf32, #tpu.memory_space<hbm>> -> memref<128x64xf32, #tpu.memory_space<hbm>>
      tpu.wait_dma2 semaphore(%run_scoped3A_105 : memref<!tpu.dma_semaphore, #tpu.memory_space<semaphore_mem>>) src(%dma_wait3A_124 : memref<128x64xf32, #tpu.memory_space<hbm>>) dst(%dma_wait3A_123 : memref<128x64xf32, #tpu.memory_space<vmem>>)
      tpu.yield
    }) : () -> ()
    %mul3A_62 = arith.constant 10240 : i32
    %mul3A_63 = arith.muli %arg0, %mul3A_62 : i32
    %add3A_64 = arith.addi %mul3A_63, %mul3A_0 : i32
    %add3A_65 = arith.constant 512 : i32
    %add3A_66 = arith.addi %add3A_64, %add3A_65 : i32
    %run_scoped3A_67 = arith.constant 1 : i32
    "tpu.region"() ({
      %run_scoped3A_105 = tpu.sem_alloc : memref<!tpu.dma_semaphore, #tpu.memory_space<semaphore_mem>>
      %dma_start3A_106 = arith.constant 0 : i32
      %dma_start3A_107 = arith.constant 0 : i32
      %dma_start3A_108 = tpu.memref_slice %arg9[%run_scoped3A_67, %dma_start3A_106, %dma_start3A_107] : memref<3x128x64xf32, #tpu.memory_space<vmem>> -> memref<1x128x64xf32, #tpu.memory_space<vmem>>
      %dma_start3A_109 = tpu.memref_squeeze %dma_start3A_108 : memref<1x128x64xf32, #tpu.memory_space<vmem>> -> memref<128x64xf32, #tpu.memory_space<vmem>>
      %dma_start3A_110 = arith.constant 0 : i32
      %dma_start3A_111 = tpu.memref_slice %arg6[%add3A_66, %dma_start3A_110] : memref<20480x64xf32, #tpu.memory_space<hbm>> -> memref<128x64xf32, #tpu.memory_space<hbm>>
      %dma_start3A_112 = arith.constant 0 : i32
      %dma_start3A_113 = tpu.memref_slice %arg6[%add3A_66, %dma_start3A_112] : memref<20480x64xf32, #tpu.memory_space<hbm>> -> memref<128x64xf32, #tpu.memory_space<hbm>>
      %dma_start3A_114 = arith.constant 0 : i32
      %dma_start3A_115 = arith.constant 0 : i32
      %dma_start3A_116 = tpu.memref_slice %arg9[%run_scoped3A_67, %dma_start3A_114, %dma_start3A_115] : memref<3x128x64xf32, #tpu.memory_space<vmem>> -> memref<1x128x64xf32, #tpu.memory_space<vmem>>
      %dma_start3A_117 = tpu.memref_squeeze %dma_start3A_116 : memref<1x128x64xf32, #tpu.memory_space<vmem>> -> memref<128x64xf32, #tpu.memory_space<vmem>>
      tpu.enqueue_dma source(%dma_start3A_117 : memref<128x64xf32, #tpu.memory_space<vmem>>) target(%dma_start3A_113 : memref<128x64xf32, #tpu.memory_space<hbm>>) target_semaphore(%run_scoped3A_105 : memref<!tpu.dma_semaphore, #tpu.memory_space<semaphore_mem>>)
      %dma_wait3A = arith.constant 0 : i32
      %dma_wait3A_118 = arith.constant 0 : i32
      %dma_wait3A_119 = tpu.memref_slice %arg9[%run_scoped3A_67, %dma_wait3A, %dma_wait3A_118] : memref<3x128x64xf32, #tpu.memory_space<vmem>> -> memref<1x128x64xf32, #tpu.memory_space<vmem>>
      %dma_wait3A_120 = tpu.memref_squeeze %dma_wait3A_119 : memref<1x128x64xf32, #tpu.memory_space<vmem>> -> memref<128x64xf32, #tpu.memory_space<vmem>>
      %dma_wait3A_121 = arith.constant 0 : i32
      %dma_wait3A_122 = tpu.memref_slice %arg6[%add3A_66, %dma_wait3A_121] : memref<20480x64xf32, #tpu.memory_space<hbm>> -> memref<128x64xf32, #tpu.memory_space<hbm>>
      %dma_wait3A_123 = arith.constant 0 : i32
      %dma_wait3A_124 = tpu.memref_slice %arg6[%add3A_66, %dma_wait3A_123] : memref<20480x64xf32, #tpu.memory_space<hbm>> -> memref<128x64xf32, #tpu.memory_space<hbm>>
      %dma_wait3A_125 = arith.constant 0 : i32
      %dma_wait3A_126 = arith.constant 0 : i32
      %dma_wait3A_127 = tpu.memref_slice %arg9[%run_scoped3A_67, %dma_wait3A_125, %dma_wait3A_126] : memref<3x128x64xf32, #tpu.memory_space<vmem>> -> memref<1x128x64xf32, #tpu.memory_space<vmem>>
      %dma_wait3A_128 = tpu.memref_squeeze %dma_wait3A_127 : memref<1x128x64xf32, #tpu.memory_space<vmem>> -> memref<128x64xf32, #tpu.memory_space<vmem>>
      tpu.wait_dma2 semaphore(%run_scoped3A_105 : memref<!tpu.dma_semaphore, #tpu.memory_space<semaphore_mem>>) src(%dma_wait3A_128 : memref<128x64xf32, #tpu.memory_space<vmem>>) dst(%dma_wait3A_124 : memref<128x64xf32, #tpu.memory_space<hbm>>)
      tpu.yield
    }) : () -> ()
    %barrier3A = arith.constant 0 : index
    tpu.barrier barrier_id(%barrier3A)
    "tpu.region"() ({
      %run_scoped3A_105 = tpu.sem_alloc : memref<!tpu.dma_semaphore, #tpu.memory_space<semaphore_mem>>
      %dma_start3A_106 = arith.constant 0 : i32
      %dma_start3A_107 = arith.constant 0 : i32
      %dma_start3A_108 = tpu.memref_slice %arg3[%arg0, %arg1, %dma_start3A_106, %dma_start3A_107] : memref<2x16x157x128xi32, #tpu.memory_space<hbm>> -> memref<1x1x157x128xi32, #tpu.memory_space<hbm>>
      %dma_start3A_109 = tpu.memref_squeeze %dma_start3A_108 : memref<1x1x157x128xi32, #tpu.memory_space<hbm>> -> memref<157x128xi32, #tpu.memory_space<hbm>>
      %dma_start3A_110 = arith.constant 0 : i32
      %dma_start3A_111 = arith.constant 0 : i32
      %dma_start3A_112 = tpu.memref_slice %arg3[%arg0, %arg1, %dma_start3A_110, %dma_start3A_111] : memref<2x16x157x128xi32, #tpu.memory_space<hbm>> -> memref<1x1x157x128xi32, #tpu.memory_space<hbm>>
      %dma_start3A_113 = tpu.memref_squeeze %dma_start3A_112 : memref<1x1x157x128xi32, #tpu.memory_space<hbm>> -> memref<157x128xi32, #tpu.memory_space<hbm>>
      tpu.enqueue_dma source(%dma_start3A_113 : memref<157x128xi32, #tpu.memory_space<hbm>>) target(%arg7 : memref<157x128xi32, #tpu.memory_space<vmem>>) target_semaphore(%run_scoped3A_105 : memref<!tpu.dma_semaphore, #tpu.memory_space<semaphore_mem>>)
      %dma_wait3A = arith.constant 0 : i32
      %dma_wait3A_114 = arith.constant 0 : i32
      %dma_wait3A_115 = tpu.memref_slice %arg3[%arg0, %arg1, %dma_wait3A, %dma_wait3A_114] : memref<2x16x157x128xi32, #tpu.memory_space<hbm>> -> memref<1x1x157x128xi32, #tpu.memory_space<hbm>>
      %dma_wait3A_116 = tpu.memref_squeeze %dma_wait3A_115 : memref<1x1x157x128xi32, #tpu.memory_space<hbm>> -> memref<157x128xi32, #tpu.memory_space<hbm>>
      %dma_wait3A_117 = arith.constant 0 : i32
      %dma_wait3A_118 = arith.constant 0 : i32
      %dma_wait3A_119 = tpu.memref_slice %arg3[%arg0, %arg1, %dma_wait3A_117, %dma_wait3A_118] : memref<2x16x157x128xi32, #tpu.memory_space<hbm>> -> memref<1x1x157x128xi32, #tpu.memory_space<hbm>>
      %dma_wait3A_120 = tpu.memref_squeeze %dma_wait3A_119 : memref<1x1x157x128xi32, #tpu.memory_space<hbm>> -> memref<157x128xi32, #tpu.memory_space<hbm>>
      tpu.wait_dma2 semaphore(%run_scoped3A_105 : memref<!tpu.dma_semaphore, #tpu.memory_space<semaphore_mem>>) src(%dma_wait3A_120 : memref<157x128xi32, #tpu.memory_space<hbm>>) dst(%arg7 : memref<157x128xi32, #tpu.memory_space<vmem>>)
      tpu.yield
    }) : () -> ()
    "tpu.region"() ({
      %run_scoped3A_105 = tpu.sem_alloc : memref<!tpu.dma_semaphore, #tpu.memory_space<semaphore_mem>>
      %dma_start3A_106 = arith.constant 0 : i32
      %dma_start3A_107 = arith.constant 0 : i32
      %dma_start3A_108 = tpu.memref_slice %arg4[%arg1, %dma_start3A_106, %dma_start3A_107] : memref<16x157x128xi32, #tpu.memory_space<hbm>> -> memref<1x157x128xi32, #tpu.memory_space<hbm>>
      %dma_start3A_109 = tpu.memref_squeeze %dma_start3A_108 : memref<1x157x128xi32, #tpu.memory_space<hbm>> -> memref<157x128xi32, #tpu.memory_space<hbm>>
      %dma_start3A_110 = arith.constant 0 : i32
      %dma_start3A_111 = arith.constant 0 : i32
      %dma_start3A_112 = tpu.memref_slice %arg4[%arg1, %dma_start3A_110, %dma_start3A_111] : memref<16x157x128xi32, #tpu.memory_space<hbm>> -> memref<1x157x128xi32, #tpu.memory_space<hbm>>
      %dma_start3A_113 = tpu.memref_squeeze %dma_start3A_112 : memref<1x157x128xi32, #tpu.memory_space<hbm>> -> memref<157x128xi32, #tpu.memory_space<hbm>>
      tpu.enqueue_dma source(%dma_start3A_113 : memref<157x128xi32, #tpu.memory_space<hbm>>) target(%arg8 : memref<157x128xi32, #tpu.memory_space<vmem>>) target_semaphore(%run_scoped3A_105 : memref<!tpu.dma_semaphore, #tpu.memory_space<semaphore_mem>>)
      %dma_wait3A = arith.constant 0 : i32
      %dma_wait3A_114 = arith.constant 0 : i32
      %dma_wait3A_115 = tpu.memref_slice %arg4[%arg1, %dma_wait3A, %dma_wait3A_114] : memref<16x157x128xi32, #tpu.memory_space<hbm>> -> memref<1x157x128xi32, #tpu.memory_space<hbm>>
      %dma_wait3A_116 = tpu.memref_squeeze %dma_wait3A_115 : memref<1x157x128xi32, #tpu.memory_space<hbm>> -> memref<157x128xi32, #tpu.memory_space<hbm>>
      %dma_wait3A_117 = arith.constant 0 : i32
      %dma_wait3A_118 = arith.constant 0 : i32
      %dma_wait3A_119 = tpu.memref_slice %arg4[%arg1, %dma_wait3A_117, %dma_wait3A_118] : memref<16x157x128xi32, #tpu.memory_space<hbm>> -> memref<1x157x128xi32, #tpu.memory_space<hbm>>
      %dma_wait3A_120 = tpu.memref_squeeze %dma_wait3A_119 : memref<1x157x128xi32, #tpu.memory_space<hbm>> -> memref<157x128xi32, #tpu.memory_space<hbm>>
      tpu.wait_dma2 semaphore(%run_scoped3A_105 : memref<!tpu.dma_semaphore, #tpu.memory_space<semaphore_mem>>) src(%dma_wait3A_120 : memref<157x128xi32, #tpu.memory_space<hbm>>) dst(%arg8 : memref<157x128xi32, #tpu.memory_space<vmem>>)
      tpu.yield
    }) : () -> ()
    %dma_start3A = arith.constant 0 : i32
    %dma_start3A_68 = arith.constant 0 : i32
    %dma_start3A_69 = arith.constant 0 : i32
    %dma_start3A_70 = arith.constant 0 : i32
    %dma_start3A_71 = arith.constant 0 : i32
    %dma_start3A_72 = tpu.memref_slice %arg9[%dma_start3A_68, %dma_start3A_70, %dma_start3A_71] : memref<3x128x64xf32, #tpu.memory_space<vmem>> -> memref<1x128x64xf32, #tpu.memory_space<vmem>>
    %dma_start3A_73 = tpu.memref_squeeze %dma_start3A_72 : memref<1x128x64xf32, #tpu.memory_space<vmem>> -> memref<128x64xf32, #tpu.memory_space<vmem>>
    %dma_start3A_74 = arith.constant 0 : i32
    %dma_start3A_75 = tpu.memref_slice %arg7[%dma_start3A, %dma_start3A_74] : memref<157x128xi32, #tpu.memory_space<vmem>> -> memref<1x128xi32, #tpu.memory_space<vmem>>
    %dma_start3A_76 = tpu.memref_squeeze %dma_start3A_75 : memref<1x128xi32, #tpu.memory_space<vmem>> -> memref<128xi32, #tpu.memory_space<vmem>>
    %dma_start3A_77 = arith.constant 0 : i32
    %dma_start3A_78 = arith.constant 0 : i32
    %dma_start3A_79 = tpu.memref_slice %arg6[%dma_start3A_77, %dma_start3A_78] : memref<20480x64xf32, #tpu.memory_space<hbm>> -> memref<20480x64xf32, #tpu.memory_space<hbm>>
    %dma_start3A_80 = tpu.memref_slice %arg11[%dma_start3A_69] : memref<3x!tpu.dma_semaphore, #tpu.memory_space<semaphore_mem>> -> memref<1x!tpu.dma_semaphore, #tpu.memory_space<semaphore_mem>>
    %dma_start3A_81 = tpu.memref_squeeze %dma_start3A_80 : memref<1x!tpu.dma_semaphore, #tpu.memory_space<semaphore_mem>> -> memref<!tpu.dma_semaphore, #tpu.memory_space<semaphore_mem>>
    tpu.enqueue_indirect_dma source(%dma_start3A_79 : memref<20480x64xf32, #tpu.memory_space<hbm>>) target(%dma_start3A_73 : memref<128x64xf32, #tpu.memory_space<vmem>>) offsets(%dma_start3A_76 : memref<128xi32, #tpu.memory_space<vmem>>) semaphore(%dma_start3A_81 : memref<!tpu.dma_semaphore, #tpu.memory_space<semaphore_mem>>)
    %dma_start3A_82 = arith.constant 1 : i32
    %dma_start3A_83 = arith.constant 1 : i32
    %dma_start3A_84 = arith.constant 1 : i32
    %dma_start3A_85 = arith.constant 0 : i32
    %dma_start3A_86 = arith.constant 0 : i32
    %dma_start3A_87 = tpu.memref_slice %arg9[%dma_start3A_83, %dma_start3A_85, %dma_start3A_86] : memref<3x128x64xf32, #tpu.memory_space<vmem>> -> memref<1x128x64xf32, #tpu.memory_space<vmem>>
    %dma_start3A_88 = tpu.memref_squeeze %dma_start3A_87 : memref<1x128x64xf32, #tpu.memory_space<vmem>> -> memref<128x64xf32, #tpu.memory_space<vmem>>
    %dma_start3A_89 = arith.constant 0 : i32
    %dma_start3A_90 = tpu.memref_slice %arg7[%dma_start3A_82, %dma_start3A_89] : memref<157x128xi32, #tpu.memory_space<vmem>> -> memref<1x128xi32, #tpu.memory_space<vmem>>
    %dma_start3A_91 = tpu.memref_squeeze %dma_start3A_90 : memref<1x128xi32, #tpu.memory_space<vmem>> -> memref<128xi32, #tpu.memory_space<vmem>>
    %dma_start3A_92 = arith.constant 0 : i32
    %dma_start3A_93 = arith.constant 0 : i32
    %dma_start3A_94 = tpu.memref_slice %arg6[%dma_start3A_92, %dma_start3A_93] : memref<20480x64xf32, #tpu.memory_space<hbm>> -> memref<20480x64xf32, #tpu.memory_space<hbm>>
    %dma_start3A_95 = tpu.memref_slice %arg11[%dma_start3A_84] : memref<3x!tpu.dma_semaphore, #tpu.memory_space<semaphore_mem>> -> memref<1x!tpu.dma_semaphore, #tpu.memory_space<semaphore_mem>>
    %dma_start3A_96 = tpu.memref_squeeze %dma_start3A_95 : memref<1x!tpu.dma_semaphore, #tpu.memory_space<semaphore_mem>> -> memref<!tpu.dma_semaphore, #tpu.memory_space<semaphore_mem>>
    tpu.enqueue_indirect_dma source(%dma_start3A_94 : memref<20480x64xf32, #tpu.memory_space<hbm>>) target(%dma_start3A_88 : memref<128x64xf32, #tpu.memory_space<vmem>>) offsets(%dma_start3A_91 : memref<128xi32, #tpu.memory_space<vmem>>) semaphore(%dma_start3A_96 : memref<!tpu.dma_semaphore, #tpu.memory_space<semaphore_mem>>)
    %scan3A_97 = arith.constant 0 : i32
    %scan3A_98 = arith.constant 0 : i32
    %scan3A_99 = arith.constant 157 : i32
    %scan3A_100 = arith.addi %scan3A_98, %scan3A_99 : i32
    %scan3A_101 = arith.constant 1 : i32
    %scan3A_102 = scf.for %scan3A_105 = %scan3A_98 to %scan3A_100 step %scan3A_101 iter_args(%scan3A_106 = %scan3A_97) -> (i32)  : i32 {
      %rem3A = arith.constant 3 : i32
      %rem3A_107 = arith.remsi %scan3A_105, %rem3A : i32
      %add3A_108 = arith.constant 2 : i32
      %add3A_109 = arith.addi %scan3A_105, %add3A_108 : i32
      %lt3A = arith.constant 157 : i32
      %lt3A_110 = arith.cmpi slt, %add3A_109, %lt3A : i32
      %convert_element_type3A = arith.extui %lt3A_110 : i1 to i32
      %cond3A = arith.constant 0 : i32
      %cond3A_111 = arith.cmpi ne, %convert_element_type3A, %cond3A : i32
      scf.if %cond3A_111 {
        %add3A_124 = arith.constant 2 : i32
        %add3A_125 = arith.addi %scan3A_105, %add3A_124 : i32
        %add3A_126 = arith.constant 2 : i32
        %add3A_127 = arith.addi %scan3A_105, %add3A_126 : i32
        %rem3A_128 = arith.constant 3 : i32
        %rem3A_129 = arith.remsi %add3A_127, %rem3A_128 : i32
        %dma_start3A_130 = arith.constant 0 : i32
        %dma_start3A_131 = arith.constant 0 : i32
        %dma_start3A_132 = tpu.memref_slice %arg9[%rem3A_129, %dma_start3A_130, %dma_start3A_131] : memref<3x128x64xf32, #tpu.memory_space<vmem>> -> memref<1x128x64xf32, #tpu.memory_space<vmem>>
        %dma_start3A_133 = tpu.memref_squeeze %dma_start3A_132 : memref<1x128x64xf32, #tpu.memory_space<vmem>> -> memref<128x64xf32, #tpu.memory_space<vmem>>
        %dma_start3A_134 = arith.constant 0 : i32
        %dma_start3A_135 = tpu.memref_slice %arg7[%add3A_125, %dma_start3A_134] : memref<157x128xi32, #tpu.memory_space<vmem>> -> memref<1x128xi32, #tpu.memory_space<vmem>>
        %dma_start3A_136 = tpu.memref_squeeze %dma_start3A_135 : memref<1x128xi32, #tpu.memory_space<vmem>> -> memref<128xi32, #tpu.memory_space<vmem>>
        %dma_start3A_137 = arith.constant 0 : i32
        %dma_start3A_138 = arith.constant 0 : i32
        %dma_start3A_139 = tpu.memref_slice %arg6[%dma_start3A_137, %dma_start3A_138] : memref<20480x64xf32, #tpu.memory_space<hbm>> -> memref<20480x64xf32, #tpu.memory_space<hbm>>
        %dma_start3A_140 = tpu.memref_slice %arg11[%rem3A_129] : memref<3x!tpu.dma_semaphore, #tpu.memory_space<semaphore_mem>> -> memref<1x!tpu.dma_semaphore, #tpu.memory_space<semaphore_mem>>
        %dma_start3A_141 = tpu.memref_squeeze %dma_start3A_140 : memref<1x!tpu.dma_semaphore, #tpu.memory_space<semaphore_mem>> -> memref<!tpu.dma_semaphore, #tpu.memory_space<semaphore_mem>>
        tpu.enqueue_indirect_dma source(%dma_start3A_139 : memref<20480x64xf32, #tpu.memory_space<hbm>>) target(%dma_start3A_133 : memref<128x64xf32, #tpu.memory_space<vmem>>) offsets(%dma_start3A_136 : memref<128xi32, #tpu.memory_space<vmem>>) semaphore(%dma_start3A_141 : memref<!tpu.dma_semaphore, #tpu.memory_space<semaphore_mem>>)
      } else {
      }
      %dma_wait3A = arith.constant 0 : i32
      %dma_wait3A_112 = arith.constant 0 : i32
      %dma_wait3A_113 = tpu.memref_slice %arg9[%rem3A_107, %dma_wait3A, %dma_wait3A_112] : memref<3x128x64xf32, #tpu.memory_space<vmem>> -> memref<1x128x64xf32, #tpu.memory_space<vmem>>
      %dma_wait3A_114 = tpu.memref_squeeze %dma_wait3A_113 : memref<1x128x64xf32, #tpu.memory_space<vmem>> -> memref<128x64xf32, #tpu.memory_space<vmem>>
      %dma_wait3A_115 = arith.constant 0 : i32
      %dma_wait3A_116 = tpu.memref_slice %arg7[%scan3A_105, %dma_wait3A_115] : memref<157x128xi32, #tpu.memory_space<vmem>> -> memref<1x128xi32, #tpu.memory_space<vmem>>
      %dma_wait3A_117 = tpu.memref_squeeze %dma_wait3A_116 : memref<1x128xi32, #tpu.memory_space<vmem>> -> memref<128xi32, #tpu.memory_space<vmem>>
      %dma_wait3A_118 = arith.constant 0 : i32
      %dma_wait3A_119 = arith.constant 0 : i32
      %dma_wait3A_120 = tpu.memref_slice %arg6[%dma_wait3A_118, %dma_wait3A_119] : memref<20480x64xf32, #tpu.memory_space<hbm>> -> memref<20480x64xf32, #tpu.memory_space<hbm>>
      %dma_wait3A_121 = tpu.memref_slice %arg11[%rem3A_107] : memref<3x!tpu.dma_semaphore, #tpu.memory_space<semaphore_mem>> -> memref<1x!tpu.dma_semaphore, #tpu.memory_space<semaphore_mem>>
      %dma_wait3A_122 = tpu.memref_squeeze %dma_wait3A_121 : memref<1x!tpu.dma_semaphore, #tpu.memory_space<semaphore_mem>> -> memref<!tpu.dma_semaphore, #tpu.memory_space<semaphore_mem>>
      tpu.wait_indirect_dma semaphore(%dma_wait3A_122 : memref<!tpu.dma_semaphore, #tpu.memory_space<semaphore_mem>>) src(%dma_wait3A_120 : memref<20480x64xf32, #tpu.memory_space<hbm>>) dst(%dma_wait3A_114 : memref<128x64xf32, #tpu.memory_space<vmem>>)
      "tpu.region"() ({
        %run_scoped3A_124 = tpu.sem_alloc : memref<!tpu.dma_semaphore, #tpu.memory_space<semaphore_mem>>
        %dma_start3A_125 = arith.constant 0 : i32
        %dma_start3A_126 = arith.constant 0 : i32
        %dma_start3A_127 = tpu.memref_slice %arg9[%rem3A_107, %dma_start3A_125, %dma_start3A_126] : memref<3x128x64xf32, #tpu.memory_space<vmem>> -> memref<1x128x64xf32, #tpu.memory_space<vmem>>
        %dma_start3A_128 = tpu.memref_squeeze %dma_start3A_127 : memref<1x128x64xf32, #tpu.memory_space<vmem>> -> memref<128x64xf32, #tpu.memory_space<vmem>>
        %dma_start3A_129 = arith.constant 0 : i32
        %dma_start3A_130 = tpu.memref_slice %arg8[%scan3A_105, %dma_start3A_129] : memref<157x128xi32, #tpu.memory_space<vmem>> -> memref<1x128xi32, #tpu.memory_space<vmem>>
        %dma_start3A_131 = tpu.memref_squeeze %dma_start3A_130 : memref<1x128xi32, #tpu.memory_space<vmem>> -> memref<128xi32, #tpu.memory_space<vmem>>
        %dma_start3A_132 = arith.constant 0 : i32
        %dma_start3A_133 = arith.constant 0 : i32
        %dma_start3A_134 = tpu.memref_slice %arg10[%dma_start3A_132, %dma_start3A_133] : memref<10240x64xf32, #tpu.memory_space<vmem_shared>> -> memref<10240x64xf32, #tpu.memory_space<vmem_shared>>
        tpu.enqueue_indirect_dma source(%dma_start3A_128 : memref<128x64xf32, #tpu.memory_space<vmem>>) target(%dma_start3A_134 : memref<10240x64xf32, #tpu.memory_space<vmem_shared>>) offsets(%dma_start3A_131 : memref<128xi32, #tpu.memory_space<vmem>>) semaphore(%run_scoped3A_124 : memref<!tpu.dma_semaphore, #tpu.memory_space<semaphore_mem>>) {add = true}
        %dma_wait3A_135 = arith.constant 0 : i32
        %dma_wait3A_136 = arith.constant 0 : i32
        %dma_wait3A_137 = tpu.memref_slice %arg9[%rem3A_107, %dma_wait3A_135, %dma_wait3A_136] : memref<3x128x64xf32, #tpu.memory_space<vmem>> -> memref<1x128x64xf32, #tpu.memory_space<vmem>>
        %dma_wait3A_138 = tpu.memref_squeeze %dma_wait3A_137 : memref<1x128x64xf32, #tpu.memory_space<vmem>> -> memref<128x64xf32, #tpu.memory_space<vmem>>
        %dma_wait3A_139 = arith.constant 0 : i32
        %dma_wait3A_140 = tpu.memref_slice %arg8[%scan3A_105, %dma_wait3A_139] : memref<157x128xi32, #tpu.memory_space<vmem>> -> memref<1x128xi32, #tpu.memory_space<vmem>>
        %dma_wait3A_141 = tpu.memref_squeeze %dma_wait3A_140 : memref<1x128xi32, #tpu.memory_space<vmem>> -> memref<128xi32, #tpu.memory_space<vmem>>
        %dma_wait3A_142 = arith.constant 0 : i32
        %dma_wait3A_143 = arith.constant 0 : i32
        %dma_wait3A_144 = tpu.memref_slice %arg10[%dma_wait3A_142, %dma_wait3A_143] : memref<10240x64xf32, #tpu.memory_space<vmem_shared>> -> memref<10240x64xf32, #tpu.memory_space<vmem_shared>>
        tpu.wait_indirect_dma semaphore(%run_scoped3A_124 : memref<!tpu.dma_semaphore, #tpu.memory_space<semaphore_mem>>) src(%dma_wait3A_138 : memref<128x64xf32, #tpu.memory_space<vmem>>) dst(%dma_wait3A_144 : memref<10240x64xf32, #tpu.memory_space<vmem_shared>>)
        tpu.yield
      }) : () -> ()
      %scan3A_123 = arith.constant 0 : i32
      scf.yield %scan3A_123 : i32
    }
    %scan3A_103 = arith.constant 157 : i32
    %barrier3A_104 = arith.constant 0 : index
    tpu.barrier barrier_id(%barrier3A_104)
    "tpu.region"() ({
      %run_scoped3A_105 = tpu.sem_alloc : memref<!tpu.dma_semaphore, #tpu.memory_space<semaphore_mem>>
      %dma_start3A_106 = tpu.memref_slice %arg5[%mul3A_0, %multiple_of3A] : memref<10240x128xf32, #tpu.memory_space<hbm>> -> memref<640x64xf32, #tpu.memory_space<hbm>>
      %dma_start3A_107 = arith.constant 0 : i32
      %dma_start3A_108 = tpu.memref_slice %arg10[%mul3A_0, %dma_start3A_107] : memref<10240x64xf32, #tpu.memory_space<vmem_shared>> -> memref<640x64xf32, #tpu.memory_space<vmem_shared>>
      tpu.enqueue_dma source(%dma_start3A_108 : memref<640x64xf32, #tpu.memory_space<vmem_shared>>) target(%dma_start3A_106 : memref<640x64xf32, #tpu.memory_space<hbm>>) target_semaphore(%run_scoped3A_105 : memref<!tpu.dma_semaphore, #tpu.memory_space<semaphore_mem>>)
      %dma_wait3A = tpu.memref_slice %arg5[%mul3A_0, %multiple_of3A] : memref<10240x128xf32, #tpu.memory_space<hbm>> -> memref<640x64xf32, #tpu.memory_space<hbm>>
      %dma_wait3A_109 = arith.constant 0 : i32
      %dma_wait3A_110 = tpu.memref_slice %arg10[%mul3A_0, %dma_wait3A_109] : memref<10240x64xf32, #tpu.memory_space<vmem_shared>> -> memref<640x64xf32, #tpu.memory_space<vmem_shared>>
      tpu.wait_dma2 semaphore(%run_scoped3A_105 : memref<!tpu.dma_semaphore, #tpu.memory_space<semaphore_mem>>) src(%dma_wait3A_110 : memref<640x64xf32, #tpu.memory_space<vmem_shared>>) dst(%dma_wait3A : memref<640x64xf32, #tpu.memory_space<hbm>>)
      tpu.yield
    }) : () -> ()
    return
  }
}

module attributes {stable_mosaic.version = 14 : i64} {
  func.func @_xs_body(%arg0: memref<10240x128xf32, #tpu.memory_space<vmem>>, %arg1: memref<20480x16xf32, #tpu.memory_space<vmem>>, %arg2: memref<10240x128xf32, #tpu.memory_space<vmem>>) attributes {dimension_semantics = [], scalar_prefetch = 0 : i64, scratch_operands = 0 : i64, tpu.core_type = #tpu.core_type<tc>} {
    %get3A = arith.constant 0 : index
    %get3A_0 = arith.constant 0 : index
    %get3A_1 = vector.load %arg1[%get3A, %get3A_0] : memref<20480x16xf32, #tpu.memory_space<vmem>>, vector<10240x16xf32>
    %slice3A = vector.extract_strided_slice %get3A_1 {offsets = [0, 0], sizes = [10240, 1], strides = [1, 1]} : vector<10240x16xf32> to vector<10240x1xf32>
    %max3A = arith.constant 1.000000e+00 : f32
    %max3A_2 = vector.broadcast %max3A : f32 to vector<10240x1xf32>
    %max3A_3 = arith.maximumf %slice3A, %max3A_2 : vector<10240x1xf32>
    %rsqrt3A = math.rsqrt %max3A_3 : vector<10240x1xf32>
    %get3A_4 = arith.constant 0 : index
    %get3A_5 = arith.constant 0 : index
    %get3A_6 = vector.load %arg0[%get3A_4, %get3A_5] : memref<10240x128xf32, #tpu.memory_space<vmem>>, vector<10240x128xf32>
    %mul3A = vector.broadcast %rsqrt3A : vector<10240x1xf32> to vector<10240x128xf32>
    %mul3A_7 = arith.mulf %get3A_6, %mul3A : vector<10240x128xf32>
    %swap3A = arith.constant 0 : index
    %swap3A_8 = arith.constant 0 : index
    %swap3A_9 = vector.load %arg2[%swap3A, %swap3A_8] : memref<10240x128xf32, #tpu.memory_space<vmem>>, vector<10240x128xf32>
    tpu.vector_store %arg2[%swap3A, %swap3A_8], %mul3A_7 {strides = array<i32>} : memref<10240x128xf32, #tpu.memory_space<vmem>>, vector<10240x128xf32>,
    return
  }
}

module attributes {stable_mosaic.version = 14 : i64} {
  func.func @_layer_body(%arg0: memref<10240x128xf32, #tpu.memory_space<vmem>>, %arg1: memref<20480x16xf32, #tpu.memory_space<vmem>>, %arg2: memref<128x128xf32, #tpu.memory_space<vmem>>, %arg3: memref<1x128xf32, #tpu.memory_space<vmem>>, %arg4: memref<10240x128xf32, #tpu.memory_space<vmem>>) attributes {dimension_semantics = [], scalar_prefetch = 0 : i64, scratch_operands = 0 : i64, tpu.core_type = #tpu.core_type<tc>} {
    %get3A = arith.constant 0 : index
    %get3A_0 = arith.constant 0 : index
    %get3A_1 = vector.load %arg0[%get3A, %get3A_0] : memref<10240x128xf32, #tpu.memory_space<vmem>>, vector<10240x128xf32>
    %get3A_2 = arith.constant 10240 : index
    %get3A_3 = arith.constant 0 : index
    %get3A_4 = vector.load %arg1[%get3A_2, %get3A_3] : memref<20480x16xf32, #tpu.memory_space<vmem>>, vector<10240x16xf32>
    %get3A_5 = arith.constant 0 : index
    %get3A_6 = arith.constant 0 : index
    %get3A_7 = vector.load %arg1[%get3A_5, %get3A_6] : memref<20480x16xf32, #tpu.memory_space<vmem>>, vector<10240x16xf32>
    %slice3A = vector.extract_strided_slice %get3A_4 {offsets = [0, 0], sizes = [10240, 1], strides = [1, 1]} : vector<10240x16xf32> to vector<10240x1xf32>
    %max3A = arith.constant 1.000000e+00 : f32
    %max3A_8 = vector.broadcast %max3A : f32 to vector<10240x1xf32>
    %max3A_9 = arith.maximumf %slice3A, %max3A_8 : vector<10240x1xf32>
    %rsqrt3A = math.rsqrt %max3A_9 : vector<10240x1xf32>
    %slice3A_10 = vector.extract_strided_slice %get3A_7 {offsets = [0, 0], sizes = [10240, 1], strides = [1, 1]} : vector<10240x16xf32> to vector<10240x1xf32>
    %max3A_11 = arith.constant 1.000000e+00 : f32
    %max3A_12 = vector.broadcast %max3A_11 : f32 to vector<10240x1xf32>
    %max3A_13 = arith.maximumf %slice3A_10, %max3A_12 : vector<10240x1xf32>
    %rsqrt3A_14 = math.rsqrt %max3A_13 : vector<10240x1xf32>
    %mul3A = vector.broadcast %rsqrt3A : vector<10240x1xf32> to vector<10240x128xf32>
    %mul3A_15 = arith.mulf %get3A_1, %mul3A : vector<10240x128xf32>
    %get3A_16 = arith.constant 0 : index
    %get3A_17 = arith.constant 0 : index
    %get3A_18 = vector.load %arg2[%get3A_16, %get3A_17] : memref<128x128xf32, #tpu.memory_space<vmem>>, vector<128x128xf32>
    %dot_general3A = arith.constant dense<0.000000e+00> : vector<10240x128xf32>
    %dot_general3A_19 = tpu.matmul %mul3A_15, %get3A_18, %dot_general3A {dimension_numbers = #tpu.dot_dimension_numbers<[1], [0], [0], [1], [0, 0, 1, 1], [], []>, transpose_lhs_hint = false} : vector<10240x128xf32>, vector<128x128xf32>, vector<10240x128xf32> -> vector<10240x128xf32>
    %get3A_20 = arith.constant 0 : index
    %get3A_21 = arith.constant 0 : index
    %get3A_22 = vector.load %arg3[%get3A_20, %get3A_21] : memref<1x128xf32, #tpu.memory_space<vmem>>, vector<1x128xf32>
    %add3A = vector.broadcast %get3A_22 : vector<1x128xf32> to vector<10240x128xf32>
    %add3A_23 = arith.addf %dot_general3A_19, %add3A : vector<10240x128xf32>
    %max3A_24 = arith.constant 0.000000e+00 : f32
    %max3A_25 = vector.broadcast %max3A_24 : f32 to vector<10240x128xf32>
    %max3A_26 = arith.maximumf %add3A_23, %max3A_25 : vector<10240x128xf32>
    %iota3A = tpu.iota {dimensions = array<i32: 0>} : vector<10240x1xi32>
    %lt3A = arith.constant 10000 : i32
    %lt3A_27 = vector.broadcast %lt3A : i32 to vector<10240x1xi32>
    %lt3A_28 = arith.cmpi slt, %iota3A, %lt3A_27 : vector<10240x1xi32>
    %mul3A_29 = vector.broadcast %rsqrt3A_14 : vector<10240x1xf32> to vector<10240x128xf32>
    %mul3A_30 = arith.mulf %max3A_26, %mul3A_29 : vector<10240x128xf32>
    %jit3A = arith.constant 0.000000e+00 : f32
    %broadcast_in_dim3A = vector.shape_cast %lt3A_28 : vector<10240x1xi1> to vector<10240x1xi1>
    %broadcast_in_dim3A_31 = vector.broadcast %broadcast_in_dim3A : vector<10240x1xi1> to vector<10240x128xi1>
    %broadcast_in_dim3A_32 = vector.broadcast %jit3A : f32 to vector<10240x128xf32>
    %select_n3A = arith.select %broadcast_in_dim3A_31, %mul3A_30, %broadcast_in_dim3A_32 : vector<10240x128xi1>, vector<10240x128xf32>
    %swap3A = arith.constant 0 : index
    %swap3A_33 = arith.constant 0 : index
    %swap3A_34 = vector.load %arg4[%swap3A, %swap3A_33] : memref<10240x128xf32, #tpu.memory_space<vmem>>, vector<10240x128xf32>
    tpu.vector_store %arg4[%swap3A, %swap3A_33], %select_n3A {strides = array<i32>} : memref<10240x128xf32, #tpu.memory_space<vmem>>, vector<10240x128xf32>,
    return
  }
}

module attributes {stable_mosaic.version = 14 : i64} {
  func.func @_final_body(%arg0: memref<10240x128xf32, #tpu.memory_space<vmem>>, %arg1: memref<20480x16xf32, #tpu.memory_space<vmem>>, %arg2: memref<128x128xf32, #tpu.memory_space<vmem>>, %arg3: memref<1x128xf32, #tpu.memory_space<vmem>>, %arg4: memref<128x128xf32, #tpu.memory_space<vmem>>, %arg5: memref<1x128xf32, #tpu.memory_space<vmem>>, %arg6: memref<128x128xf32, #tpu.memory_space<vmem>>, %arg7: memref<1x128xf32, #tpu.memory_space<vmem>>, %arg8: memref<1x128xf32, #tpu.memory_space<vmem>>) attributes {dimension_semantics = [], scalar_prefetch = 0 : i64, scratch_operands = 0 : i64, tpu.core_type = #tpu.core_type<tc>} {
    %get3A = arith.constant 0 : index
    %get3A_0 = arith.constant 0 : index
    %get3A_1 = vector.load %arg0[%get3A, %get3A_0] : memref<10240x128xf32, #tpu.memory_space<vmem>>, vector<10240x128xf32>
    %get3A_2 = arith.constant 10240 : index
    %get3A_3 = arith.constant 0 : index
    %get3A_4 = vector.load %arg1[%get3A_2, %get3A_3] : memref<20480x16xf32, #tpu.memory_space<vmem>>, vector<10240x16xf32>
    %slice3A = vector.extract_strided_slice %get3A_4 {offsets = [0, 0], sizes = [10240, 1], strides = [1, 1]} : vector<10240x16xf32> to vector<10240x1xf32>
    %max3A = arith.constant 1.000000e+00 : f32
    %max3A_5 = vector.broadcast %max3A : f32 to vector<10240x1xf32>
    %max3A_6 = arith.maximumf %slice3A, %max3A_5 : vector<10240x1xf32>
    %rsqrt3A = math.rsqrt %max3A_6 : vector<10240x1xf32>
    %mul3A = vector.broadcast %rsqrt3A : vector<10240x1xf32> to vector<10240x128xf32>
    %mul3A_7 = arith.mulf %get3A_1, %mul3A : vector<10240x128xf32>
    %get3A_8 = arith.constant 0 : index
    %get3A_9 = arith.constant 0 : index
    %get3A_10 = vector.load %arg2[%get3A_8, %get3A_9] : memref<128x128xf32, #tpu.memory_space<vmem>>, vector<128x128xf32>
    %dot_general3A = arith.constant dense<0.000000e+00> : vector<10240x128xf32>
    %dot_general3A_11 = tpu.matmul %mul3A_7, %get3A_10, %dot_general3A {dimension_numbers = #tpu.dot_dimension_numbers<[1], [0], [0], [1], [0, 0, 1, 1], [], []>, transpose_lhs_hint = false} : vector<10240x128xf32>, vector<128x128xf32>, vector<10240x128xf32> -> vector<10240x128xf32>
    %get3A_12 = arith.constant 0 : index
    %get3A_13 = arith.constant 0 : index
    %get3A_14 = vector.load %arg3[%get3A_12, %get3A_13] : memref<1x128xf32, #tpu.memory_space<vmem>>, vector<1x128xf32>
    %add3A = vector.broadcast %get3A_14 : vector<1x128xf32> to vector<10240x128xf32>
    %add3A_15 = arith.addf %dot_general3A_11, %add3A : vector<10240x128xf32>
    %max3A_16 = arith.constant 0.000000e+00 : f32
    %max3A_17 = vector.broadcast %max3A_16 : f32 to vector<10240x128xf32>
    %max3A_18 = arith.maximumf %add3A_15, %max3A_17 : vector<10240x128xf32>
    %iota3A = tpu.iota {dimensions = array<i32: 0>} : vector<10240x1xi32>
    %lt3A = arith.constant 10000 : i32
    %lt3A_19 = vector.broadcast %lt3A : i32 to vector<10240x1xi32>
    %lt3A_20 = arith.cmpi slt, %iota3A, %lt3A_19 : vector<10240x1xi32>
    %jit3A = arith.constant 0.000000e+00 : f32
    %broadcast_in_dim3A = vector.shape_cast %lt3A_20 : vector<10240x1xi1> to vector<10240x1xi1>
    %broadcast_in_dim3A_21 = vector.broadcast %broadcast_in_dim3A : vector<10240x1xi1> to vector<10240x128xi1>
    %broadcast_in_dim3A_22 = vector.broadcast %jit3A : f32 to vector<10240x128xf32>
    %select_n3A = arith.select %broadcast_in_dim3A_21, %max3A_18, %broadcast_in_dim3A_22 : vector<10240x128xi1>, vector<10240x128xf32>
    %reduce_sum3A = arith.constant dense<0.000000e+00> : vector<128xf32>
    %reduce_sum3A_23 = vector.multi_reduction <add>, %select_n3A, %reduce_sum3A [0] : vector<10240x128xf32> to vector<128xf32>
    %broadcast_in_dim3A_24 = vector.shape_cast %reduce_sum3A_23 : vector<128xf32> to vector<1x128xf32>
    %get3A_25 = arith.constant 0 : index
    %get3A_26 = arith.constant 0 : index
    %get3A_27 = vector.load %arg4[%get3A_25, %get3A_26] : memref<128x128xf32, #tpu.memory_space<vmem>>, vector<128x128xf32>
    %dot_general3A_28 = arith.constant dense<0.000000e+00> : vector<1x128xf32>
    %dot_general3A_29 = tpu.matmul %broadcast_in_dim3A_24, %get3A_27, %dot_general3A_28 {dimension_numbers = #tpu.dot_dimension_numbers<[1], [0], [0], [1], [0, 0, 1, 1], [], []>, transpose_lhs_hint = false} : vector<1x128xf32>, vector<128x128xf32>, vector<1x128xf32> -> vector<1x128xf32>
    %get3A_30 = arith.constant 0 : index
    %get3A_31 = arith.constant 0 : index
    %get3A_32 = vector.load %arg5[%get3A_30, %get3A_31] : memref<1x128xf32, #tpu.memory_space<vmem>>, vector<1x128xf32>
    %add3A_33 = arith.addf %dot_general3A_29, %get3A_32 : vector<1x128xf32>
    %max3A_34 = arith.constant 0.000000e+00 : f32
    %max3A_35 = vector.broadcast %max3A_34 : f32 to vector<1x128xf32>
    %max3A_36 = arith.maximumf %add3A_33, %max3A_35 : vector<1x128xf32>
    %get3A_37 = arith.constant 0 : index
    %get3A_38 = arith.constant 0 : index
    %get3A_39 = vector.load %arg6[%get3A_37, %get3A_38] : memref<128x128xf32, #tpu.memory_space<vmem>>, vector<128x128xf32>
    %dot_general3A_40 = arith.constant dense<0.000000e+00> : vector<1x128xf32>
    %dot_general3A_41 = tpu.matmul %max3A_36, %get3A_39, %dot_general3A_40 {dimension_numbers = #tpu.dot_dimension_numbers<[1], [0], [0], [1], [0, 0, 1, 1], [], []>, transpose_lhs_hint = false} : vector<1x128xf32>, vector<128x128xf32>, vector<1x128xf32> -> vector<1x128xf32>
    %get3A_42 = arith.constant 0 : index
    %get3A_43 = arith.constant 0 : index
    %get3A_44 = vector.load %arg7[%get3A_42, %get3A_43] : memref<1x128xf32, #tpu.memory_space<vmem>>, vector<1x128xf32>
    %add3A_45 = arith.addf %dot_general3A_41, %get3A_44 : vector<1x128xf32>
    %swap3A = arith.constant 0 : index
    %swap3A_46 = arith.constant 0 : index
    %swap3A_47 = vector.load %arg8[%swap3A, %swap3A_46] : memref<1x128xf32, #tpu.memory_space<vmem>>, vector<1x128xf32>
    tpu.vector_store %arg8[%swap3A, %swap3A_46], %add3A_45 {strides = array<i32>} : memref<1x128xf32, #tpu.memory_space<vmem>>, vector<1x128xf32>,
    return
  }
}

</mosaic_0001>

<sc_bundles>
// kernel: kernel.11.cloned.1.call-start
scs
__scs_entry_jumppad:
0x0: {  	(pc) =	sbr.rel $0x88, $3  }
0x1: {  	(tag) =	ssettag $0x0;
	lr =	simm.s32 $0x1  }
0x2: {  	[smem:$0x3F97] =	sst lr;
	_ =	strace $0xD0000000  }
0x3: {  	_ = 	snop  }
0x4: {  	_ = 	snop  }
0x5: {  	_ = 	snop  }
0x6: {  	_ = 	snop  }
0x7: {  	_ = 	snop  }
__scs_overlays_trampoline_lowered:
0x8: {  	[smem:$0x3FA6] =	sst s0  }
0x9: {  	[smem:$0x3FA7] =	sst s1  }
0xa: {  	[smem:$0x3FA8] =	sst s2  }
0xb: {  	[smem:$0x3FA9] =	sst s3  }
0xc: {  	[smem:$0x3FAA] =	sst s4  }
0xd: {  	[smem:$0x3FAB] =	sst s5  }
0xe: {  	[smem:$0x3FAC] =	sst s6  }
0xf: {  	[smem:$0x3FAD] =	sst s7  }
0x10: {  	[smem:$0x3FAE] =	sst s8  }
0x11: {  	[smem:$0x3FAF] =	sst s9;
	s0 =	simm.s32 @!p0 $0x0  }
0x12: {  	s1 =	sld [smem:$0x3F95];
	s0 =	simm.s32 @p0 $0x1  }
0x13: {  	[smem:$0x3FB0] =	sst s0;
	s0 =	simm.s32 @!p1 $0x0  }
0x14: {  	s2 =	sld [smem:$0x3F94];
	s0 =	simm.s32 @p1 $0x1  }
0x15: {  	[smem:$0x3FB1] =	sst s0;
	s0 =	simm.s32 @!p2 $0x0  }
0x16: {  	s3 =	sld [smem:$0x3FDB];
	s0 =	simm.s32 @p2 $0x1  }
0x17: {  	s4 =	simm.s32 $0x1BF5;
	[smem:$0x3FB3] =	sst s0  }
0x18: {  	s0 =	sld [smem:$0x3F96];
	_ =	swait.ge [sflag:s4], $0x0  }
0x19: {  	s7 =	sld [smem:$0x3F97]  }
0x1a: {  	s8 =	sadd.s32 $0xFFFFE003, lr  }
0x1b: {  	s9 =	sadd.s32 $0xFFFFFEF7, lr;
	s5 =	simm.s32 $0xFFFFFFFF;
	p2 =	slt.u32 s8, $0xFFFFF086  }
0x1c: {  	p1 =	slt.u32 s9, $0xF7A;
	s5 =	simm.s32 @!p2 $0x0  }
0x1d: {  	s5 =	simm.s32 @p1 $0x1;
	p0 =	seq.s32 s7, s2  }
0x1e: {  	s7 =	smul.u32 @!p0 $0xF7A, s2;
	p2 =	seq.s32 @!p0 s5, $0x0  }
0x1f: {  	s9 =	smul.u32 $0xF7A, s1;
	s8 =	simm.s32 @!p0 $0x1BF5;
	p2 =	por !p2, p0  }
0x20: {  	[sflag:s8] =	ssyncset.s32 @!p0 $0xFFFFF086;
	s6 =	sadd.s32 @!p0 s3, s7;
	s7 =	simm.s32 @!p0 $0x108  }
0x21: {  	s3 =	sadd.s32 s3, s9;
	s6 =	sadd.s32 @!p0 $0x88, s6;
	s7 =	simm.s32 @p2 $0x1082  }
0x22: {  	[simem:s7], [sflag:s8] =	dma.local @!p0 [hbm:s6], $0xF7A  }
0x23: {  	s9 =	sor.u32 $0xD0000000, s2;
	s6 =	simm.s32 $0x108;
	_ =	swait.ge @!p0 [sflag:s8], $0x0  }
0x24: {  	s3 =	sadd.s32 $0x88, s3;
	s6 =	simm.s32 @!p1 $0x1082;
	[sflag:s4] =	ssyncset.s32 $0xFFFFF086  }
0x25: {  	[simem:s6], [sflag:s4] =	dma.local [hbm:s3], $0xF7A  }
0x26: {  	[smem:$0x3F97] =	sst s1;
	(tag) =	ssettag s2;
	_ =	strace s9  }
0x27: {  	s1 =	sld [smem:$0x3FA7]  }
0x28: {  	s2 =	sld [smem:$0x3FA8]  }
0x29: {  	s4 =	sld [smem:$0x3FAA]  }
0x2a: {  	p0 =	seq.s32 s5, $0x0;
	s5 =	sld [smem:$0x3FAB]  }
0x2b: {  	s6 =	sld [smem:$0x3FAC]  }
0x2c: {  	s7 =	sld [smem:$0x3FAD]  }
0x2d: {  	s3 =	simm.s32 $0x108;
	s8 =	sld [smem:$0x3FAE]  }
0x2e: {  	s3 =	simm.s32 @!p0 $0x1082;
	s9 =	sld [smem:$0x3FAF]  }
0x2f: {  	lr =	sadd.s32 s0, s3;
	s0 =	sld [smem:$0x3FA6]  }
0x30: {  	s3 =	sld [smem:$0x3FA9]  }
0x31: {  	[smem:$0x3FB2] =	sst s10  }
0x32: {  	s10 =	sld [smem:$0x3FB0];
	_ =	sdelay $0x3  }
0x33: {  	p0 =	seq.s32 s10, $0x1;
	s10 =	sld [smem:$0x3FB2];
	_ =	sdelay $0x3  }
0x34: {  	[smem:$0x3FB2] =	sst s10  }
0x35: {  	s10 =	sld [smem:$0x3FB1];
	_ =	sdelay $0x3  }
0x36: {  	p1 =	seq.s32 s10, $0x1;
	s10 =	sld [smem:$0x3FB2];
	_ =	sdelay $0x3  }
0x37: {  	[smem:$0x3FB2] =	sst s10  }
0x38: {  	s10 =	sld [smem:$0x3FB3]  }
0x39: {  	_ = 	snop;
	(pc) =	sbr.ind lr, $3  }
0x3a: {  	_ = 	snop  }
0x3b: {  	_ = 	snop  }
0x3c: {  	p2 =	seq.s32 s10, $0x1;
	s10 =	sld [smem:$0x3FB2]  }
0x3d: {  	_ =	shalt  }
0x3e: {  	_ =	shalt  }
0x3f: {  	_ =	shalt  }
0x40: {  	_ =	shalt  }
0x41: {  	_ =	shalt  }
0x42: {  	_ =	shalt  }
0x43: {  	_ =	shalt  }
0x44: {  	_ =	shalt  }
0x45: {  	_ =	shalt  }
0x46: {  	_ =	shalt  }
0x47: {  	_ =	shalt  }
0x48: {  	_ =	shalt  }
0x49: {  	_ =	shalt  }
0x4a: {  	_ =	shalt  }
0x4b: {  	_ =	shalt  }
0x4c: {  	_ =	shalt  }
0x4d: {  	_ =	shalt  }
0x4e: {  	_ =	shalt  }
0x4f: {  	_ =	shalt  }
0x50: {  	_ =	shalt  }
0x51: {  	_ =	shalt  }
0x52: {  	_ =	shalt  }
0x53: {  	_ =	shalt  }
0x54: {  	_ =	shalt  }
0x55: {  	_ =	shalt  }
0x56: {  	_ =	shalt  }
0x57: {  	_ =	shalt  }
0x58: {  	_ =	shalt  }
0x59: {  	_ =	shalt  }
0x5a: {  	_ =	shalt  }
0x5b: {  	_ =	shalt  }
0x5c: {  	_ =	shalt  }
0x5d: {  	_ =	shalt  }
0x5e: {  	_ =	shalt  }
0x5f: {  	_ =	shalt  }
0x60: {  	_ =	shalt  }
0x61: {  	_ =	shalt  }
0x62: {  	_ =	shalt  }
0x63: {  	_ =	shalt  }
0x64: {  	_ =	shalt  }
0x65: {  	_ =	shalt  }
0x66: {  	_ =	shalt  }
0x67: {  	_ =	shalt  }
0x68: {  	_ =	shalt  }
0x69: {  	_ =	shalt  }
0x6a: {  	_ =	shalt  }
0x6b: {  	_ =	shalt  }
0x6c: {  	_ =	shalt  }
0x6d: {  	_ =	shalt  }
0x6e: {  	_ =	shalt  }
0x6f: {  	_ =	shalt  }
0x70: {  	_ =	shalt  }
0x71: {  	_ =	shalt  }
0x72: {  	_ =	shalt  }
0x73: {  	_ =	shalt  }
0x74: {  	_ =	shalt  }
0x75: {  	_ =	shalt  }
0x76: {  	_ =	shalt  }
0x77: {  	_ =	shalt  }
0x78: {  	_ =	shalt  }
0x79: {  	_ =	shalt  }
0x7a: {  	_ =	shalt  }
0x7b: {  	_ =	shalt  }
0x7c: {  	_ =	shalt  }
0x7d: {  	_ =	shalt  }
0x7e: {  	_ =	shalt  }
0x7f: {  	_ =	shalt  }
0x80: {  	_ =	shalt  }
0x81: {  	_ =	shalt  }
0x82: {  	_ =	shalt  }
0x83: {  	_ =	shalt  }
0x84: {  	_ =	shalt  }
0x85: {  	_ =	shalt  }
0x86: {  	_ =	shalt  }
0x87: {  	_ =	shalt  }
.Lfunc_end0:
.L_simem_size_0:
called_computation.1_lowered:
.L_overlay_start_0:
0x88: {  	s2 =	sld [smem:$0x3FD9]  }
0x89: {  	s3 =	sld [smem:$0x3FFE];
	_ =	sdelay $0x1  }
0x8a: {  	s1 =	srdreg.scid  }
0x8b: {  	s0 =	sand.u32 $0x1, s1  }
0x8c: {  	s16 =	sshll.u32 s0, $0xA;
	s2 =	sadd.s32 s3, s2  }
0x8d: {  	s2 =	sadd.s32 s2, s16  }
0x8e: {  	[smem:$0x3FBE] =	sst s2  }
0x8f: {  	_ = 	snop  }
0x90: {  	(tm) =	ssettm $0x1  }
0x91: {  	s17 =	sld [smem:$0x3FFB];
	_ =	sdelay $0x3  }
0x92: {  	_ =	strace s17  }
0x93: {  	s2 =	sld [smem:$0x3FFC];
	_ =	sdelay $0x3  }
0x94: {  	_ =	strace s2  }
0x95: {  	s2 =	sld [smem:$0x3FFD];
	_ =	sdelay $0x3  }
0x96: {  	_ =	strace s2  }
0x97: {  	_ =	strace $0x8FFFFFFF  }
0x98: {  	s18 =	sld [smem:$0x3FDB];
	_ =	sdelay $0x1  }
0x99: {  	s19 =	simm.s32 $_scs_section_size  }
0x9a: {  	s4 =	simm.s32 $_size__tile_overlayer_lowered;
	s5 =	simm.s32 $_tile_overlayer_lowered  }
0x9b: {  	s22 =	simm.s32 $0x1BFF;
	s21 =	sshll.u32 s5, $0x1;
	s2 =	sadd.s32 s19, s18  }
0x9c: {  	s6 =	simm.s32 $0x0;
	s20 =	sshll.u32 s4, $0x1;
	s4 =	sadd.s32 s21, s2  }
0x9d: {  	[timem:s6], [sflag:s22] =	dma.local [hbm:s4], s20  }
0x9e: {  	_ =	swait.ge [sflag:s22], s20  }
0x9f: {  	s3 =	ssub.s32 $0x0, s20;
	[sflag:s22] =	ssyncset.done $0x0  }
0xa0: {  	[sflag:s22] =	ssyncadd.s32 s3;
	_ =	sdelay $0x1  }
0xa1: {  	s23 =	simm.s32 $0x1B8B  }
0xa2: {  	_ =	swait.ge [sflag:s23], $0x1  }
0xa3: {  	[sflag:s23] =	ssyncset.done $0x0  }
0xa4: {  	s25 =	simm.s32 $0x1B8E;
	s24 =	sld [smem:$0x3FFE];
	[sflag:s23] =	ssyncadd.s32 $0xFFFFFFFF  }
0xa5: {  	s26 =	simm.s32 $execute0_lowered;
	[smem:$0x3FD2] =	sst s25  }
0xa6: {  	s4 =	sshll.u32 s26, $0x1;
	_ =	strace $0x80000049;
	[dreg:$0x1] =	wrdreg $0xFFFFFFFF  }
0xa7: {  	s28 =	simm.s32 $_size_execute0_lowered;
	s2 =	sadd.s32 s2, s4;
	[dreg:$0x0] =	wrdreg $0x0  }
0xa8: {  	s4 =	sshll.u32 s28, $0x1;
	[dreg:$0x2] =	wrdreg s2  }
0xa9: {  	[dreg:$0x3] =	wrdreg s4  }
0xaa: {  	[dreg:$0x4] =	wrdreg $0xC0  }
0xab: {  	_ =	task [dreg:s6], $0x5FFFF  }
0xac: {  	[dreg:$0x1] =	wrdreg $0xFFFFFFFF  }
0xad: {  	[dreg:$0x0] =	wrdreg $0x60  }
0xae: {  	[dreg:$0x2] =	wrdreg s24  }
0xaf: {  	[dreg:$0x3] =	wrdreg $0xFD000  }
0xb0: {  	[dreg:$0x4] =	wrdreg $0x9  }
0xb1: {  	_ =	task.clear_ibuf [dreg:s6], $0x5FFFF;
	_ =	strace $0x90000049  }
0xb2: {  	s29 =	simm.s32 $0x9;
	_ =	strace $0x8000004B  }
0xb3: {  	_ =	swait.ge [sflag:s29], $0x1  }
0xb4: {  	[sflag:s29] =	ssyncadd.s32 $0xFFFFFFFF  }
0xb5: {  	_ =	strace $0x9000004B  }
0xb6: {  	_ =	sfence  }
0xb7: {  	s30 =	sld [smem:$0x0];
	_ =	sdelay $0x2  }
0xb8: {  	s31 =	sshll.u32 s1, $0xD;
	s1 =	sshrl.u32 s1, $0x2  }
0xb9: {  	s3 =	sand.u32 $0x4000, s31;
	s1 =	sadd.s32 s1, s30  }
0xba: {  	s0 =	sor.u32 s3, s0;
	s1 =	sshll.u32 s1, $0x11  }
0xbb: {  	s0 =	sor.u32 s1, s0  }
0xbc: {  	s0 =	sadd.s32 $0x8F2B, s0  }
0xbd: {  	[sflag:s0] =	ssyncadd.remote.s32 $0x1  }
0xbe: {  	_ =	sfence.sel $0xFFFF  }
0xbf: {  	[dreg:$0x0] =	wrdreg $0xFFFFFFFF;
	(pc) =	sbr.abs _section_cstart, $3  }
0xc0: {  	[dreg:$0x1] =	wrdreg $0xFFFFFFFF  }
0xc1: {  	_ =	task.clear_ibuf [dreg:s6], $0x2FFFF;
	_ =	strace $0x9FFFFFFF  }
0xc2: {  	(tm) =	ssettm $0x7FFFFFFF  }
0xc3: {  	_ =	shalt  }
tec
execute0_lowered:
.L_overlay_start_1:
0x0: {  	(tag) =	ssettag $0x1  }
0x1: {  	s0 =	rddreg [dreg:$0x0];
	s14 =	stileid.u32  }
0x2: {  	s2 =	rddreg [dreg:$0x1];
	s4 =	smul.u32 $0x4E80, s14  }
0x3: {  	s1 =	srdreg.scid;
	s7 =	smul.u32 $0x14000, s14  }
0x4: {  	s3 =	simm.s32 $0x0;
	s28 =	simm.s32 $0x80;
	s11 =	smul.u32 $0x280, s14  }
0x5: {  	s29 =	simm.s32 $0xBD00;
	s1 =	sand.u32 $0x1, s1;
	s14 =	smul.u32 $0x28000, s14  }
0x6: {  	[smem:$0x7FF] =	sst s3;
	s6 =	sadd.s32 $0x3E200, s0;
	s5 =	smul.u32 $0x4E800, s1  }
0x7: {  	_ =	strace $0x8000004A;
	s8 =	sshll.u32 s1, $0x6;
	s23 =	ssub.s32 $0x2, s1  }
0x8: {  	s1 =	smul.u32 $0x2800, s1;
	s22 =	sor.u32 s8, s7;
	s13 =	sshrl.u32 s23, $0x1  }
0x9: {  	s24 =	sadd.s32 $0x80, s11;
	s25 =	sshrl.u32 s14, $0x2;
	s15 =	sadd.s32 $0x100, s11  }
0xa: {  	s31 =	sadd.s32 $0x180, s11;
	s16 =	sadd.s32 $0x200, s11;
	s5 =	sadd.s32 s4, s5  }
0xb: {  	s4 =	sshrl.u32 s4, $0x3;
	s7 =	sshrl.u32 s22, $0x3;
	s26 =	sshll.u32 s24, $0x6  }
0xc: {  	s30 =	sshll.u32 s15, $0x6;
	s17 =	sshll.u32 s31, $0x6;
	s18 =	sshll.u32 s16, $0x6  }
0xd: {  	s1 =	sadd.s32 s11, s1;
	s21 =	sshll.u32 s15, $0x7;
	s5 =	sshrl.u32 s5, $0x3  }
0xe: {  	s10 =	sadd.s32 s4, s0;
	s12 =	sadd.s32 s7, s0;
	s4 =	sadd.s32 $0x66200, s0  }
0xf: {  	s14 =	sadd.s32 s26, s2;
	s17 =	sadd.s32 s17, s2;
	s19 =	sadd.s32 s18, s2  }
0x10: {  	s7 =	sadd.s32 s6, s7;
	s1 =	sshll.u32 s1, $0x3;
	[dreg:$0x3] =	wrdreg s14  }
0x11: {  	s9 =	sadd.s32 s5, s0;
	s0 =	ssub.s32 s23, s13;
	[dreg:$0x5] =	wrdreg s17  }
0x12: {  	s5 =	sadd.s32 s25, s2;
	s14 =	sadd.s32 s30, s2;
	[dreg:$0x6] =	wrdreg s19  }
0x13: {  	s13 =	sshll.u32 s24, $0x7;
	[dreg:$0x7] =	wrdreg s7;
	s11 =	sadd.s32 s4, s1  }
0x14: {  	s23 =	sor.u32 s8, s21;
	s25 =	sshll.u32 s31, $0x7;
	s30 =	sshll.u32 s16, $0x7  }
0x15: {  	s21 =	sadd.s32 $0x3000, s10;
	[dreg:$0x4] =	wrdreg s14;
	s20 =	sor.u32 s8, s13  }
0x16: {  	s24 =	sadd.s32 $0x400, s11;
	s1 =	sshrl.u32 s23, $0x3;
	s26 =	sor.u32 s8, s25  }
0x17: {  	s15 =	sadd.s32 $0x800, s11;
	s17 =	sadd.s32 $0xC00, s11;
	s19 =	sadd.s32 $0x1000, s11  }
0x18: {  	s23 =	smax.u32 s0, $0x1;
	s25 =	simm.s32 $0x4;
	s7 =	sshrl.u32 s20, $0x3  }
0x19: {  	[dreg:$0x9] =	wrdreg s24;
	s1 =	sadd.s32 s6, s1;
	s20 =	sadd.s32 $0x2A800, s9  }
0x1a: {  	s24 =	simm.s32 $0x9D00;
	s22 =	sadd.s32 s6, s7;
	[dreg:$0xa] =	wrdreg s1  }
0x1b: {  	s1 =	sshrl.u32 s26, $0x3;
	s7 =	sor.u32 s8, s30;
	s26 =	simm.s32 $0x40  }
0x1c: {  	[dreg:$0x8] =	wrdreg s22;
	s16 =	sadd.s32 s6, s1;
	s31 =	sshrl.u32 s7, $0x3  }
0x1d: {  	v0 =	vimm.f32 $0.0e+00;
	s22 =	sadd.s32 $0x8E200, s12;
	s1 =	simm.s32 $0x0;
	s18 =	sadd.s32 s6, s31  }
.LBB2_1:
0x1e: {  	s6 =	simm.s32 $0x100;
	s0 =	simm.s32 $0x0  }
.LBB2_2:
0x1f: {  	p0 =	sne.s32 s6, $0x7F00;
	[tilespmem:s0+$0x9D30] =	vst v0;
	s7 =	smov.u32 s6;
	s6 =	sadd.s32 $0x100, s6  }
.Ltmp0:
0x20: {  	[tilespmem:s0+$0x9D20] =	vst v0;
	(pc) =	sbr.rel @p0 .LBB2_2-.Ltmp0, $3  }
0x21: {  	[tilespmem:s0+$0x9D00] =	vst v0  }
0x22: {  	[tilespmem:s0+$0x9D10] =	vst v0;
	_ =	sdelay $0x1  }
0x23: {  	s0 =	sshra.s32 s7, $0x2  }
0x24: {  	[tilespmem:s0+$0x9D30] =	vst v0  }
0x25: {  	[tilespmem:s0+$0x9D20] =	vst v0  }
0x26: {  	[tilespmem:s0+$0x9D00] =	vst v0  }
0x27: {  	[tilespmem:s0+$0x9D10] =	vst v0  }
0x28: {  	[spmem:s5] =	stream.linear.scatter [tilespmem:s24], [sflag:$0x4], $0x2000, $0x38;
	[tilespmem:$0x19D00] =	vst v63  }
0x29: {  	_ =	swait.ge [sflag:s25], $0x2000  }
0x2a: {  	[sflag:s25] =	ssyncset.done $0x0  }
0x2b: {  	s12 =	rddreg [dreg:$0x3];
	[sflag:s25] =	ssyncadd.s32 $0xFFFFE000  }
0x2c: {  	[spmem:s12] =	stream.linear.scatter [tilespmem:s24], [sflag:$0x4], $0x2000, $0x38;
	[tilespmem:$0x19D00] =	vst v63  }
0x2d: {  	_ =	swait.ge [sflag:s25], $0x2000  }
0x2e: {  	[sflag:s25] =	ssyncset.done $0x0  }
0x2f: {  	s13 =	rddreg [dreg:$0x4];
	[sflag:s25] =	ssyncadd.s32 $0xFFFFE000  }
0x30: {  	[spmem:s13] =	stream.linear.scatter [tilespmem:s24], [sflag:$0x4], $0x2000, $0x38;
	[tilespmem:$0x19D00] =	vst v63  }
0x31: {  	_ =	swait.ge [sflag:s25], $0x2000  }
0x32: {  	[sflag:s25] =	ssyncset.done $0x0  }
0x33: {  	s14 =	rddreg [dreg:$0x5];
	[sflag:s25] =	ssyncadd.s32 $0xFFFFE000  }
0x34: {  	[spmem:s14] =	stream.linear.scatter [tilespmem:s24], [sflag:$0x4], $0x2000, $0x38;
	[tilespmem:$0x19D00] =	vst v63  }
0x35: {  	_ =	swait.ge [sflag:s25], $0x2000  }
0x36: {  	[sflag:s25] =	ssyncset.done $0x0  }
0x37: {  	s6 =	rddreg [dreg:$0x6];
	[sflag:s25] =	ssyncadd.s32 $0xFFFFE000  }
0x38: {  	[spmem:s6] =	stream.linear.scatter [tilespmem:s24], [sflag:$0x4], $0x2000, $0x38;
	[tilespmem:$0x19D00] =	vst v63  }
0x39: {  	_ =	swait.ge [sflag:s25], $0x2000  }
0x3a: {  	[sflag:s25] =	ssyncset.done $0x0  }
0x3b: {  	s7 =	rddreg [dreg:$0x7];
	[sflag:s25] =	ssyncadd.s32 $0xFFFFE000  }
0x3c: {  	[tilespmem:s29], [sflag:$0x4] =	stream.strided.gather [hbm4b:s7+s26], $0x2000, s28, s26, $0x38;
	[tilespmem:$0x19D00] =	vst v63  }
0x3d: {  	_ =	swait.ge [sflag:s25], $0x2000  }
0x3e: {  	[sflag:s25] =	ssyncset.done $0x0  }
0x3f: {  	[sflag:s25] =	ssyncadd.s32 $0xFFFFE000  }
0x40: {  	[hbm4b:s11+s3] =	stream.linear.scatter [tilespmem:s29], [sflag:$0x4], $0x2000, $0x38;
	[tilespmem:$0x19D00] =	vst v63  }
0x41: {  	_ =	swait.ge [sflag:s25], $0x2000  }
0x42: {  	[sflag:s25] =	ssyncset.done $0x0  }
0x43: {  	s8 =	rddreg [dreg:$0x8];
	[sflag:s25] =	ssyncadd.s32 $0xFFFFE000  }
0x44: {  	[tilespmem:s29], [sflag:$0x4] =	stream.strided.gather [hbm4b:s8+s26], $0x2000, s28, s26, $0x38;
	[tilespmem:$0x19D00] =	vst v63  }
0x45: {  	_ =	swait.ge [sflag:s25], $0x2000  }
0x46: {  	[sflag:s25] =	ssyncset.done $0x0  }
0x47: {  	s9 =	rddreg [dreg:$0x9];
	[sflag:s25] =	ssyncadd.s32 $0xFFFFE000  }
0x48: {  	[hbm4b:s9+s3] =	stream.linear.scatter [tilespmem:s29], [sflag:$0x4], $0x2000, $0x38;
	[tilespmem:$0x19D00] =	vst v63  }
0x49: {  	_ =	swait.ge [sflag:s25], $0x2000  }
0x4a: {  	[sflag:s25] =	ssyncset.done $0x0  }
0x4b: {  	s10 =	rddreg [dreg:$0xa];
	[sflag:s25] =	ssyncadd.s32 $0xFFFFE000  }
0x4c: {  	[tilespmem:s29], [sflag:$0x4] =	stream.strided.gather [hbm4b:s10+s26], $0x2000, s28, s26, $0x38;
	[tilespmem:$0x19D00] =	vst v63  }
0x4d: {  	_ =	swait.ge [sflag:s25], $0x2000  }
0x4e: {  	[sflag:s25] =	ssyncset.done $0x0  }
0x4f: {  	[sflag:s25] =	ssyncadd.s32 $0xFFFFE000  }
0x50: {  	[hbm4b:s15+s3] =	stream.linear.scatter [tilespmem:s29], [sflag:$0x4], $0x2000, $0x38;
	[tilespmem:$0x19D00] =	vst v63  }
0x51: {  	_ =	swait.ge [sflag:s25], $0x2000  }
0x52: {  	[sflag:s25] =	ssyncset.done $0x0  }
0x53: {  	[sflag:s25] =	ssyncadd.s32 $0xFFFFE000  }
0x54: {  	[tilespmem:s29], [sflag:$0x4] =	stream.strided.gather [hbm4b:s16+s26], $0x2000, s28, s26, $0x38;
	[tilespmem:$0x19D00] =	vst v63  }
0x55: {  	_ =	swait.ge [sflag:s25], $0x2000  }
0x56: {  	[sflag:s25] =	ssyncset.done $0x0  }
0x57: {  	[sflag:s25] =	ssyncadd.s32 $0xFFFFE000  }
0x58: {  	[hbm4b:s17+s3] =	stream.linear.scatter [tilespmem:s29], [sflag:$0x4], $0x2000, $0x38;
	[tilespmem:$0x19D00] =	vst v63  }
0x59: {  	_ =	swait.ge [sflag:s25], $0x2000  }
0x5a: {  	[sflag:s25] =	ssyncset.done $0x0  }
0x5b: {  	[sflag:s25] =	ssyncadd.s32 $0xFFFFE000  }
0x5c: {  	[tilespmem:s29], [sflag:$0x4] =	stream.strided.gather [hbm4b:s18+s26], $0x2000, s28, s26, $0x38;
	[tilespmem:$0x19D00] =	vst v63  }
0x5d: {  	_ =	swait.ge [sflag:s25], $0x2000  }
0x5e: {  	[sflag:s25] =	ssyncset.done $0x0  }
0x5f: {  	[sflag:s25] =	ssyncadd.s32 $0xFFFFE000  }
0x60: {  	[hbm4b:s19+s3] =	stream.linear.scatter [tilespmem:s29], [sflag:$0x4], $0x2000, $0x38;
	[tilespmem:$0x19D00] =	vst v63  }
0x61: {  	_ =	swait.ge [sflag:s25], $0x2000  }
0x62: {  	s0 =	simm.s32 $0x2;
	p0 =	por $0x0, $0x0;
	[sflag:s25] =	ssyncset.done $0x0  }
0x63: {  	s0 =	smul.u32 @!p0 $0xAB, s0;
	s6 =	simm.s32 $0x0;
	[sflag:s25] =	ssyncadd.s32 $0xFFFFE000  }
0x64: {  	s6 =	smul.u32 $0xAB, s6;
	[bflag:$0x0] =	sbarrier.arrive $0xFFFF  }
0x65: {  	[tilespmem:s3], [sflag:$0x4] =	stream.linear.gather [hbm4b:s20+s3], $0x4E80, $0x38;
	[tilespmem:$0x19D00] =	vst v63  }
0x66: {  	s30 =	simm.s32 $0x4E80;
	s0 =	sshrl.u32 @!p0 s0, $0x9;
	_ =	swait.ge [sflag:s25], $0x4E80  }
0x67: {  	s0 =	sand.u32 @!p0 $0x7F, s0;
	s6 =	sshrl.u32 s6, $0x9;
	[sflag:s25] =	ssyncset.done $0x0  }
0x68: {  	s0 =	smul.u32 @!p0 $0x3, s0;
	s6 =	sand.u32 $0x7F, s6;
	[sflag:s25] =	ssyncadd.s32 $0xFFFFB180  }
0x69: {  	[tilespmem:s30], [sflag:$0x4] =	stream.linear.gather [hbm4b:s21+s3], $0x4E80, $0x38;
	[tilespmem:$0x19D00] =	vst v63  }
0x6a: {  	s0 =	ssub.s32 @!p0 $0x2, s0;
	s6 =	smul.u32 $0x3, s6;
	_ =	swait.ge [sflag:s25], $0x4E80  }
0x6b: {  	s31 =	simm.s32 $0x4F00;
	s0 =	sand.u32 @!p0 $0xFF, s0;
	[sflag:s25] =	ssyncset.done $0x0  }
0x6c: {  	s7 =	simm.s32 $0x100;
	s6 =	ssub.s32 $0x0, s6;
	[sflag:s25] =	ssyncadd.s32 $0xFFFFB180  }
0x6d: {  	[tilespmem:s24], [sflag:$0x1] =	stream.indirect.gather [hbm4b:s4+s28], $0x40, s3, s28, $0xb8;
	[tilespmem:$0x19D00] =	vst v63  }
0x6e: {  	s8 =	simm.s32 @!p0 $0x80;
	s9 =	sshll.u32 @!p0 s0, $0xD;
	s10 =	sand.u32 $0xFF, s6  }
0x6f: {  	[tilespmem:s29], [sflag:$0x2] =	stream.indirect.gather [hbm4b:s4+s28], $0x40, s28, s28, $0xb8;
	[tilespmem:$0x19D00] =	vst v63  }
0x70: {  	s0 =	sadd.s32 @!p0 $0x1, s0;
	s6 =	sor.u32 @!p0 $0x9D00, s9;
	s12 =	sadd.s32 $0x1, s10  }
0x71: {  	[tilespmem:s6], [sflag:s0] =	stream.indirect.gather @!p0 [hbm4b:s4+s8], $0x40, s7, s8, $0xb8;
	[tilespmem:$0x19D00] =	vst v63  }
0x72: {  	s13 =	sshll.u32 s10, $0xD;
	s8 =	simm.s32 $0x3;
	p0 =	por $0x0, $0x0  }
0x73: {  	s7 =	simm.s32 $0x1;
	_ =	swait.ge [sflag:s12], $0x2000;
	s9 =	smul.u32 @!p0 $0xAB, s8  }
0x74: {  	s6 =	simm.s32 $0x4;
	s14 =	smul.u32 $0xAB, s7;
	[sflag:s12] =	ssyncset.done $0x0  }
0x75: {  	s0 =	simm.s32 $0x180;
	[sflag:s12] =	ssyncadd.s32 $0xFFFFE000;
	s9 =	sshrl.u32 @!p0 s9, $0x9  }
0x76: {  	s10 =	sshrl.u32 s14, $0x9;
	s12 =	sand.u32 @!p0 $0x7F, s9;
	s9 =	sadd.s32 $0x9D00, s13  }
.LBB2_4:
0x77: {  	s10 =	sand.u32 $0x7F, s10;
	s12 =	smul.u32 @!p0 $0x3, s12;
	s13 =	smov.u32 s6  }
0x78: {  	s6 =	sadd.s32 $0x1, s6;
	s14 =	smov.u32 s30;
	s30 =	smov.u32 s31  }
0x79: {  	[spmem:s2] =	stream.indirect.scatter.add.f32 [tilespmem:s9], [sflag:$0x4], $0x40, s14, s28, $0xb8;
	[tilespmem:$0x19D00] =	vst v63  }
0x7a: {  	s9 =	smul.u32 $0x3, s10  }
0x7b: {  	s10 =	simm.s32 @!p0 $0x80;
	s8 =	ssub.s32 @!p0 s8, s12;
	_ =	swait.ge [sflag:s25], $0x2000  }
0x7c: {  	p1 =	sne.s32 s6, $0x9F;
	s8 =	sand.u32 @!p0 $0xFF, s8;
	[sflag:s25] =	ssyncset.done $0x0  }
0x7d: {  	s7 =	ssub.s32 s7, s9;
	s9 =	sshll.u32 @!p0 s8, $0xD;
	s8 =	sadd.s32 @!p0 $0x1, s8  }
0x7e: {  	s12 =	sand.u32 $0xFF, s7;
	s7 =	sor.u32 @!p0 $0x9D00, s9;
	[sflag:s25] =	ssyncadd.s32 $0xFFFFE000  }
0x7f: {  	[tilespmem:s7], [sflag:s8] =	stream.indirect.gather @!p0 [hbm4b:s4+s10], $0x40, s0, s10, $0xb8;
	[tilespmem:$0x19D00] =	vst v63  }
0x80: {  	s9 =	sshll.u32 s12, $0xD;
	s7 =	sadd.s32 $0xFFFFFFFE, s13;
	s8 =	sadd.s32 $0x1, s12  }
.Ltmp1:
0x81: {  	p0 =	sgt.u32 s7, $0x9A;
	_ =	swait.ge [sflag:s8], $0x2000;
	(pc) =	sbr.rel @p1 .LBB2_4-.Ltmp1, $4  }
0x82: {  	s10 =	smul.u32 @!p0 $0xAB, s13;
	[sflag:s8] =	ssyncset.done $0x0  }
0x83: {  	s12 =	smul.u32 $0xAB, s7;
	[sflag:s8] =	ssyncadd.s32 $0xFFFFE000;
	s8 =	smov.u32 s13  }
0x84: {  	s31 =	sadd.s32 $0x80, s31;
	s0 =	sadd.s32 $0x80, s0;
	s13 =	sshrl.u32 @!p0 s10, $0x9  }
0x85: {  	s9 =	sadd.s32 $0x9D00, s9;
	s10 =	sshrl.u32 s12, $0x9;
	s12 =	sand.u32 @!p0 $0x7F, s13  }
0x86: {  	s6 =	sand.u32 $0x7F, s10;
	s10 =	smul.u32 @!p0 $0x3, s12  }
0x87: {  	[spmem:s2] =	stream.indirect.scatter.add.f32 [tilespmem:s9], [sflag:$0x4], $0x40, s30, s28, $0xb8;
	[tilespmem:$0x19D00] =	vst v63  }
0x88: {  	s6 =	smul.u32 $0x3, s6;
	_ =	swait.ge [sflag:s25], $0x2000;
	s8 =	ssub.s32 @!p0 s8, s10  }
0x89: {  	s9 =	simm.s32 @!p0 $0x80;
	[sflag:s25] =	ssyncset.done $0x0;
	s8 =	sand.u32 @!p0 $0xFF, s8  }
0x8a: {  	s6 =	ssub.s32 s7, s6;
	[sflag:s25] =	ssyncadd.s32 $0xFFFFE000;
	s7 =	sshll.u32 @!p0 s8, $0xD  }
0x8b: {  	s8 =	sadd.s32 @!p0 $0x1, s8;
	s6 =	sand.u32 $0xFF, s6;
	s7 =	sor.u32 @!p0 $0x9D00, s7  }
0x8c: {  	[tilespmem:s7], [sflag:s8] =	stream.indirect.gather @!p0 [hbm4b:s4+s9], $0x40, s0, s9, $0xb8;
	[tilespmem:$0x19D00] =	vst v63  }
0x8d: {  	s9 =	sadd.s32 $0x1, s6  }
0x8e: {  	_ =	swait.ge [sflag:s9], $0x2000  }
0x8f: {  	s12 =	stileid.u32;
	s6 =	sshll.u32 s6, $0xD;
	[sflag:s9] =	ssyncset.done $0x0  }
0x90: {  	s13 =	sshrl.u32 s5, $0x3;
	s10 =	sadd.s32 $0x9D00, s6;
	[sflag:s9] =	ssyncadd.s32 $0xFFFFE000  }
0x91: {  	[spmem:s2] =	stream.indirect.scatter.add.f32 [tilespmem:s10], [sflag:$0x4], $0x40, s31, s28, $0xb8;
	[tilespmem:$0x19D00] =	vst v63  }
0x92: {  	s14 =	simm.s32 $0x1;
	s30 =	simm.s32 $0x10;
	_ =	swait.ge [sflag:s25], $0x2000  }
0x93: {  	s1 =	sadd.s32 $0x1, s1;
	s0 =	sshll.u32 s12, $0x6;
	[sflag:s25] =	ssyncset.done $0x0  }
0x94: {  	p0 =	sne.s32 s1, s23;
	s0 =	sor.u32 $0x1C04, s0;
	[sflag:s25] =	ssyncadd.s32 $0xFFFFE000  }
.Ltmp2:
0x95: {  	s31 =	simm.s32 $0x8;
	[bflag:$0x0] =	sbarrier.arrive $0xFFFF;
	(pc) =	sbr.rel @p0 .LBB2_1-.Ltmp2, $4  }
0x96: {  	[hbm:s22@s30], [sflag:s0] =	dma.strided [spmem:s13@s31], $0x1400, s14, $0x8   }
0x97: {  	_ =	swait.ge [sflag:s25], $0x1400  }
0x98: {  	[sflag:s25] =	ssyncset.done $0x0  }
0x99: {  	[sflag:s25] =	ssyncadd.s32 $0xFFFFEC00  }
0x9a: {  	_ =	sfence.sel $0x180000  }
0x9b: {  	[bflag:$0x0] =	sbarrier.arrive $0xFFFF  }
0x9c: {  	_ =	strace $0x9000004A  }
0x9d: {  	s0 =	stileid.u32;
	[bflag:$0x2] =	sbarrier.arrive $0xFFFF  }
0x9e: {  	p0 =	sne.s32 s0, $0x0;
	s0 =	rddreg [dreg:$0x2]  }
0x9f: {  	s0 =	sadd.s32 @!p0 $0x100000, s0  }
0xa0: {  	[sflag:s0] =	ssyncadd.tile.s32 @!p0 $0x1;
	_ =	shalt  }
.Lfunc_end2:
_tile_overlayer_lowered:
.L_overlay_start_2:
0xa1: {  	(tag) =	ssettag $0x2  }
0xa2: {  	s0 =	rddreg [dreg:$0x0];
	s2 =	stileid.u32  }
0xa3: {  	s1 =	rddreg [dreg:$0x1];
	p0 =	sne.s32 s2, $0x0  }
0xa4: {  	s3 =	rddreg [dreg:$0x2];
	[bflag:$0x3] =	sbarrier.arrive $0xFFFF;
	s2 =	simm.s32 @!p0 $0x1C04  }
0xa5: {  	[timem:s3], [sflag:s2] =	dma.local @!p0 [hbm:s0], s1  }
0xa6: {  	s0 =	simm.s32 @!p0 $0x4  }
0xa7: {  	_ =	swait.ge @!p0 [sflag:s0], s1  }
0xa8: {  	s1 =	ssub.s32 @!p0 $0x0, s1;
	[sflag:s0] =	ssyncset.done @!p0 $0x0  }
0xa9: {  	[sflag:s0] =	ssyncadd.s32 @!p0 s1  }
0xaa: {  	[bflag:$0x3] =	sbarrier.arrive $0xFFFF  }
0xab: {  	_ =	shalt  }

// kernel: kernel.14.cloned.1.call-start
scs
__scs_entry_jumppad:
0x0: {  	(pc) =	sbr.rel $0x88, $3  }
0x1: {  	(tag) =	ssettag $0x0;
	lr =	simm.s32 $0x1  }
0x2: {  	[smem:$0x3F97] =	sst lr;
	_ =	strace $0xD0000000  }
0x3: {  	_ = 	snop  }
0x4: {  	_ = 	snop  }
0x5: {  	_ = 	snop  }
0x6: {  	_ = 	snop  }
0x7: {  	_ = 	snop  }
__scs_overlays_trampoline_lowered:
0x8: {  	[smem:$0x3FA6] =	sst s0  }
0x9: {  	[smem:$0x3FA7] =	sst s1  }
0xa: {  	[smem:$0x3FA8] =	sst s2  }
0xb: {  	[smem:$0x3FA9] =	sst s3  }
0xc: {  	[smem:$0x3FAA] =	sst s4  }
0xd: {  	[smem:$0x3FAB] =	sst s5  }
0xe: {  	[smem:$0x3FAC] =	sst s6  }
0xf: {  	[smem:$0x3FAD] =	sst s7  }
0x10: {  	[smem:$0x3FAE] =	sst s8  }
0x11: {  	[smem:$0x3FAF] =	sst s9;
	s0 =	simm.s32 @!p0 $0x0  }
0x12: {  	s1 =	sld [smem:$0x3F95];
	s0 =	simm.s32 @p0 $0x1  }
0x13: {  	[smem:$0x3FB0] =	sst s0;
	s0 =	simm.s32 @!p1 $0x0  }
0x14: {  	s2 =	sld [smem:$0x3F94];
	s0 =	simm.s32 @p1 $0x1  }
0x15: {  	[smem:$0x3FB1] =	sst s0;
	s0 =	simm.s32 @!p2 $0x0  }
0x16: {  	s3 =	sld [smem:$0x3FDB];
	s0 =	simm.s32 @p2 $0x1  }
0x17: {  	s4 =	simm.s32 $0x1BF5;
	[smem:$0x3FB3] =	sst s0  }
0x18: {  	s0 =	sld [smem:$0x3F96];
	_ =	swait.ge [sflag:s4], $0x0  }
0x19: {  	s7 =	sld [smem:$0x3F97]  }
0x1a: {  	s8 =	sadd.s32 $0xFFFFE003, lr  }
0x1b: {  	s9 =	sadd.s32 $0xFFFFFEF7, lr;
	s5 =	simm.s32 $0xFFFFFFFF;
	p2 =	slt.u32 s8, $0xFFFFF086  }
0x1c: {  	p1 =	slt.u32 s9, $0xF7A;
	s5 =	simm.s32 @!p2 $0x0  }
0x1d: {  	s5 =	simm.s32 @p1 $0x1;
	p0 =	seq.s32 s7, s2  }
0x1e: {  	s7 =	smul.u32 @!p0 $0xF7A, s2;
	p2 =	seq.s32 @!p0 s5, $0x0  }
0x1f: {  	s9 =	smul.u32 $0xF7A, s1;
	s8 =	simm.s32 @!p0 $0x1BF5;
	p2 =	por !p2, p0  }
0x20: {  	[sflag:s8] =	ssyncset.s32 @!p0 $0xFFFFF086;
	s6 =	sadd.s32 @!p0 s3, s7;
	s7 =	simm.s32 @!p0 $0x108  }
0x21: {  	s3 =	sadd.s32 s3, s9;
	s6 =	sadd.s32 @!p0 $0x88, s6;
	s7 =	simm.s32 @p2 $0x1082  }
0x22: {  	[simem:s7], [sflag:s8] =	dma.local @!p0 [hbm:s6], $0xF7A  }
0x23: {  	s9 =	sor.u32 $0xD0000000, s2;
	s6 =	simm.s32 $0x108;
	_ =	swait.ge @!p0 [sflag:s8], $0x0  }
0x24: {  	s3 =	sadd.s32 $0x88, s3;
	s6 =	simm.s32 @!p1 $0x1082;
	[sflag:s4] =	ssyncset.s32 $0xFFFFF086  }
0x25: {  	[simem:s6], [sflag:s4] =	dma.local [hbm:s3], $0xF7A  }
0x26: {  	[smem:$0x3F97] =	sst s1;
	(tag) =	ssettag s2;
	_ =	strace s9  }
0x27: {  	s1 =	sld [smem:$0x3FA7]  }
0x28: {  	s2 =	sld [smem:$0x3FA8]  }
0x29: {  	s4 =	sld [smem:$0x3FAA]  }
0x2a: {  	p0 =	seq.s32 s5, $0x0;
	s5 =	sld [smem:$0x3FAB]  }
0x2b: {  	s6 =	sld [smem:$0x3FAC]  }
0x2c: {  	s7 =	sld [smem:$0x3FAD]  }
0x2d: {  	s3 =	simm.s32 $0x108;
	s8 =	sld [smem:$0x3FAE]  }
0x2e: {  	s3 =	simm.s32 @!p0 $0x1082;
	s9 =	sld [smem:$0x3FAF]  }
0x2f: {  	lr =	sadd.s32 s0, s3;
	s0 =	sld [smem:$0x3FA6]  }
0x30: {  	s3 =	sld [smem:$0x3FA9]  }
0x31: {  	[smem:$0x3FB2] =	sst s10  }
0x32: {  	s10 =	sld [smem:$0x3FB0];
	_ =	sdelay $0x3  }
0x33: {  	p0 =	seq.s32 s10, $0x1;
	s10 =	sld [smem:$0x3FB2];
	_ =	sdelay $0x3  }
0x34: {  	[smem:$0x3FB2] =	sst s10  }
0x35: {  	s10 =	sld [smem:$0x3FB1];
	_ =	sdelay $0x3  }
0x36: {  	p1 =	seq.s32 s10, $0x1;
	s10 =	sld [smem:$0x3FB2];
	_ =	sdelay $0x3  }
0x37: {  	[smem:$0x3FB2] =	sst s10  }
0x38: {  	s10 =	sld [smem:$0x3FB3]  }
0x39: {  	_ = 	snop;
	(pc) =	sbr.ind lr, $3  }
0x3a: {  	_ = 	snop  }
0x3b: {  	_ = 	snop  }
0x3c: {  	p2 =	seq.s32 s10, $0x1;
	s10 =	sld [smem:$0x3FB2]  }
0x3d: {  	_ =	shalt  }
0x3e: {  	_ =	shalt  }
0x3f: {  	_ =	shalt  }
0x40: {  	_ =	shalt  }
0x41: {  	_ =	shalt  }
0x42: {  	_ =	shalt  }
0x43: {  	_ =	shalt  }
0x44: {  	_ =	shalt  }
0x45: {  	_ =	shalt  }
0x46: {  	_ =	shalt  }
0x47: {  	_ =	shalt  }
0x48: {  	_ =	shalt  }
0x49: {  	_ =	shalt  }
0x4a: {  	_ =	shalt  }
0x4b: {  	_ =	shalt  }
0x4c: {  	_ =	shalt  }
0x4d: {  	_ =	shalt  }
0x4e: {  	_ =	shalt  }
0x4f: {  	_ =	shalt  }
0x50: {  	_ =	shalt  }
0x51: {  	_ =	shalt  }
0x52: {  	_ =	shalt  }
0x53: {  	_ =	shalt  }
0x54: {  	_ =	shalt  }
0x55: {  	_ =	shalt  }
0x56: {  	_ =	shalt  }
0x57: {  	_ =	shalt  }
0x58: {  	_ =	shalt  }
0x59: {  	_ =	shalt  }
0x5a: {  	_ =	shalt  }
0x5b: {  	_ =	shalt  }
0x5c: {  	_ =	shalt  }
0x5d: {  	_ =	shalt  }
0x5e: {  	_ =	shalt  }
0x5f: {  	_ =	shalt  }
0x60: {  	_ =	shalt  }
0x61: {  	_ =	shalt  }
0x62: {  	_ =	shalt  }
0x63: {  	_ =	shalt  }
0x64: {  	_ =	shalt  }
0x65: {  	_ =	shalt  }
0x66: {  	_ =	shalt  }
0x67: {  	_ =	shalt  }
0x68: {  	_ =	shalt  }
0x69: {  	_ =	shalt  }
0x6a: {  	_ =	shalt  }
0x6b: {  	_ =	shalt  }
0x6c: {  	_ =	shalt  }
0x6d: {  	_ =	shalt  }
0x6e: {  	_ =	shalt  }
0x6f: {  	_ =	shalt  }
0x70: {  	_ =	shalt  }
0x71: {  	_ =	shalt  }
0x72: {  	_ =	shalt  }
0x73: {  	_ =	shalt  }
0x74: {  	_ =	shalt  }
0x75: {  	_ =	shalt  }
0x76: {  	_ =	shalt  }
0x77: {  	_ =	shalt  }
0x78: {  	_ =	shalt  }
0x79: {  	_ =	shalt  }
0x7a: {  	_ =	shalt  }
0x7b: {  	_ =	shalt  }
0x7c: {  	_ =	shalt  }
0x7d: {  	_ =	shalt  }
0x7e: {  	_ =	shalt  }
0x7f: {  	_ =	shalt  }
0x80: {  	_ =	shalt  }
0x81: {  	_ =	shalt  }
0x82: {  	_ =	shalt  }
0x83: {  	_ =	shalt  }
0x84: {  	_ =	shalt  }
0x85: {  	_ =	shalt  }
0x86: {  	_ =	shalt  }
0x87: {  	_ =	shalt  }
.Lfunc_end0:
.L_simem_size_0:
called_computation.2_lowered:
.L_overlay_start_0:
0x88: {  	s2 =	sld [smem:$0x3FD9]  }
0x89: {  	s3 =	sld [smem:$0x3FFE];
	_ =	sdelay $0x1  }
0x8a: {  	s1 =	srdreg.scid  }
0x8b: {  	s0 =	sand.u32 $0x1, s1  }
0x8c: {  	s16 =	sshll.u32 s0, $0xA;
	s2 =	sadd.s32 s3, s2  }
0x8d: {  	s2 =	sadd.s32 s2, s16  }
0x8e: {  	[smem:$0x3FBE] =	sst s2  }
0x8f: {  	_ = 	snop  }
0x90: {  	(tm) =	ssettm $0x1  }
0x91: {  	s17 =	sld [smem:$0x3FFB];
	_ =	sdelay $0x3  }
0x92: {  	_ =	strace s17  }
0x93: {  	s2 =	sld [smem:$0x3FFC];
	_ =	sdelay $0x3  }
0x94: {  	_ =	strace s2  }
0x95: {  	s2 =	sld [smem:$0x3FFD];
	_ =	sdelay $0x3  }
0x96: {  	_ =	strace s2  }
0x97: {  	_ =	strace $0x8FFFFFFF  }
0x98: {  	s18 =	sld [smem:$0x3FDB];
	_ =	sdelay $0x1  }
0x99: {  	s19 =	simm.s32 $_scs_section_size  }
0x9a: {  	s4 =	simm.s32 $_size__tile_overlayer_lowered;
	s5 =	simm.s32 $_tile_overlayer_lowered  }
0x9b: {  	s22 =	simm.s32 $0x1BFF;
	s21 =	sshll.u32 s5, $0x1;
	s2 =	sadd.s32 s19, s18  }
0x9c: {  	s6 =	simm.s32 $0x0;
	s20 =	sshll.u32 s4, $0x1;
	s4 =	sadd.s32 s21, s2  }
0x9d: {  	[timem:s6], [sflag:s22] =	dma.local [hbm:s4], s20  }
0x9e: {  	_ =	swait.ge [sflag:s22], s20  }
0x9f: {  	s3 =	ssub.s32 $0x0, s20;
	[sflag:s22] =	ssyncset.done $0x0  }
0xa0: {  	[sflag:s22] =	ssyncadd.s32 s3;
	_ =	sdelay $0x1  }
0xa1: {  	s23 =	simm.s32 $0x1B8B  }
0xa2: {  	_ =	swait.ge [sflag:s23], $0x1  }
0xa3: {  	[sflag:s23] =	ssyncset.done $0x0  }
0xa4: {  	s25 =	simm.s32 $0x1B8E;
	s24 =	sld [smem:$0x3FFE];
	[sflag:s23] =	ssyncadd.s32 $0xFFFFFFFF  }
0xa5: {  	s26 =	simm.s32 $execute0_lowered;
	[smem:$0x3FD2] =	sst s25  }
0xa6: {  	s4 =	sshll.u32 s26, $0x1;
	_ =	strace $0x8000004C;
	[dreg:$0x1] =	wrdreg $0xFFFFFFFF  }
0xa7: {  	s28 =	simm.s32 $_size_execute0_lowered;
	s2 =	sadd.s32 s2, s4;
	[dreg:$0x0] =	wrdreg $0x0  }
0xa8: {  	s4 =	sshll.u32 s28, $0x1;
	[dreg:$0x2] =	wrdreg s2  }
0xa9: {  	[dreg:$0x3] =	wrdreg s4  }
0xaa: {  	[dreg:$0x4] =	wrdreg $0xC0  }
0xab: {  	_ =	task [dreg:s6], $0x5FFFF  }
0xac: {  	[dreg:$0x1] =	wrdreg $0xFFFFFFFF  }
0xad: {  	[dreg:$0x0] =	wrdreg $0x60  }
0xae: {  	[dreg:$0x2] =	wrdreg s24  }
0xaf: {  	[dreg:$0x3] =	wrdreg $0xFD000  }
0xb0: {  	[dreg:$0x4] =	wrdreg $0x9  }
0xb1: {  	_ =	task.clear_ibuf [dreg:s6], $0x5FFFF;
	_ =	strace $0x9000004C  }
0xb2: {  	s29 =	simm.s32 $0x9;
	_ =	strace $0x8000004E  }
0xb3: {  	_ =	swait.ge [sflag:s29], $0x1  }
0xb4: {  	[sflag:s29] =	ssyncadd.s32 $0xFFFFFFFF  }
0xb5: {  	_ =	strace $0x9000004E  }
0xb6: {  	_ =	sfence  }
0xb7: {  	s30 =	sld [smem:$0x0];
	_ =	sdelay $0x2  }
0xb8: {  	s31 =	sshll.u32 s1, $0xD;
	s1 =	sshrl.u32 s1, $0x2  }
0xb9: {  	s3 =	sand.u32 $0x4000, s31;
	s1 =	sadd.s32 s1, s30  }
0xba: {  	s0 =	sor.u32 s3, s0;
	s1 =	sshll.u32 s1, $0x11  }
0xbb: {  	s0 =	sor.u32 s1, s0  }
0xbc: {  	s0 =	sadd.s32 $0x8F2B, s0  }
0xbd: {  	[sflag:s0] =	ssyncadd.remote.s32 $0x1  }
0xbe: {  	_ =	sfence.sel $0xFFFF  }
0xbf: {  	[dreg:$0x0] =	wrdreg $0xFFFFFFFF;
	(pc) =	sbr.abs _section_cstart, $3  }
0xc0: {  	[dreg:$0x1] =	wrdreg $0xFFFFFFFF  }
0xc1: {  	_ =	task.clear_ibuf [dreg:s6], $0x2FFFF;
	_ =	strace $0x9FFFFFFF  }
0xc2: {  	(tm) =	ssettm $0x7FFFFFFF  }
0xc3: {  	_ =	shalt  }
tec
execute0_lowered:
.L_overlay_start_1:
0x0: {  	(tag) =	ssettag $0x1  }
0x1: {  	s0 =	rddreg [dreg:$0x0];
	s14 =	stileid.u32  }
0x2: {  	s2 =	rddreg [dreg:$0x1];
	s4 =	smul.u32 $0x4E80, s14  }
0x3: {  	s1 =	srdreg.scid;
	s7 =	smul.u32 $0x14000, s14  }
0x4: {  	s3 =	simm.s32 $0x0;
	s28 =	simm.s32 $0x80;
	s11 =	smul.u32 $0x280, s14  }
0x5: {  	s29 =	simm.s32 $0xBD00;
	s1 =	sand.u32 $0x1, s1;
	s14 =	smul.u32 $0x28000, s14  }
0x6: {  	[smem:$0x7FF] =	sst s3;
	s6 =	sadd.s32 $0x3E200, s0;
	s5 =	smul.u32 $0x4E800, s1  }
0x7: {  	_ =	strace $0x8000004D;
	s8 =	sshll.u32 s1, $0x6;
	s23 =	ssub.s32 $0x2, s1  }
0x8: {  	s1 =	smul.u32 $0x2800, s1;
	s22 =	sor.u32 s8, s7;
	s13 =	sshrl.u32 s23, $0x1  }
0x9: {  	s24 =	sadd.s32 $0x80, s11;
	s25 =	sshrl.u32 s14, $0x2;
	s15 =	sadd.s32 $0x100, s11  }
0xa: {  	s31 =	sadd.s32 $0x180, s11;
	s16 =	sadd.s32 $0x200, s11;
	s5 =	sadd.s32 s4, s5  }
0xb: {  	s4 =	sshrl.u32 s4, $0x3;
	s7 =	sshrl.u32 s22, $0x3;
	s26 =	sshll.u32 s24, $0x6  }
0xc: {  	s30 =	sshll.u32 s15, $0x6;
	s17 =	sshll.u32 s31, $0x6;
	s18 =	sshll.u32 s16, $0x6  }
0xd: {  	s1 =	sadd.s32 s11, s1;
	s21 =	sshll.u32 s15, $0x7;
	s5 =	sshrl.u32 s5, $0x3  }
0xe: {  	s10 =	sadd.s32 s4, s0;
	s12 =	sadd.s32 s7, s0;
	s4 =	sadd.s32 $0x66200, s0  }
0xf: {  	s14 =	sadd.s32 s26, s2;
	s17 =	sadd.s32 s17, s2;
	s19 =	sadd.s32 s18, s2  }
0x10: {  	s7 =	sadd.s32 s6, s7;
	s1 =	sshll.u32 s1, $0x3;
	[dreg:$0x3] =	wrdreg s14  }
0x11: {  	s9 =	sadd.s32 s5, s0;
	s0 =	ssub.s32 s23, s13;
	[dreg:$0x5] =	wrdreg s17  }
0x12: {  	s5 =	sadd.s32 s25, s2;
	s14 =	sadd.s32 s30, s2;
	[dreg:$0x6] =	wrdreg s19  }
0x13: {  	s13 =	sshll.u32 s24, $0x7;
	[dreg:$0x7] =	wrdreg s7;
	s11 =	sadd.s32 s4, s1  }
0x14: {  	s23 =	sor.u32 s8, s21;
	s25 =	sshll.u32 s31, $0x7;
	s30 =	sshll.u32 s16, $0x7  }
0x15: {  	s21 =	sadd.s32 $0x3000, s10;
	[dreg:$0x4] =	wrdreg s14;
	s20 =	sor.u32 s8, s13  }
0x16: {  	s24 =	sadd.s32 $0x400, s11;
	s1 =	sshrl.u32 s23, $0x3;
	s26 =	sor.u32 s8, s25  }
0x17: {  	s15 =	sadd.s32 $0x800, s11;
	s17 =	sadd.s32 $0xC00, s11;
	s19 =	sadd.s32 $0x1000, s11  }
0x18: {  	s23 =	smax.u32 s0, $0x1;
	s25 =	simm.s32 $0x4;
	s7 =	sshrl.u32 s20, $0x3  }
0x19: {  	[dreg:$0x9] =	wrdreg s24;
	s1 =	sadd.s32 s6, s1;
	s20 =	sadd.s32 $0x2A800, s9  }
0x1a: {  	s24 =	simm.s32 $0x9D00;
	s22 =	sadd.s32 s6, s7;
	[dreg:$0xa] =	wrdreg s1  }
0x1b: {  	s1 =	sshrl.u32 s26, $0x3;
	s7 =	sor.u32 s8, s30;
	s26 =	simm.s32 $0x40  }
0x1c: {  	[dreg:$0x8] =	wrdreg s22;
	s16 =	sadd.s32 s6, s1;
	s31 =	sshrl.u32 s7, $0x3  }
0x1d: {  	v0 =	vimm.f32 $0.0e+00;
	s22 =	sadd.s32 $0x8E200, s12;
	s1 =	simm.s32 $0x0;
	s18 =	sadd.s32 s6, s31  }
.LBB2_1:
0x1e: {  	s6 =	simm.s32 $0x100;
	s0 =	simm.s32 $0x0  }
.LBB2_2:
0x1f: {  	p0 =	sne.s32 s6, $0x7F00;
	[tilespmem:s0+$0x9D30] =	vst v0;
	s7 =	smov.u32 s6;
	s6 =	sadd.s32 $0x100, s6  }
.Ltmp0:
0x20: {  	[tilespmem:s0+$0x9D20] =	vst v0;
	(pc) =	sbr.rel @p0 .LBB2_2-.Ltmp0, $3  }
0x21: {  	[tilespmem:s0+$0x9D00] =	vst v0  }
0x22: {  	[tilespmem:s0+$0x9D10] =	vst v0;
	_ =	sdelay $0x1  }
0x23: {  	s0 =	sshra.s32 s7, $0x2  }
0x24: {  	[tilespmem:s0+$0x9D30] =	vst v0  }
0x25: {  	[tilespmem:s0+$0x9D20] =	vst v0  }
0x26: {  	[tilespmem:s0+$0x9D00] =	vst v0  }
0x27: {  	[tilespmem:s0+$0x9D10] =	vst v0  }
0x28: {  	[spmem:s5] =	stream.linear.scatter [tilespmem:s24], [sflag:$0x4], $0x2000, $0x38;
	[tilespmem:$0x19D00] =	vst v63  }
0x29: {  	_ =	swait.ge [sflag:s25], $0x2000  }
0x2a: {  	[sflag:s25] =	ssyncset.done $0x0  }
0x2b: {  	s12 =	rddreg [dreg:$0x3];
	[sflag:s25] =	ssyncadd.s32 $0xFFFFE000  }
0x2c: {  	[spmem:s12] =	stream.linear.scatter [tilespmem:s24], [sflag:$0x4], $0x2000, $0x38;
	[tilespmem:$0x19D00] =	vst v63  }
0x2d: {  	_ =	swait.ge [sflag:s25], $0x2000  }
0x2e: {  	[sflag:s25] =	ssyncset.done $0x0  }
0x2f: {  	s13 =	rddreg [dreg:$0x4];
	[sflag:s25] =	ssyncadd.s32 $0xFFFFE000  }
0x30: {  	[spmem:s13] =	stream.linear.scatter [tilespmem:s24], [sflag:$0x4], $0x2000, $0x38;
	[tilespmem:$0x19D00] =	vst v63  }
0x31: {  	_ =	swait.ge [sflag:s25], $0x2000  }
0x32: {  	[sflag:s25] =	ssyncset.done $0x0  }
0x33: {  	s14 =	rddreg [dreg:$0x5];
	[sflag:s25] =	ssyncadd.s32 $0xFFFFE000  }
0x34: {  	[spmem:s14] =	stream.linear.scatter [tilespmem:s24], [sflag:$0x4], $0x2000, $0x38;
	[tilespmem:$0x19D00] =	vst v63  }
0x35: {  	_ =	swait.ge [sflag:s25], $0x2000  }
0x36: {  	[sflag:s25] =	ssyncset.done $0x0  }
0x37: {  	s6 =	rddreg [dreg:$0x6];
	[sflag:s25] =	ssyncadd.s32 $0xFFFFE000  }
0x38: {  	[spmem:s6] =	stream.linear.scatter [tilespmem:s24], [sflag:$0x4], $0x2000, $0x38;
	[tilespmem:$0x19D00] =	vst v63  }
0x39: {  	_ =	swait.ge [sflag:s25], $0x2000  }
0x3a: {  	[sflag:s25] =	ssyncset.done $0x0  }
0x3b: {  	s7 =	rddreg [dreg:$0x7];
	[sflag:s25] =	ssyncadd.s32 $0xFFFFE000  }
0x3c: {  	[tilespmem:s29], [sflag:$0x4] =	stream.strided.gather [hbm4b:s7+s26], $0x2000, s28, s26, $0x38;
	[tilespmem:$0x19D00] =	vst v63  }
0x3d: {  	_ =	swait.ge [sflag:s25], $0x2000  }
0x3e: {  	[sflag:s25] =	ssyncset.done $0x0  }
0x3f: {  	[sflag:s25] =	ssyncadd.s32 $0xFFFFE000  }
0x40: {  	[hbm4b:s11+s3] =	stream.linear.scatter [tilespmem:s29], [sflag:$0x4], $0x2000, $0x38;
	[tilespmem:$0x19D00] =	vst v63  }
0x41: {  	_ =	swait.ge [sflag:s25], $0x2000  }
0x42: {  	[sflag:s25] =	ssyncset.done $0x0  }
0x43: {  	s8 =	rddreg [dreg:$0x8];
	[sflag:s25] =	ssyncadd.s32 $0xFFFFE000  }
0x44: {  	[tilespmem:s29], [sflag:$0x4] =	stream.strided.gather [hbm4b:s8+s26], $0x2000, s28, s26, $0x38;
	[tilespmem:$0x19D00] =	vst v63  }
0x45: {  	_ =	swait.ge [sflag:s25], $0x2000  }
0x46: {  	[sflag:s25] =	ssyncset.done $0x0  }
0x47: {  	s9 =	rddreg [dreg:$0x9];
	[sflag:s25] =	ssyncadd.s32 $0xFFFFE000  }
0x48: {  	[hbm4b:s9+s3] =	stream.linear.scatter [tilespmem:s29], [sflag:$0x4], $0x2000, $0x38;
	[tilespmem:$0x19D00] =	vst v63  }
0x49: {  	_ =	swait.ge [sflag:s25], $0x2000  }
0x4a: {  	[sflag:s25] =	ssyncset.done $0x0  }
0x4b: {  	s10 =	rddreg [dreg:$0xa];
	[sflag:s25] =	ssyncadd.s32 $0xFFFFE000  }
0x4c: {  	[tilespmem:s29], [sflag:$0x4] =	stream.strided.gather [hbm4b:s10+s26], $0x2000, s28, s26, $0x38;
	[tilespmem:$0x19D00] =	vst v63  }
0x4d: {  	_ =	swait.ge [sflag:s25], $0x2000  }
0x4e: {  	[sflag:s25] =	ssyncset.done $0x0  }
0x4f: {  	[sflag:s25] =	ssyncadd.s32 $0xFFFFE000  }
0x50: {  	[hbm4b:s15+s3] =	stream.linear.scatter [tilespmem:s29], [sflag:$0x4], $0x2000, $0x38;
	[tilespmem:$0x19D00] =	vst v63  }
0x51: {  	_ =	swait.ge [sflag:s25], $0x2000  }
0x52: {  	[sflag:s25] =	ssyncset.done $0x0  }
0x53: {  	[sflag:s25] =	ssyncadd.s32 $0xFFFFE000  }
0x54: {  	[tilespmem:s29], [sflag:$0x4] =	stream.strided.gather [hbm4b:s16+s26], $0x2000, s28, s26, $0x38;
	[tilespmem:$0x19D00] =	vst v63  }
0x55: {  	_ =	swait.ge [sflag:s25], $0x2000  }
0x56: {  	[sflag:s25] =	ssyncset.done $0x0  }
0x57: {  	[sflag:s25] =	ssyncadd.s32 $0xFFFFE000  }
0x58: {  	[hbm4b:s17+s3] =	stream.linear.scatter [tilespmem:s29], [sflag:$0x4], $0x2000, $0x38;
	[tilespmem:$0x19D00] =	vst v63  }
0x59: {  	_ =	swait.ge [sflag:s25], $0x2000  }
0x5a: {  	[sflag:s25] =	ssyncset.done $0x0  }
0x5b: {  	[sflag:s25] =	ssyncadd.s32 $0xFFFFE000  }
0x5c: {  	[tilespmem:s29], [sflag:$0x4] =	stream.strided.gather [hbm4b:s18+s26], $0x2000, s28, s26, $0x38;
	[tilespmem:$0x19D00] =	vst v63  }
0x5d: {  	_ =	swait.ge [sflag:s25], $0x2000  }
0x5e: {  	[sflag:s25] =	ssyncset.done $0x0  }
0x5f: {  	[sflag:s25] =	ssyncadd.s32 $0xFFFFE000  }
0x60: {  	[hbm4b:s19+s3] =	stream.linear.scatter [tilespmem:s29], [sflag:$0x4], $0x2000, $0x38;
	[tilespmem:$0x19D00] =	vst v63  }
0x61: {  	_ =	swait.ge [sflag:s25], $0x2000  }
0x62: {  	s0 =	simm.s32 $0x2;
	p0 =	por $0x0, $0x0;
	[sflag:s25] =	ssyncset.done $0x0  }
0x63: {  	s0 =	smul.u32 @!p0 $0xAB, s0;
	s6 =	simm.s32 $0x0;
	[sflag:s25] =	ssyncadd.s32 $0xFFFFE000  }
0x64: {  	s6 =	smul.u32 $0xAB, s6;
	[bflag:$0x0] =	sbarrier.arrive $0xFFFF  }
0x65: {  	[tilespmem:s3], [sflag:$0x4] =	stream.linear.gather [hbm4b:s20+s3], $0x4E80, $0x38;
	[tilespmem:$0x19D00] =	vst v63  }
0x66: {  	s30 =	simm.s32 $0x4E80;
	s0 =	sshrl.u32 @!p0 s0, $0x9;
	_ =	swait.ge [sflag:s25], $0x4E80  }
0x67: {  	s0 =	sand.u32 @!p0 $0x7F, s0;
	s6 =	sshrl.u32 s6, $0x9;
	[sflag:s25] =	ssyncset.done $0x0  }
0x68: {  	s0 =	smul.u32 @!p0 $0x3, s0;
	s6 =	sand.u32 $0x7F, s6;
	[sflag:s25] =	ssyncadd.s32 $0xFFFFB180  }
0x69: {  	[tilespmem:s30], [sflag:$0x4] =	stream.linear.gather [hbm4b:s21+s3], $0x4E80, $0x38;
	[tilespmem:$0x19D00] =	vst v63  }
0x6a: {  	s0 =	ssub.s32 @!p0 $0x2, s0;
	s6 =	smul.u32 $0x3, s6;
	_ =	swait.ge [sflag:s25], $0x4E80  }
0x6b: {  	s31 =	simm.s32 $0x4F00;
	s0 =	sand.u32 @!p0 $0xFF, s0;
	[sflag:s25] =	ssyncset.done $0x0  }
0x6c: {  	s7 =	simm.s32 $0x100;
	s6 =	ssub.s32 $0x0, s6;
	[sflag:s25] =	ssyncadd.s32 $0xFFFFB180  }
0x6d: {  	[tilespmem:s24], [sflag:$0x1] =	stream.indirect.gather [hbm4b:s4+s28], $0x40, s3, s28, $0xb8;
	[tilespmem:$0x19D00] =	vst v63  }
0x6e: {  	s8 =	simm.s32 @!p0 $0x80;
	s9 =	sshll.u32 @!p0 s0, $0xD;
	s10 =	sand.u32 $0xFF, s6  }
0x6f: {  	[tilespmem:s29], [sflag:$0x2] =	stream.indirect.gather [hbm4b:s4+s28], $0x40, s28, s28, $0xb8;
	[tilespmem:$0x19D00] =	vst v63  }
0x70: {  	s0 =	sadd.s32 @!p0 $0x1, s0;
	s6 =	sor.u32 @!p0 $0x9D00, s9;
	s12 =	sadd.s32 $0x1, s10  }
0x71: {  	[tilespmem:s6], [sflag:s0] =	stream.indirect.gather @!p0 [hbm4b:s4+s8], $0x40, s7, s8, $0xb8;
	[tilespmem:$0x19D00] =	vst v63  }
0x72: {  	s13 =	sshll.u32 s10, $0xD;
	s8 =	simm.s32 $0x3;
	p0 =	por $0x0, $0x0  }
0x73: {  	s7 =	simm.s32 $0x1;
	_ =	swait.ge [sflag:s12], $0x2000;
	s9 =	smul.u32 @!p0 $0xAB, s8  }
0x74: {  	s6 =	simm.s32 $0x4;
	s14 =	smul.u32 $0xAB, s7;
	[sflag:s12] =	ssyncset.done $0x0  }
0x75: {  	s0 =	simm.s32 $0x180;
	[sflag:s12] =	ssyncadd.s32 $0xFFFFE000;
	s9 =	sshrl.u32 @!p0 s9, $0x9  }
0x76: {  	s10 =	sshrl.u32 s14, $0x9;
	s12 =	sand.u32 @!p0 $0x7F, s9;
	s9 =	sadd.s32 $0x9D00, s13  }
.LBB2_4:
0x77: {  	s10 =	sand.u32 $0x7F, s10;
	s12 =	smul.u32 @!p0 $0x3, s12;
	s13 =	smov.u32 s6  }
0x78: {  	s6 =	sadd.s32 $0x1, s6;
	s14 =	smov.u32 s30;
	s30 =	smov.u32 s31  }
0x79: {  	[spmem:s2] =	stream.indirect.scatter.add.f32 [tilespmem:s9], [sflag:$0x4], $0x40, s14, s28, $0xb8;
	[tilespmem:$0x19D00] =	vst v63  }
0x7a: {  	s9 =	smul.u32 $0x3, s10  }
0x7b: {  	s10 =	simm.s32 @!p0 $0x80;
	s8 =	ssub.s32 @!p0 s8, s12;
	_ =	swait.ge [sflag:s25], $0x2000  }
0x7c: {  	p1 =	sne.s32 s6, $0x9F;
	s8 =	sand.u32 @!p0 $0xFF, s8;
	[sflag:s25] =	ssyncset.done $0x0  }
0x7d: {  	s7 =	ssub.s32 s7, s9;
	s9 =	sshll.u32 @!p0 s8, $0xD;
	s8 =	sadd.s32 @!p0 $0x1, s8  }
0x7e: {  	s12 =	sand.u32 $0xFF, s7;
	s7 =	sor.u32 @!p0 $0x9D00, s9;
	[sflag:s25] =	ssyncadd.s32 $0xFFFFE000  }
0x7f: {  	[tilespmem:s7], [sflag:s8] =	stream.indirect.gather @!p0 [hbm4b:s4+s10], $0x40, s0, s10, $0xb8;
	[tilespmem:$0x19D00] =	vst v63  }
0x80: {  	s9 =	sshll.u32 s12, $0xD;
	s7 =	sadd.s32 $0xFFFFFFFE, s13;
	s8 =	sadd.s32 $0x1, s12  }
.Ltmp1:
0x81: {  	p0 =	sgt.u32 s7, $0x9A;
	_ =	swait.ge [sflag:s8], $0x2000;
	(pc) =	sbr.rel @p1 .LBB2_4-.Ltmp1, $4  }
0x82: {  	s10 =	smul.u32 @!p0 $0xAB, s13;
	[sflag:s8] =	ssyncset.done $0x0  }
0x83: {  	s12 =	smul.u32 $0xAB, s7;
	[sflag:s8] =	ssyncadd.s32 $0xFFFFE000;
	s8 =	smov.u32 s13  }
0x84: {  	s31 =	sadd.s32 $0x80, s31;
	s0 =	sadd.s32 $0x80, s0;
	s13 =	sshrl.u32 @!p0 s10, $0x9  }
0x85: {  	s9 =	sadd.s32 $0x9D00, s9;
	s10 =	sshrl.u32 s12, $0x9;
	s12 =	sand.u32 @!p0 $0x7F, s13  }
0x86: {  	s6 =	sand.u32 $0x7F, s10;
	s10 =	smul.u32 @!p0 $0x3, s12  }
0x87: {  	[spmem:s2] =	stream.indirect.scatter.add.f32 [tilespmem:s9], [sflag:$0x4], $0x40, s30, s28, $0xb8;
	[tilespmem:$0x19D00] =	vst v63  }
0x88: {  	s6 =	smul.u32 $0x3, s6;
	_ =	swait.ge [sflag:s25], $0x2000;
	s8 =	ssub.s32 @!p0 s8, s10  }
0x89: {  	s9 =	simm.s32 @!p0 $0x80;
	[sflag:s25] =	ssyncset.done $0x0;
	s8 =	sand.u32 @!p0 $0xFF, s8  }
0x8a: {  	s6 =	ssub.s32 s7, s6;
	[sflag:s25] =	ssyncadd.s32 $0xFFFFE000;
	s7 =	sshll.u32 @!p0 s8, $0xD  }
0x8b: {  	s8 =	sadd.s32 @!p0 $0x1, s8;
	s6 =	sand.u32 $0xFF, s6;
	s7 =	sor.u32 @!p0 $0x9D00, s7  }
0x8c: {  	[tilespmem:s7], [sflag:s8] =	stream.indirect.gather @!p0 [hbm4b:s4+s9], $0x40, s0, s9, $0xb8;
	[tilespmem:$0x19D00] =	vst v63  }
0x8d: {  	s9 =	sadd.s32 $0x1, s6  }
0x8e: {  	_ =	swait.ge [sflag:s9], $0x2000  }
0x8f: {  	s12 =	stileid.u32;
	s6 =	sshll.u32 s6, $0xD;
	[sflag:s9] =	ssyncset.done $0x0  }
0x90: {  	s13 =	sshrl.u32 s5, $0x3;
	s10 =	sadd.s32 $0x9D00, s6;
	[sflag:s9] =	ssyncadd.s32 $0xFFFFE000  }
0x91: {  	[spmem:s2] =	stream.indirect.scatter.add.f32 [tilespmem:s10], [sflag:$0x4], $0x40, s31, s28, $0xb8;
	[tilespmem:$0x19D00] =	vst v63  }
0x92: {  	s14 =	simm.s32 $0x1;
	s30 =	simm.s32 $0x10;
	_ =	swait.ge [sflag:s25], $0x2000  }
0x93: {  	s1 =	sadd.s32 $0x1, s1;
	s0 =	sshll.u32 s12, $0x6;
	[sflag:s25] =	ssyncset.done $0x0  }
0x94: {  	p0 =	sne.s32 s1, s23;
	s0 =	sor.u32 $0x1C04, s0;
	[sflag:s25] =	ssyncadd.s32 $0xFFFFE000  }
.Ltmp2:
0x95: {  	s31 =	simm.s32 $0x8;
	[bflag:$0x0] =	sbarrier.arrive $0xFFFF;
	(pc) =	sbr.rel @p0 .LBB2_1-.Ltmp2, $4  }
0x96: {  	[hbm:s22@s30], [sflag:s0] =	dma.strided [spmem:s13@s31], $0x1400, s14, $0x8   }
0x97: {  	_ =	swait.ge [sflag:s25], $0x1400  }
0x98: {  	[sflag:s25] =	ssyncset.done $0x0  }
0x99: {  	[sflag:s25] =	ssyncadd.s32 $0xFFFFEC00  }
0x9a: {  	_ =	sfence.sel $0x180000  }
0x9b: {  	[bflag:$0x0] =	sbarrier.arrive $0xFFFF  }
0x9c: {  	_ =	strace $0x9000004D  }
0x9d: {  	s0 =	stileid.u32;
	[bflag:$0x2] =	sbarrier.arrive $0xFFFF  }
0x9e: {  	p0 =	sne.s32 s0, $0x0;
	s0 =	rddreg [dreg:$0x2]  }
0x9f: {  	s0 =	sadd.s32 @!p0 $0x100000, s0  }
0xa0: {  	[sflag:s0] =	ssyncadd.tile.s32 @!p0 $0x1;
	_ =	shalt  }
.Lfunc_end2:
_tile_overlayer_lowered:
.L_overlay_start_2:
0xa1: {  	(tag) =	ssettag $0x2  }
0xa2: {  	s0 =	rddreg [dreg:$0x0];
	s2 =	stileid.u32  }
0xa3: {  	s1 =	rddreg [dreg:$0x1];
	p0 =	sne.s32 s2, $0x0  }
0xa4: {  	s3 =	rddreg [dreg:$0x2];
	[bflag:$0x3] =	sbarrier.arrive $0xFFFF;
	s2 =	simm.s32 @!p0 $0x1C04  }
0xa5: {  	[timem:s3], [sflag:s2] =	dma.local @!p0 [hbm:s0], s1  }
0xa6: {  	s0 =	simm.s32 @!p0 $0x4  }
0xa7: {  	_ =	swait.ge @!p0 [sflag:s0], s1  }
0xa8: {  	s1 =	ssub.s32 @!p0 $0x0, s1;
	[sflag:s0] =	ssyncset.done @!p0 $0x0  }
0xa9: {  	[sflag:s0] =	ssyncadd.s32 @!p0 s1  }
0xaa: {  	[bflag:$0x3] =	sbarrier.arrive $0xFFFF  }
0xab: {  	_ =	shalt  }

// kernel: kernel.8.cloned.1.call-start
scs
__scs_entry_jumppad:
0x0: {  	(pc) =	sbr.rel $0x88, $3  }
0x1: {  	(tag) =	ssettag $0x0;
	lr =	simm.s32 $0x1  }
0x2: {  	[smem:$0x3F97] =	sst lr;
	_ =	strace $0xD0000000  }
0x3: {  	_ = 	snop  }
0x4: {  	_ = 	snop  }
0x5: {  	_ = 	snop  }
0x6: {  	_ = 	snop  }
0x7: {  	_ = 	snop  }
__scs_overlays_trampoline_lowered:
0x8: {  	[smem:$0x3FA6] =	sst s0  }
0x9: {  	[smem:$0x3FA7] =	sst s1  }
0xa: {  	[smem:$0x3FA8] =	sst s2  }
0xb: {  	[smem:$0x3FA9] =	sst s3  }
0xc: {  	[smem:$0x3FAA] =	sst s4  }
0xd: {  	[smem:$0x3FAB] =	sst s5  }
0xe: {  	[smem:$0x3FAC] =	sst s6  }
0xf: {  	[smem:$0x3FAD] =	sst s7  }
0x10: {  	[smem:$0x3FAE] =	sst s8  }
0x11: {  	[smem:$0x3FAF] =	sst s9;
	s0 =	simm.s32 @!p0 $0x0  }
0x12: {  	s1 =	sld [smem:$0x3F95];
	s0 =	simm.s32 @p0 $0x1  }
0x13: {  	[smem:$0x3FB0] =	sst s0;
	s0 =	simm.s32 @!p1 $0x0  }
0x14: {  	s2 =	sld [smem:$0x3F94];
	s0 =	simm.s32 @p1 $0x1  }
0x15: {  	[smem:$0x3FB1] =	sst s0;
	s0 =	simm.s32 @!p2 $0x0  }
0x16: {  	s3 =	sld [smem:$0x3FDB];
	s0 =	simm.s32 @p2 $0x1  }
0x17: {  	s4 =	simm.s32 $0x1BF5;
	[smem:$0x3FB3] =	sst s0  }
0x18: {  	s0 =	sld [smem:$0x3F96];
	_ =	swait.ge [sflag:s4], $0x0  }
0x19: {  	s7 =	sld [smem:$0x3F97]  }
0x1a: {  	s8 =	sadd.s32 $0xFFFFE003, lr  }
0x1b: {  	s9 =	sadd.s32 $0xFFFFFEF7, lr;
	s5 =	simm.s32 $0xFFFFFFFF;
	p2 =	slt.u32 s8, $0xFFFFF086  }
0x1c: {  	p1 =	slt.u32 s9, $0xF7A;
	s5 =	simm.s32 @!p2 $0x0  }
0x1d: {  	s5 =	simm.s32 @p1 $0x1;
	p0 =	seq.s32 s7, s2  }
0x1e: {  	s7 =	smul.u32 @!p0 $0xF7A, s2;
	p2 =	seq.s32 @!p0 s5, $0x0  }
0x1f: {  	s9 =	smul.u32 $0xF7A, s1;
	s8 =	simm.s32 @!p0 $0x1BF5;
	p2 =	por !p2, p0  }
0x20: {  	[sflag:s8] =	ssyncset.s32 @!p0 $0xFFFFF086;
	s6 =	sadd.s32 @!p0 s3, s7;
	s7 =	simm.s32 @!p0 $0x108  }
0x21: {  	s3 =	sadd.s32 s3, s9;
	s6 =	sadd.s32 @!p0 $0x88, s6;
	s7 =	simm.s32 @p2 $0x1082  }
0x22: {  	[simem:s7], [sflag:s8] =	dma.local @!p0 [hbm:s6], $0xF7A  }
0x23: {  	s9 =	sor.u32 $0xD0000000, s2;
	s6 =	simm.s32 $0x108;
	_ =	swait.ge @!p0 [sflag:s8], $0x0  }
0x24: {  	s3 =	sadd.s32 $0x88, s3;
	s6 =	simm.s32 @!p1 $0x1082;
	[sflag:s4] =	ssyncset.s32 $0xFFFFF086  }
0x25: {  	[simem:s6], [sflag:s4] =	dma.local [hbm:s3], $0xF7A  }
0x26: {  	[smem:$0x3F97] =	sst s1;
	(tag) =	ssettag s2;
	_ =	strace s9  }
0x27: {  	s1 =	sld [smem:$0x3FA7]  }
0x28: {  	s2 =	sld [smem:$0x3FA8]  }
0x29: {  	s4 =	sld [smem:$0x3FAA]  }
0x2a: {  	p0 =	seq.s32 s5, $0x0;
	s5 =	sld [smem:$0x3FAB]  }
0x2b: {  	s6 =	sld [smem:$0x3FAC]  }
0x2c: {  	s7 =	sld [smem:$0x3FAD]  }
0x2d: {  	s3 =	simm.s32 $0x108;
	s8 =	sld [smem:$0x3FAE]  }
0x2e: {  	s3 =	simm.s32 @!p0 $0x1082;
	s9 =	sld [smem:$0x3FAF]  }
0x2f: {  	lr =	sadd.s32 s0, s3;
	s0 =	sld [smem:$0x3FA6]  }
0x30: {  	s3 =	sld [smem:$0x3FA9]  }
0x31: {  	[smem:$0x3FB2] =	sst s10  }
0x32: {  	s10 =	sld [smem:$0x3FB0];
	_ =	sdelay $0x3  }
0x33: {  	p0 =	seq.s32 s10, $0x1;
	s10 =	sld [smem:$0x3FB2];
	_ =	sdelay $0x3  }
0x34: {  	[smem:$0x3FB2] =	sst s10  }
0x35: {  	s10 =	sld [smem:$0x3FB1];
	_ =	sdelay $0x3  }
0x36: {  	p1 =	seq.s32 s10, $0x1;
	s10 =	sld [smem:$0x3FB2];
	_ =	sdelay $0x3  }
0x37: {  	[smem:$0x3FB2] =	sst s10  }
0x38: {  	s10 =	sld [smem:$0x3FB3]  }
0x39: {  	_ = 	snop;
	(pc) =	sbr.ind lr, $3  }
0x3a: {  	_ = 	snop  }
0x3b: {  	_ = 	snop  }
0x3c: {  	p2 =	seq.s32 s10, $0x1;
	s10 =	sld [smem:$0x3FB2]  }
0x3d: {  	_ =	shalt  }
0x3e: {  	_ =	shalt  }
0x3f: {  	_ =	shalt  }
0x40: {  	_ =	shalt  }
0x41: {  	_ =	shalt  }
0x42: {  	_ =	shalt  }
0x43: {  	_ =	shalt  }
0x44: {  	_ =	shalt  }
0x45: {  	_ =	shalt  }
0x46: {  	_ =	shalt  }
0x47: {  	_ =	shalt  }
0x48: {  	_ =	shalt  }
0x49: {  	_ =	shalt  }
0x4a: {  	_ =	shalt  }
0x4b: {  	_ =	shalt  }
0x4c: {  	_ =	shalt  }
0x4d: {  	_ =	shalt  }
0x4e: {  	_ =	shalt  }
0x4f: {  	_ =	shalt  }
0x50: {  	_ =	shalt  }
0x51: {  	_ =	shalt  }
0x52: {  	_ =	shalt  }
0x53: {  	_ =	shalt  }
0x54: {  	_ =	shalt  }
0x55: {  	_ =	shalt  }
0x56: {  	_ =	shalt  }
0x57: {  	_ =	shalt  }
0x58: {  	_ =	shalt  }
0x59: {  	_ =	shalt  }
0x5a: {  	_ =	shalt  }
0x5b: {  	_ =	shalt  }
0x5c: {  	_ =	shalt  }
0x5d: {  	_ =	shalt  }
0x5e: {  	_ =	shalt  }
0x5f: {  	_ =	shalt  }
0x60: {  	_ =	shalt  }
0x61: {  	_ =	shalt  }
0x62: {  	_ =	shalt  }
0x63: {  	_ =	shalt  }
0x64: {  	_ =	shalt  }
0x65: {  	_ =	shalt  }
0x66: {  	_ =	shalt  }
0x67: {  	_ =	shalt  }
0x68: {  	_ =	shalt  }
0x69: {  	_ =	shalt  }
0x6a: {  	_ =	shalt  }
0x6b: {  	_ =	shalt  }
0x6c: {  	_ =	shalt  }
0x6d: {  	_ =	shalt  }
0x6e: {  	_ =	shalt  }
0x6f: {  	_ =	shalt  }
0x70: {  	_ =	shalt  }
0x71: {  	_ =	shalt  }
0x72: {  	_ =	shalt  }
0x73: {  	_ =	shalt  }
0x74: {  	_ =	shalt  }
0x75: {  	_ =	shalt  }
0x76: {  	_ =	shalt  }
0x77: {  	_ =	shalt  }
0x78: {  	_ =	shalt  }
0x79: {  	_ =	shalt  }
0x7a: {  	_ =	shalt  }
0x7b: {  	_ =	shalt  }
0x7c: {  	_ =	shalt  }
0x7d: {  	_ =	shalt  }
0x7e: {  	_ =	shalt  }
0x7f: {  	_ =	shalt  }
0x80: {  	_ =	shalt  }
0x81: {  	_ =	shalt  }
0x82: {  	_ =	shalt  }
0x83: {  	_ =	shalt  }
0x84: {  	_ =	shalt  }
0x85: {  	_ =	shalt  }
0x86: {  	_ =	shalt  }
0x87: {  	_ =	shalt  }
.Lfunc_end0:
.L_simem_size_0:
called_computation_lowered:
.L_overlay_start_0:
0x88: {  	s2 =	sld [smem:$0x3FD9]  }
0x89: {  	s3 =	sld [smem:$0x3FFE];
	_ =	sdelay $0x1  }
0x8a: {  	s1 =	srdreg.scid  }
0x8b: {  	s0 =	sand.u32 $0x1, s1  }
0x8c: {  	s16 =	sshll.u32 s0, $0xA;
	s2 =	sadd.s32 s3, s2  }
0x8d: {  	s2 =	sadd.s32 s2, s16  }
0x8e: {  	[smem:$0x3FBE] =	sst s2  }
0x8f: {  	_ = 	snop  }
0x90: {  	(tm) =	ssettm $0x1  }
0x91: {  	s17 =	sld [smem:$0x3FFB];
	_ =	sdelay $0x3  }
0x92: {  	_ =	strace s17  }
0x93: {  	s2 =	sld [smem:$0x3FFC];
	_ =	sdelay $0x3  }
0x94: {  	_ =	strace s2  }
0x95: {  	s2 =	sld [smem:$0x3FFD];
	_ =	sdelay $0x3  }
0x96: {  	_ =	strace s2  }
0x97: {  	_ =	strace $0x8FFFFFFF  }
0x98: {  	s18 =	sld [smem:$0x3FDB];
	_ =	sdelay $0x1  }
0x99: {  	s19 =	simm.s32 $_scs_section_size  }
0x9a: {  	s4 =	simm.s32 $_size__tile_overlayer_lowered;
	s5 =	simm.s32 $_tile_overlayer_lowered  }
0x9b: {  	s22 =	simm.s32 $0x1BFF;
	s21 =	sshll.u32 s5, $0x1;
	s2 =	sadd.s32 s19, s18  }
0x9c: {  	s6 =	simm.s32 $0x0;
	s20 =	sshll.u32 s4, $0x1;
	s4 =	sadd.s32 s21, s2  }
0x9d: {  	[timem:s6], [sflag:s22] =	dma.local [hbm:s4], s20  }
0x9e: {  	_ =	swait.ge [sflag:s22], s20  }
0x9f: {  	s3 =	ssub.s32 $0x0, s20;
	[sflag:s22] =	ssyncset.done $0x0  }
0xa0: {  	[sflag:s22] =	ssyncadd.s32 s3;
	_ =	sdelay $0x1  }
0xa1: {  	s23 =	simm.s32 $0x1B8B  }
0xa2: {  	_ =	swait.ge [sflag:s23], $0x1  }
0xa3: {  	[sflag:s23] =	ssyncset.done $0x0  }
0xa4: {  	s25 =	simm.s32 $0x1B8E;
	s24 =	sld [smem:$0x3FFE];
	[sflag:s23] =	ssyncadd.s32 $0xFFFFFFFF  }
0xa5: {  	s26 =	simm.s32 $execute0_lowered;
	[smem:$0x3FD2] =	sst s25  }
0xa6: {  	s4 =	sshll.u32 s26, $0x1;
	_ =	strace $0x80000046;
	[dreg:$0x1] =	wrdreg $0xFFFFFFFF  }
0xa7: {  	s28 =	simm.s32 $_size_execute0_lowered;
	s2 =	sadd.s32 s2, s4;
	[dreg:$0x0] =	wrdreg $0x0  }
0xa8: {  	s4 =	sshll.u32 s28, $0x1;
	[dreg:$0x2] =	wrdreg s2  }
0xa9: {  	[dreg:$0x3] =	wrdreg s4  }
0xaa: {  	[dreg:$0x4] =	wrdreg $0xC0  }
0xab: {  	_ =	task [dreg:s6], $0x5FFFF  }
0xac: {  	[dreg:$0x1] =	wrdreg $0xFFFFFFFF  }
0xad: {  	[dreg:$0x0] =	wrdreg $0x60  }
0xae: {  	[dreg:$0x2] =	wrdreg s24  }
0xaf: {  	[dreg:$0x3] =	wrdreg $0xCD000  }
0xb0: {  	[dreg:$0x4] =	wrdreg $0x9  }
0xb1: {  	_ =	task.clear_ibuf [dreg:s6], $0x5FFFF;
	_ =	strace $0x90000046  }
0xb2: {  	s29 =	simm.s32 $0x9;
	_ =	strace $0x80000048  }
0xb3: {  	_ =	swait.ge [sflag:s29], $0x1  }
0xb4: {  	[sflag:s29] =	ssyncadd.s32 $0xFFFFFFFF  }
0xb5: {  	_ =	strace $0x90000048  }
0xb6: {  	_ =	sfence  }
0xb7: {  	s30 =	sld [smem:$0x0];
	_ =	sdelay $0x2  }
0xb8: {  	s31 =	sshll.u32 s1, $0xD;
	s1 =	sshrl.u32 s1, $0x2  }
0xb9: {  	s3 =	sand.u32 $0x4000, s31;
	s1 =	sadd.s32 s1, s30  }
0xba: {  	s0 =	sor.u32 s3, s0;
	s1 =	sshll.u32 s1, $0x11  }
0xbb: {  	s0 =	sor.u32 s1, s0  }
0xbc: {  	s0 =	sadd.s32 $0x8F2B, s0  }
0xbd: {  	[sflag:s0] =	ssyncadd.remote.s32 $0x1  }
0xbe: {  	_ =	sfence.sel $0xFFFF  }
0xbf: {  	[dreg:$0x0] =	wrdreg $0xFFFFFFFF;
	(pc) =	sbr.abs _section_cstart, $3  }
0xc0: {  	[dreg:$0x1] =	wrdreg $0xFFFFFFFF  }
0xc1: {  	_ =	task.clear_ibuf [dreg:s6], $0x2FFFF;
	_ =	strace $0x9FFFFFFF  }
0xc2: {  	(tm) =	ssettm $0x7FFFFFFF  }
0xc3: {  	_ =	shalt  }
tec
execute0_lowered:
.L_overlay_start_1:
0x0: {  	(tag) =	ssettag $0x1  }
0x1: {  	s4 =	rddreg [dreg:$0x0]  }
0x2: {  	s2 =	rddreg [dreg:$0x1]  }
0x3: {  	s0 =	rddreg [dreg:$0x2];
	s1 =	stileid.u32  }
0x4: {  	s6 =	srdreg.scid;
	s3 =	simm.s32 $0x0;
	s5 =	smul.u32 $0x13A0, s1  }
0x5: {  	s13 =	simm.s32 $0x9D00;
	s6 =	sand.u32 $0x1, s6;
	s7 =	smul.u32 $0x280, s1  }
0x6: {  	[smem:$0x7FF] =	sst s3;
	s9 =	smul.u32 $0xA000, s1;
	s14 =	sshll.u32 s1, $0x6  }
0x7: {  	s8 =	smul.u32 $0x2800, s6;
	_ =	strace $0x80000047;
	s30 =	ssub.s32 $0x2, s6  }
0x8: {  	s12 =	smul.u32 $0x13A00, s6;
	s14 =	sor.u32 $0x1C01, s14;
	s10 =	sadd.s32 s5, s4  }
0x9: {  	s11 =	sshrl.u32 s30, $0x1;
	s9 =	sshrl.u32 s9, $0x2;
	s7 =	sadd.s32 s7, s8  }
0xa: {  	s11 =	ssub.s32 s30, s11;
	s6 =	sadd.s32 $0xCE00, s10;
	s8 =	sshll.u32 s7, $0x1  }
0xb: {  	s10 =	simm.s32 $0xA500;
	s31 =	sshll.u32 s7, $0x4;
	s8 =	sadd.s32 s8, s4  }
0xc: {  	s4 =	sadd.s32 s9, s2;
	s15 =	sadd.s32 s31, s2;
	s9 =	sshrl.u32 s12, $0x2  }
0xd: {  	s12 =	simm.s32 $0x80;
	s5 =	sadd.s32 $0x28000, s4;
	s7 =	sadd.s32 $0x20800, s8  }
0xe: {  	v0 =	vimm.f32 $1.000000000e+00;
	v1 =	vimm.f32 $0.0e+00;
	s8 =	smax.u32 s11, $0x1;
	s11 =	simm.s32 $0x1;
	s15 =	sshrl.u32 s15, $0x3  }
.LBB2_1:
0xf: {  	s16 =	simm.s32 $0x0  }
.LBB2_2:
0x10: {  	p0 =	sne.s32 s16, $0x1FC0  }
.Ltmp0:
0x11: {  	_ = 	snop;
	(pc) =	sbr.rel @p0 .LBB2_2-.Ltmp0, $3  }
0x12: {  	_ =	sdelay $0x1  }
0x13: {  	s17 =	sshra.s32 s16, $0x2  }
0x14: {  	s16 =	sadd.s32 $0x40, s16;
	[tilespmem:s17+$0x9D00] =	vst v0  }
0x15: {  	s16 =	simm.s32 $0x40;
	s17 =	simm.s32 $0x0  }
.LBB2_4:
0x16: {  	p0 =	sne.s32 s16, $0x9FC0;
	[tilespmem:s17+$0xA500] =	vst v1;
	s17 =	smov.u32 s16;
	s16 =	sadd.s32 $0x40, s16  }
.Ltmp1:
0x17: {  	(pc) =	sbr.rel @p0 .LBB2_4-.Ltmp1, $2  }
0x18: {  	_ =	sdelay $0x2  }
0x19: {  	s17 =	sshra.s32 s17, $0x2  }
0x1a: {  	[tilespmem:s17+$0xA500] =	vst v1  }
0x1b: {  	[spmem:s4] =	stream.linear.scatter [tilespmem:s10], [sflag:$0x1], $0x2800, $0x38;
	[tilespmem:$0x11D00] =	vst v63  }
0x1c: {  	_ =	swait.ge [sflag:s11], $0x2800  }
0x1d: {  	[sflag:s11] =	ssyncset.done $0x0  }
0x1e: {  	[sflag:s11] =	ssyncadd.s32 $0xFFFFD800  }
0x1f: {  	[spmem:s5] =	stream.linear.scatter [tilespmem:s10], [sflag:$0x1], $0x2800, $0x38;
	[tilespmem:$0x11D00] =	vst v63  }
0x20: {  	_ =	swait.ge [sflag:s11], $0x2800  }
0x21: {  	[sflag:s11] =	ssyncset.done $0x0  }
0x22: {  	[sflag:s11] =	ssyncadd.s32 $0xFFFFD800  }
0x23: {  	s16 =	simm.s32 $0x0;
	[bflag:$0x0] =	sbarrier.arrive $0xFFFF  }
0x24: {  	[tilespmem:s16], [sflag:$0x1] =	stream.linear.gather [hbm4b:s6+s16], $0x9D00, $0x38;
	[tilespmem:$0x11D00] =	vst v63  }
0x25: {  	_ =	swait.ge [sflag:s11], $0x9D00  }
0x26: {  	[sflag:s11] =	ssyncset.done $0x0  }
0x27: {  	s31 =	sadd.s32 $0x0, s9;
	[sflag:s11] =	ssyncadd.s32 $0xFFFF6300  }
0x28: {  	[spmem:s2] =	stream.indirect.scatter.add.f32 [tilespmem:s13], [sflag:$0x1], $0x10, s31, s12, $0xb8;
	[tilespmem:$0x11D00] =	vst v63  }
0x29: {  	s16 =	simm.s32 $0x200;
	_ =	swait.ge [sflag:s11], $0x800  }
.LBB2_6:
0x2a: {  	s17 =	sshra.s32 s16, $0x2;
	[sflag:s11] =	ssyncset.done $0x0;
	p0 =	sne.s32 s16, $0x13800  }
.Ltmp2:
0x2b: {  	s17 =	sadd.s32 s17, s9;
	[sflag:s11] =	ssyncadd.s32 $0xFFFFF800;
	(pc) =	sbr.rel @p0 .LBB2_6-.Ltmp2, $3  }
0x2c: {  	[spmem:s2] =	stream.indirect.scatter.add.f32 [tilespmem:s13], [sflag:$0x1], $0x10, s17, s12, $0xb8;
	[tilespmem:$0x11D00] =	vst v63  }
0x2d: {  	s16 =	sadd.s32 $0x200, s16;
	_ =	sdelay $0x1  }
0x2e: {  	_ =	swait.ge [sflag:s11], $0x800  }
0x2f: {  	[sflag:s11] =	ssyncset.done $0x0;
	s3 =	sadd.s32 $0x1, s3  }
0x30: {  	[sflag:s11] =	ssyncadd.s32 $0xFFFFF800;
	p0 =	sne.s32 s3, s8  }
.Ltmp3:
0x31: {  	[bflag:$0x0] =	sbarrier.arrive $0xFFFF;
	(pc) =	sbr.rel @p0 .LBB2_1-.Ltmp3, $4  }
0x32: {  	[hbm:s7], [sflag:s14] =	dma.local [spmem:s15], $0x500  }
0x33: {  	_ =	swait.ge [sflag:s11], $0x500  }
0x34: {  	[sflag:s11] =	ssyncset.done $0x0  }
0x35: {  	[sflag:s11] =	ssyncadd.s32 $0xFFFFFB00  }
0x36: {  	_ =	sfence.sel $0x180000  }
0x37: {  	[bflag:$0x0] =	sbarrier.arrive $0xFFFF  }
0x38: {  	p0 =	sne.s32 s1, $0x0;
	_ =	strace $0x90000047  }
0x39: {  	s0 =	sadd.s32 @!p0 $0x100000, s0;
	[bflag:$0x2] =	sbarrier.arrive $0xFFFF  }
0x3a: {  	[sflag:s0] =	ssyncadd.tile.s32 @!p0 $0x1;
	_ =	shalt  }
.Lfunc_end2:
_tile_overlayer_lowered:
.L_overlay_start_2:
0x3b: {  	(tag) =	ssettag $0x2  }
0x3c: {  	s0 =	rddreg [dreg:$0x0];
	s2 =	stileid.u32  }
0x3d: {  	s1 =	rddreg [dreg:$0x1];
	p0 =	sne.s32 s2, $0x0  }
0x3e: {  	s3 =	rddreg [dreg:$0x2];
	[bflag:$0x3] =	sbarrier.arrive $0xFFFF;
	s2 =	simm.s32 @!p0 $0x1C01  }
0x3f: {  	[timem:s3], [sflag:s2] =	dma.local @!p0 [hbm:s0], s1  }
0x40: {  	s0 =	simm.s32 @!p0 $0x1  }
0x41: {  	_ =	swait.ge @!p0 [sflag:s0], s1  }
0x42: {  	s1 =	ssub.s32 @!p0 $0x0, s1;
	[sflag:s0] =	ssyncset.done @!p0 $0x0  }
0x43: {  	[sflag:s0] =	ssyncadd.s32 @!p0 s1  }
0x44: {  	[bflag:$0x3] =	sbarrier.arrive $0xFFFF  }
0x45: {  	_ =	shalt  }

</sc_bundles>
